<compile_context>
chip_gen: v7x
topology: tpu7x:2x2x1
jax: 0.10.2.dev20260603
libtpu: 0.0.44.dev20260713+nightly
codegen_flags: <defaults>
</compile_context>

<pallas_src>
import functools

import jax
import jax.numpy as jnp
from jax import lax
from jax.experimental import pallas as pl
from jax.experimental.pallas import tpu as pltpu
from jax.experimental.pallas import tpu_sc as plsc

N_VOCAB = 4 * 10 ** 6
DIM = 5
LANES = 128
T_ROWS = N_VOCAB // LANES
BLKR = 2048
BLKL = BLKR * LANES

B_TOTAL = 16384 * 200
IDX_COLS = 128
NC, NS = 2, 16
NW = NC * NS
K = 16
CHUNK = K * IDX_COLS
N_CHUNKS = B_TOTAL // (NW * CHUNK)
SUBS = 16384 // CHUNK


def _fuse_body(embT_ref, wcol_ref, b_ref, out_ref):
    x = embT_ref[...]
    xr = x.reshape(DIM * BLKR, LANES)
    acc = xr[0:BLKR] * wcol_ref[0, 0]
    for k in range(1, DIM):
        acc = acc + xr[k * BLKR:(k + 1) * BLKR] * wcol_ref[k, 0]
    out_ref[...] = acc + b_ref[0]


def _fuse_table(embT, W, b):
    grid = (N_VOCAB + BLKL - 1) // BLKL
    return pl.pallas_call(
        _fuse_body,
        grid=(grid,),
        in_specs=[
            pl.BlockSpec((DIM, BLKL), lambda i: (0, i)),
            pl.BlockSpec(memory_space=pltpu.SMEM),
            pl.BlockSpec(memory_space=pltpu.SMEM),
        ],
        out_specs=pl.BlockSpec((BLKR, LANES), lambda i: (i, 0)),
        out_shape=jax.ShapeDtypeStruct((T_ROWS, LANES), jnp.float32),
    )(embT, W.T, b)


def _gather_body(t_hbm, idx_hbm, out_hbm, idx_v0, idx_v1, idx_v2,
                 val_v0, val_v1, val_v2,
                 isem0, isem1, isem2, gsem0, gsem1, gsem2,
                 osem0, osem1, osem2):
    idx_v = (idx_v0, idx_v1, idx_v2)
    val_v = (val_v0, val_v1, val_v2)
    isem = (isem0, isem1, isem2)
    gsem = (gsem0, gsem1, gsem2)
    osem = (osem0, osem1, osem2)
    wid = lax.axis_index("s") * NC + lax.axis_index("c")
    base = wid * N_CHUNKS

    def start_idx(c, b):
        g = base + c
        pltpu.async_copy(
            idx_hbm.at[g // SUBS].at[pl.ds((g % SUBS) * CHUNK, CHUNK)],
            idx_v[b], isem[b])

    def wait_idx(b):
        pltpu.make_async_copy(idx_hbm.at[0].at[pl.ds(0, CHUNK)],
                              idx_v[b], isem[b]).wait()

    def fire(c, b):
        del c
        for j in range(K):
            sl = pl.ds(j * IDX_COLS, IDX_COLS)
            pltpu.async_copy(t_hbm.at[idx_v[b].at[sl]],
                             val_v[b].at[sl], gsem[b])

    def drain(b):
        pltpu.make_async_copy(out_hbm.at[0].at[pl.ds(0, CHUNK)], val_v[b],
                              gsem[b]).wait()

    def start_out(c, b):
        g = base + c
        pltpu.async_copy(val_v[b],
                         out_hbm.at[g // SUBS].at[pl.ds((g % SUBS) * CHUNK,
                                                        CHUNK)],
                         osem[b])

    def wait_out(b):
        pltpu.make_async_copy(val_v[b], out_hbm.at[0].at[pl.ds(0, CHUNK)],
                              osem[b]).wait()

    def step(c, b):
        b2 = (b + 2) % 3
        wait_out(b2)
        wait_idx(b2)
        fire(c + 2, b2)
        drain(b)
        start_out(c, b)
        start_idx(c + 3, b)

    start_idx(0, 0)
    start_idx(1, 1)
    start_idx(2, 2)
    wait_idx(0)
    fire(0, 0)
    wait_idx(1)
    fire(1, 1)
    wait_idx(2)
    fire(2, 2)
    drain(0)
    start_out(0, 0)
    start_idx(3, 0)

    def triple(g, carry):
        step(3 * g + 1, 1)
        step(3 * g + 2, 2)
        step(3 * g + 3, 0)
        return carry

    lax.fori_loop(0, (N_CHUNKS - 5) // 3, triple, 0)

    c = N_CHUNKS - 4
    step(c, 1)
    c = N_CHUNKS - 3
    wait_out(1)
    wait_idx(1)
    fire(c + 2, 1)
    drain(2)
    start_out(c, 2)
    c = N_CHUNKS - 2
    wait_out(2)
    drain(0)
    start_out(c, 0)
    c = N_CHUNKS - 1
    drain(1)
    start_out(c, 1)
    wait_out(0)
    wait_out(1)


@functools.cache
def _gather_kernel():
    return pl.kernel(
        _gather_body,
        mesh=plsc.VectorSubcoreMesh(core_axis_name="c", subcore_axis_name="s"),
        out_type=jax.ShapeDtypeStruct((200, 16384), jnp.float32),
        scratch_types=(
            [pltpu.VMEM((CHUNK,), jnp.int32)] * 3
            + [pltpu.VMEM((CHUNK,), jnp.float32)] * 3
            + [pltpu.SemaphoreType.DMA] * 9
        ),
    )


def kernel(input, emb, W, b):
    t = _fuse_table(emb.T, W, b)
    idx = input.T.astype(jnp.int32)
    out = _gather_kernel()(t.reshape(N_VOCAB), idx)
    return out.T.reshape(16384, 200, 1)

# --- scband reference (transcript-rebuilt; emitter-appended) ---
"""Pipeline reference for scband-some-model-11879879542907 (READ-ONLY COPY).

The authoritative reference and input builder live on the scoring server;
editing this copy changes nothing except your own understanding.
"""

import jax, jax.numpy as jnp
import numpy as np

N_VOCAB = 4 * 10 ** 6
DIM = 5

def setup_inputs(seed: int = 0) -> dict:
    key = jax.random.key(seed)
    k1, k2, k3, k4 = jax.random.split(key, 4)
    input = jax.random.randint(k1, (16384, 200), 0, N_VOCAB, dtype=jnp.int64)
    emb = jax.random.normal(k2, (N_VOCAB, DIM), dtype=jnp.float32)
    bound = 1.0 / np.sqrt(DIM)
    W = jax.random.uniform(k3, (1, DIM), minval=-bound, maxval=bound, dtype=jnp.float32)
    b = jax.random.uniform(k4, (1,), minval=-bound, maxval=bound, dtype=jnp.float32)
    return {"input": input, "emb": emb, "W": W, "b": b}

def reference(input, emb, W, b):
    # nn.Embedding: gather rows
    x = jnp.take(emb, input, axis=0)  # [B, L, DIM]
    # nn.Linear(dim, 1): x @ W^T + b
    out = jnp.dot(x, W.T) + b  # [B, L, 1]
    return out

if __name__ == "__main__":
    import jax
    _d = setup_inputs()
    print(jax.jit(kernel)(*tuple(_d.values())))

</pallas_src>

<mosaic_0001>
#map = affine_map<(d0, d1) -> (0)>
#map1 = affine_map<(d0, d1) -> (0, 0)>
module attributes {stable_mosaic.version = 14 : i64} {
  func.func @_gather_body(%arg0: i32, %arg1: i32, %arg2: memref<4000000xf32, #tpu.memory_space<hbm>>, %arg3: memref<200x16384xi32, #tpu.memory_space<hbm>>, %arg4: memref<200x16384xf32, #tpu.memory_space<hbm>>, %arg5: memref<2048xi32, #tpu.memory_space<vmem>>, %arg6: memref<2048xi32, #tpu.memory_space<vmem>>, %arg7: memref<2048xi32, #tpu.memory_space<vmem>>, %arg8: memref<2048xf32, #tpu.memory_space<vmem>>, %arg9: memref<2048xf32, #tpu.memory_space<vmem>>, %arg10: memref<2048xf32, #tpu.memory_space<vmem>>, %arg11: memref<!tpu.dma_semaphore, #tpu.memory_space<semaphore_mem>>, %arg12: memref<!tpu.dma_semaphore, #tpu.memory_space<semaphore_mem>>, %arg13: memref<!tpu.dma_semaphore, #tpu.memory_space<semaphore_mem>>, %arg14: memref<!tpu.dma_semaphore, #tpu.memory_space<semaphore_mem>>, %arg15: memref<!tpu.dma_semaphore, #tpu.memory_space<semaphore_mem>>, %arg16: memref<!tpu.dma_semaphore, #tpu.memory_space<semaphore_mem>>, %arg17: memref<!tpu.dma_semaphore, #tpu.memory_space<semaphore_mem>>, %arg18: memref<!tpu.dma_semaphore, #tpu.memory_space<semaphore_mem>>, %arg19: memref<!tpu.dma_semaphore, #tpu.memory_space<semaphore_mem>>) attributes {dimension_semantics = [#tpu.dimension_semantics<core_parallel>, #tpu.dimension_semantics<subcore_parallel>], iteration_bounds = array<i64: 2, 16>, scalar_prefetch = 0 : i64, scratch_operands = 15 : i64, tpu.core_type = #tpu.core_type<sc_vector_subcore>, window_params = [{transform_indices = #map}, {transform_indices = #map1}, {transform_indices = #map1}]} {
    %mul3A = arith.constant 2 : i32
    %mul3A_0 = arith.muli %arg1, %mul3A : i32
    %add3A = arith.addi %mul3A_0, %arg0 : i32
    %mul3A_1 = arith.constant 50 : i32
    %mul3A_2 = arith.muli %add3A, %mul3A_1 : i32
    %add3A_3 = arith.constant 0 : i32
    %add3A_4 = arith.addi %mul3A_2, %add3A_3 : i32
    %jit3A = arith.constant 8 : i32
    %div3A = arith.divsi %add3A_4, %jit3A : i32
    %sign3A = arith.constant 0 : i32
    %sign3A_5 = arith.cmpi sgt, %add3A_4, %sign3A : i32
    %sign3A_6 = arith.extui %sign3A_5 : i1 to i32
    %sign3A_7 = arith.constant 0 : i32
    %sign3A_8 = arith.cmpi slt, %add3A_4, %sign3A_7 : i32
    %sign3A_9 = arith.extui %sign3A_8 : i1 to i32
    %sign3A_10 = arith.subi %sign3A_6, %sign3A_9 : i32
    %sign3A_11 = arith.constant 0 : i32
    %sign3A_12 = arith.cmpi sgt, %jit3A, %sign3A_11 : i32
    %sign3A_13 = arith.extui %sign3A_12 : i1 to i32
    %sign3A_14 = arith.constant 0 : i32
    %sign3A_15 = arith.cmpi slt, %jit3A, %sign3A_14 : i32
    %sign3A_16 = arith.extui %sign3A_15 : i1 to i32
    %sign3A_17 = arith.subi %sign3A_13, %sign3A_16 : i32
    %ne3A = arith.cmpi ne, %sign3A_10, %sign3A_17 : i32
    %rem3A = arith.remsi %add3A_4, %jit3A : i32
    %ne3A_18 = arith.constant 0 : i32
    %ne3A_19 = arith.cmpi ne, %rem3A, %ne3A_18 : i32
    %and3A = arith.andi %ne3A, %ne3A_19 : i1
    %sub3A = arith.constant 1 : i32
    %sub3A_20 = arith.subi %div3A, %sub3A : i32
    %select_n3A = arith.select %and3A, %sub3A_20, %div3A : i32
    %jit3A_21 = arith.constant 8 : i32
    %eq3A = arith.constant 0 : i32
    %eq3A_22 = arith.cmpi eq, %jit3A_21, %eq3A : i32
    %jit3A_23 = arith.constant 1 : i32
    %select_n3A_24 = arith.select %eq3A_22, %jit3A_23, %jit3A_21 : i32
    %rem3A_25 = arith.remsi %add3A_4, %select_n3A_24 : i32
    %ne3A_26 = arith.constant 0 : i32
    %ne3A_27 = arith.cmpi ne, %rem3A_25, %ne3A_26 : i32
    %lt3A = arith.constant 0 : i32
    %lt3A_28 = arith.cmpi slt, %rem3A_25, %lt3A : i32
    %lt3A_29 = arith.constant 0 : i32
    %lt3A_30 = arith.cmpi slt, %select_n3A_24, %lt3A_29 : i32
    %ne3A_31 = arith.xori %lt3A_28, %lt3A_30 : i1
    %and3A_32 = arith.andi %ne3A_31, %ne3A_27 : i1
    %add3A_33 = arith.addi %rem3A_25, %select_n3A_24 : i32
    %select_n3A_34 = arith.select %and3A_32, %add3A_33, %rem3A_25 : i32
    %mul3A_35 = arith.constant 2048 : i32
    %mul3A_36 = arith.muli %select_n3A_34, %mul3A_35 : i32
    %dma_start3A = arith.constant 0 : i32
    %dma_start3A_37 = tpu.memref_slice %arg3[%select_n3A, %dma_start3A] : memref<200x16384xi32, #tpu.memory_space<hbm>> -> memref<1x16384xi32, #tpu.memory_space<hbm>>
    %dma_start3A_38 = tpu.memref_squeeze %dma_start3A_37 : memref<1x16384xi32, #tpu.memory_space<hbm>> -> memref<16384xi32, #tpu.memory_space<hbm>>
    %dma_start3A_39 = tpu.memref_slice %dma_start3A_38[%mul3A_36] : memref<16384xi32, #tpu.memory_space<hbm>> -> memref<2048xi32, #tpu.memory_space<hbm>>
    %dma_start3A_40 = arith.constant 0 : i32
    %dma_start3A_41 = tpu.memref_slice %arg3[%select_n3A, %dma_start3A_40] : memref<200x16384xi32, #tpu.memory_space<hbm>> -> memref<1x16384xi32, #tpu.memory_space<hbm>>
    %dma_start3A_42 = tpu.memref_squeeze %dma_start3A_41 : memref<1x16384xi32, #tpu.memory_space<hbm>> -> memref<16384xi32, #tpu.memory_space<hbm>>
    %dma_start3A_43 = tpu.memref_slice %dma_start3A_42[%mul3A_36] : memref<16384xi32, #tpu.memory_space<hbm>> -> memref<2048xi32, #tpu.memory_space<hbm>>
    tpu.enqueue_dma source(%dma_start3A_43 : memref<2048xi32, #tpu.memory_space<hbm>>) target(%arg5 : memref<2048xi32, #tpu.memory_space<vmem>>) target_semaphore(%arg11 : memref<!tpu.dma_semaphore, #tpu.memory_space<semaphore_mem>>)
    %add3A_44 = arith.constant 1 : i32
    %add3A_45 = arith.addi %mul3A_2, %add3A_44 : i32
    %jit3A_46 = arith.constant 8 : i32
    %div3A_47 = arith.divsi %add3A_45, %jit3A_46 : i32
    %sign3A_48 = arith.constant 0 : i32
    %sign3A_49 = arith.cmpi sgt, %add3A_45, %sign3A_48 : i32
    %sign3A_50 = arith.extui %sign3A_49 : i1 to i32
    %sign3A_51 = arith.constant 0 : i32
    %sign3A_52 = arith.cmpi slt, %add3A_45, %sign3A_51 : i32
    %sign3A_53 = arith.extui %sign3A_52 : i1 to i32
    %sign3A_54 = arith.subi %sign3A_50, %sign3A_53 : i32
    %sign3A_55 = arith.constant 0 : i32
    %sign3A_56 = arith.cmpi sgt, %jit3A_46, %sign3A_55 : i32
    %sign3A_57 = arith.extui %sign3A_56 : i1 to i32
    %sign3A_58 = arith.constant 0 : i32
    %sign3A_59 = arith.cmpi slt, %jit3A_46, %sign3A_58 : i32
    %sign3A_60 = arith.extui %sign3A_59 : i1 to i32
    %sign3A_61 = arith.subi %sign3A_57, %sign3A_60 : i32
    %ne3A_62 = arith.cmpi ne, %sign3A_54, %sign3A_61 : i32
    %rem3A_63 = arith.remsi %add3A_45, %jit3A_46 : i32
    %ne3A_64 = arith.constant 0 : i32
    %ne3A_65 = arith.cmpi ne, %rem3A_63, %ne3A_64 : i32
    %and3A_66 = arith.andi %ne3A_62, %ne3A_65 : i1
    %sub3A_67 = arith.constant 1 : i32
    %sub3A_68 = arith.subi %div3A_47, %sub3A_67 : i32
    %select_n3A_69 = arith.select %and3A_66, %sub3A_68, %div3A_47 : i32
    %jit3A_70 = arith.constant 8 : i32
    %eq3A_71 = arith.constant 0 : i32
    %eq3A_72 = arith.cmpi eq, %jit3A_70, %eq3A_71 : i32
    %jit3A_73 = arith.constant 1 : i32
    %select_n3A_74 = arith.select %eq3A_72, %jit3A_73, %jit3A_70 : i32
    %rem3A_75 = arith.remsi %add3A_45, %select_n3A_74 : i32
    %ne3A_76 = arith.constant 0 : i32
    %ne3A_77 = arith.cmpi ne, %rem3A_75, %ne3A_76 : i32
    %lt3A_78 = arith.constant 0 : i32
    %lt3A_79 = arith.cmpi slt, %rem3A_75, %lt3A_78 : i32
    %lt3A_80 = arith.constant 0 : i32
    %lt3A_81 = arith.cmpi slt, %select_n3A_74, %lt3A_80 : i32
    %ne3A_82 = arith.xori %lt3A_79, %lt3A_81 : i1
    %and3A_83 = arith.andi %ne3A_82, %ne3A_77 : i1
    %add3A_84 = arith.addi %rem3A_75, %select_n3A_74 : i32
    %select_n3A_85 = arith.select %and3A_83, %add3A_84, %rem3A_75 : i32
    %mul3A_86 = arith.constant 2048 : i32
    %mul3A_87 = arith.muli %select_n3A_85, %mul3A_86 : i32
    %dma_start3A_88 = arith.constant 0 : i32
    %dma_start3A_89 = tpu.memref_slice %arg3[%select_n3A_69, %dma_start3A_88] : memref<200x16384xi32, #tpu.memory_space<hbm>> -> memref<1x16384xi32, #tpu.memory_space<hbm>>
    %dma_start3A_90 = tpu.memref_squeeze %dma_start3A_89 : memref<1x16384xi32, #tpu.memory_space<hbm>> -> memref<16384xi32, #tpu.memory_space<hbm>>
    %dma_start3A_91 = tpu.memref_slice %dma_start3A_90[%mul3A_87] : memref<16384xi32, #tpu.memory_space<hbm>> -> memref<2048xi32, #tpu.memory_space<hbm>>
    %dma_start3A_92 = arith.constant 0 : i32
    %dma_start3A_93 = tpu.memref_slice %arg3[%select_n3A_69, %dma_start3A_92] : memref<200x16384xi32, #tpu.memory_space<hbm>> -> memref<1x16384xi32, #tpu.memory_space<hbm>>
    %dma_start3A_94 = tpu.memref_squeeze %dma_start3A_93 : memref<1x16384xi32, #tpu.memory_space<hbm>> -> memref<16384xi32, #tpu.memory_space<hbm>>
    %dma_start3A_95 = tpu.memref_slice %dma_start3A_94[%mul3A_87] : memref<16384xi32, #tpu.memory_space<hbm>> -> memref<2048xi32, #tpu.memory_space<hbm>>
    tpu.enqueue_dma source(%dma_start3A_95 : memref<2048xi32, #tpu.memory_space<hbm>>) target(%arg6 : memref<2048xi32, #tpu.memory_space<vmem>>) target_semaphore(%arg12 : memref<!tpu.dma_semaphore, #tpu.memory_space<semaphore_mem>>)
    %add3A_96 = arith.constant 2 : i32
    %add3A_97 = arith.addi %mul3A_2, %add3A_96 : i32
    %jit3A_98 = arith.constant 8 : i32
    %div3A_99 = arith.divsi %add3A_97, %jit3A_98 : i32
    %sign3A_100 = arith.constant 0 : i32
    %sign3A_101 = arith.cmpi sgt, %add3A_97, %sign3A_100 : i32
    %sign3A_102 = arith.extui %sign3A_101 : i1 to i32
    %sign3A_103 = arith.constant 0 : i32
    %sign3A_104 = arith.cmpi slt, %add3A_97, %sign3A_103 : i32
    %sign3A_105 = arith.extui %sign3A_104 : i1 to i32
    %sign3A_106 = arith.subi %sign3A_102, %sign3A_105 : i32
    %sign3A_107 = arith.constant 0 : i32
    %sign3A_108 = arith.cmpi sgt, %jit3A_98, %sign3A_107 : i32
    %sign3A_109 = arith.extui %sign3A_108 : i1 to i32
    %sign3A_110 = arith.constant 0 : i32
    %sign3A_111 = arith.cmpi slt, %jit3A_98, %sign3A_110 : i32
    %sign3A_112 = arith.extui %sign3A_111 : i1 to i32
    %sign3A_113 = arith.subi %sign3A_109, %sign3A_112 : i32
    %ne3A_114 = arith.cmpi ne, %sign3A_106, %sign3A_113 : i32
    %rem3A_115 = arith.remsi %add3A_97, %jit3A_98 : i32
    %ne3A_116 = arith.constant 0 : i32
    %ne3A_117 = arith.cmpi ne, %rem3A_115, %ne3A_116 : i32
    %and3A_118 = arith.andi %ne3A_114, %ne3A_117 : i1
    %sub3A_119 = arith.constant 1 : i32
    %sub3A_120 = arith.subi %div3A_99, %sub3A_119 : i32
    %select_n3A_121 = arith.select %and3A_118, %sub3A_120, %div3A_99 : i32
    %jit3A_122 = arith.constant 8 : i32
    %eq3A_123 = arith.constant 0 : i32
    %eq3A_124 = arith.cmpi eq, %jit3A_122, %eq3A_123 : i32
    %jit3A_125 = arith.constant 1 : i32
    %select_n3A_126 = arith.select %eq3A_124, %jit3A_125, %jit3A_122 : i32
    %rem3A_127 = arith.remsi %add3A_97, %select_n3A_126 : i32
    %ne3A_128 = arith.constant 0 : i32
    %ne3A_129 = arith.cmpi ne, %rem3A_127, %ne3A_128 : i32
    %lt3A_130 = arith.constant 0 : i32
    %lt3A_131 = arith.cmpi slt, %rem3A_127, %lt3A_130 : i32
    %lt3A_132 = arith.constant 0 : i32
    %lt3A_133 = arith.cmpi slt, %select_n3A_126, %lt3A_132 : i32
    %ne3A_134 = arith.xori %lt3A_131, %lt3A_133 : i1
    %and3A_135 = arith.andi %ne3A_134, %ne3A_129 : i1
    %add3A_136 = arith.addi %rem3A_127, %select_n3A_126 : i32
    %select_n3A_137 = arith.select %and3A_135, %add3A_136, %rem3A_127 : i32
    %mul3A_138 = arith.constant 2048 : i32
    %mul3A_139 = arith.muli %select_n3A_137, %mul3A_138 : i32
    %dma_start3A_140 = arith.constant 0 : i32
    %dma_start3A_141 = tpu.memref_slice %arg3[%select_n3A_121, %dma_start3A_140] : memref<200x16384xi32, #tpu.memory_space<hbm>> -> memref<1x16384xi32, #tpu.memory_space<hbm>>
    %dma_start3A_142 = tpu.memref_squeeze %dma_start3A_141 : memref<1x16384xi32, #tpu.memory_space<hbm>> -> memref<16384xi32, #tpu.memory_space<hbm>>
    %dma_start3A_143 = tpu.memref_slice %dma_start3A_142[%mul3A_139] : memref<16384xi32, #tpu.memory_space<hbm>> -> memref<2048xi32, #tpu.memory_space<hbm>>
    %dma_start3A_144 = arith.constant 0 : i32
    %dma_start3A_145 = tpu.memref_slice %arg3[%select_n3A_121, %dma_start3A_144] : memref<200x16384xi32, #tpu.memory_space<hbm>> -> memref<1x16384xi32, #tpu.memory_space<hbm>>
    %dma_start3A_146 = tpu.memref_squeeze %dma_start3A_145 : memref<1x16384xi32, #tpu.memory_space<hbm>> -> memref<16384xi32, #tpu.memory_space<hbm>>
    %dma_start3A_147 = tpu.memref_slice %dma_start3A_146[%mul3A_139] : memref<16384xi32, #tpu.memory_space<hbm>> -> memref<2048xi32, #tpu.memory_space<hbm>>
    tpu.enqueue_dma source(%dma_start3A_147 : memref<2048xi32, #tpu.memory_space<hbm>>) target(%arg7 : memref<2048xi32, #tpu.memory_space<vmem>>) target_semaphore(%arg13 : memref<!tpu.dma_semaphore, #tpu.memory_space<semaphore_mem>>)
    %dma_wait3A = arith.constant 0 : i32
    %dma_wait3A_148 = arith.constant 0 : i32
    %dma_wait3A_149 = tpu.memref_slice %arg3[%dma_wait3A, %dma_wait3A_148] : memref<200x16384xi32, #tpu.memory_space<hbm>> -> memref<1x16384xi32, #tpu.memory_space<hbm>>
    %dma_wait3A_150 = tpu.memref_squeeze %dma_wait3A_149 : memref<1x16384xi32, #tpu.memory_space<hbm>> -> memref<16384xi32, #tpu.memory_space<hbm>>
    %dma_wait3A_151 = arith.constant 0 : i32
    %dma_wait3A_152 = tpu.memref_slice %dma_wait3A_150[%dma_wait3A_151] : memref<16384xi32, #tpu.memory_space<hbm>> -> memref<2048xi32, #tpu.memory_space<hbm>>
    %dma_wait3A_153 = arith.constant 0 : i32
    %dma_wait3A_154 = tpu.memref_slice %arg3[%dma_wait3A, %dma_wait3A_153] : memref<200x16384xi32, #tpu.memory_space<hbm>> -> memref<1x16384xi32, #tpu.memory_space<hbm>>
    %dma_wait3A_155 = tpu.memref_squeeze %dma_wait3A_154 : memref<1x16384xi32, #tpu.memory_space<hbm>> -> memref<16384xi32, #tpu.memory_space<hbm>>
    %dma_wait3A_156 = arith.constant 0 : i32
    %dma_wait3A_157 = tpu.memref_slice %dma_wait3A_155[%dma_wait3A_156] : memref<16384xi32, #tpu.memory_space<hbm>> -> memref<2048xi32, #tpu.memory_space<hbm>>
    tpu.wait_dma2 semaphore(%arg11 : memref<!tpu.dma_semaphore, #tpu.memory_space<semaphore_mem>>) src(%dma_wait3A_157 : memref<2048xi32, #tpu.memory_space<hbm>>) dst(%arg5 : memref<2048xi32, #tpu.memory_space<vmem>>)
    %dma_start3A_158 = arith.constant 0 : i32
    %dma_start3A_159 = tpu.memref_slice %arg8[%dma_start3A_158] : memref<2048xf32, #tpu.memory_space<vmem>> -> memref<128xf32, #tpu.memory_space<vmem>>
    %dma_start3A_160 = arith.constant 0 : i32
    %dma_start3A_161 = tpu.memref_slice %arg5[%dma_start3A_160] : memref<2048xi32, #tpu.memory_space<vmem>> -> memref<128xi32, #tpu.memory_space<vmem>>
    %dma_start3A_162 = arith.constant 0 : i32
    %dma_start3A_163 = tpu.memref_slice %arg2[%dma_start3A_162] : memref<4000000xf32, #tpu.memory_space<hbm>> -> memref<4000000xf32, #tpu.memory_space<hbm>>
    tpu.enqueue_indirect_dma source(%dma_start3A_163 : memref<4000000xf32, #tpu.memory_space<hbm>>) target(%dma_start3A_159 : memref<128xf32, #tpu.memory_space<vmem>>) offsets(%dma_start3A_161 : memref<128xi32, #tpu.memory_space<vmem>>) semaphore(%arg14 : memref<!tpu.dma_semaphore, #tpu.memory_space<semaphore_mem>>)
    %dma_start3A_164 = arith.constant 128 : i32
    %dma_start3A_165 = tpu.memref_slice %arg8[%dma_start3A_164] : memref<2048xf32, #tpu.memory_space<vmem>> -> memref<128xf32, #tpu.memory_space<vmem>>
    %dma_start3A_166 = arith.constant 128 : i32
    %dma_start3A_167 = tpu.memref_slice %arg5[%dma_start3A_166] : memref<2048xi32, #tpu.memory_space<vmem>> -> memref<128xi32, #tpu.memory_space<vmem>>
    %dma_start3A_168 = arith.constant 0 : i32
    %dma_start3A_169 = tpu.memref_slice %arg2[%dma_start3A_168] : memref<4000000xf32, #tpu.memory_space<hbm>> -> memref<4000000xf32, #tpu.memory_space<hbm>>
    tpu.enqueue_indirect_dma source(%dma_start3A_169 : memref<4000000xf32, #tpu.memory_space<hbm>>) target(%dma_start3A_165 : memref<128xf32, #tpu.memory_space<vmem>>) offsets(%dma_start3A_167 : memref<128xi32, #tpu.memory_space<vmem>>) semaphore(%arg14 : memref<!tpu.dma_semaphore, #tpu.memory_space<semaphore_mem>>)
    %dma_start3A_170 = arith.constant 256 : i32
    %dma_start3A_171 = tpu.memref_slice %arg8[%dma_start3A_170] : memref<2048xf32, #tpu.memory_space<vmem>> -> memref<128xf32, #tpu.memory_space<vmem>>
    %dma_start3A_172 = arith.constant 256 : i32
    %dma_start3A_173 = tpu.memref_slice %arg5[%dma_start3A_172] : memref<2048xi32, #tpu.memory_space<vmem>> -> memref<128xi32, #tpu.memory_space<vmem>>
    %dma_start3A_174 = arith.constant 0 : i32
    %dma_start3A_175 = tpu.memref_slice %arg2[%dma_start3A_174] : memref<4000000xf32, #tpu.memory_space<hbm>> -> memref<4000000xf32, #tpu.memory_space<hbm>>
    tpu.enqueue_indirect_dma source(%dma_start3A_175 : memref<4000000xf32, #tpu.memory_space<hbm>>) target(%dma_start3A_171 : memref<128xf32, #tpu.memory_space<vmem>>) offsets(%dma_start3A_173 : memref<128xi32, #tpu.memory_space<vmem>>) semaphore(%arg14 : memref<!tpu.dma_semaphore, #tpu.memory_space<semaphore_mem>>)
    %dma_start3A_176 = arith.constant 384 : i32
    %dma_start3A_177 = tpu.memref_slice %arg8[%dma_start3A_176] : memref<2048xf32, #tpu.memory_space<vmem>> -> memref<128xf32, #tpu.memory_space<vmem>>
    %dma_start3A_178 = arith.constant 384 : i32
    %dma_start3A_179 = tpu.memref_slice %arg5[%dma_start3A_178] : memref<2048xi32, #tpu.memory_space<vmem>> -> memref<128xi32, #tpu.memory_space<vmem>>
    %dma_start3A_180 = arith.constant 0 : i32
    %dma_start3A_181 = tpu.memref_slice %arg2[%dma_start3A_180] : memref<4000000xf32, #tpu.memory_space<hbm>> -> memref<4000000xf32, #tpu.memory_space<hbm>>
    tpu.enqueue_indirect_dma source(%dma_start3A_181 : memref<4000000xf32, #tpu.memory_space<hbm>>) target(%dma_start3A_177 : memref<128xf32, #tpu.memory_space<vmem>>) offsets(%dma_start3A_179 : memref<128xi32, #tpu.memory_space<vmem>>) semaphore(%arg14 : memref<!tpu.dma_semaphore, #tpu.memory_space<semaphore_mem>>)
    %dma_start3A_182 = arith.constant 512 : i32
    %dma_start3A_183 = tpu.memref_slice %arg8[%dma_start3A_182] : memref<2048xf32, #tpu.memory_space<vmem>> -> memref<128xf32, #tpu.memory_space<vmem>>
    %dma_start3A_184 = arith.constant 512 : i32
    %dma_start3A_185 = tpu.memref_slice %arg5[%dma_start3A_184] : memref<2048xi32, #tpu.memory_space<vmem>> -> memref<128xi32, #tpu.memory_space<vmem>>
    %dma_start3A_186 = arith.constant 0 : i32
    %dma_start3A_187 = tpu.memref_slice %arg2[%dma_start3A_186] : memref<4000000xf32, #tpu.memory_space<hbm>> -> memref<4000000xf32, #tpu.memory_space<hbm>>
    tpu.enqueue_indirect_dma source(%dma_start3A_187 : memref<4000000xf32, #tpu.memory_space<hbm>>) target(%dma_start3A_183 : memref<128xf32, #tpu.memory_space<vmem>>) offsets(%dma_start3A_185 : memref<128xi32, #tpu.memory_space<vmem>>) semaphore(%arg14 : memref<!tpu.dma_semaphore, #tpu.memory_space<semaphore_mem>>)
    %dma_start3A_188 = arith.constant 640 : i32
    %dma_start3A_189 = tpu.memref_slice %arg8[%dma_start3A_188] : memref<2048xf32, #tpu.memory_space<vmem>> -> memref<128xf32, #tpu.memory_space<vmem>>
    %dma_start3A_190 = arith.constant 640 : i32
    %dma_start3A_191 = tpu.memref_slice %arg5[%dma_start3A_190] : memref<2048xi32, #tpu.memory_space<vmem>> -> memref<128xi32, #tpu.memory_space<vmem>>
    %dma_start3A_192 = arith.constant 0 : i32
    %dma_start3A_193 = tpu.memref_slice %arg2[%dma_start3A_192] : memref<4000000xf32, #tpu.memory_space<hbm>> -> memref<4000000xf32, #tpu.memory_space<hbm>>
    tpu.enqueue_indirect_dma source(%dma_start3A_193 : memref<4000000xf32, #tpu.memory_space<hbm>>) target(%dma_start3A_189 : memref<128xf32, #tpu.memory_space<vmem>>) offsets(%dma_start3A_191 : memref<128xi32, #tpu.memory_space<vmem>>) semaphore(%arg14 : memref<!tpu.dma_semaphore, #tpu.memory_space<semaphore_mem>>)
    %dma_start3A_194 = arith.constant 768 : i32
    %dma_start3A_195 = tpu.memref_slice %arg8[%dma_start3A_194] : memref<2048xf32, #tpu.memory_space<vmem>> -> memref<128xf32, #tpu.memory_space<vmem>>
    %dma_start3A_196 = arith.constant 768 : i32
    %dma_start3A_197 = tpu.memref_slice %arg5[%dma_start3A_196] : memref<2048xi32, #tpu.memory_space<vmem>> -> memref<128xi32, #tpu.memory_space<vmem>>
    %dma_start3A_198 = arith.constant 0 : i32
    %dma_start3A_199 = tpu.memref_slice %arg2[%dma_start3A_198] : memref<4000000xf32, #tpu.memory_space<hbm>> -> memref<4000000xf32, #tpu.memory_space<hbm>>
    tpu.enqueue_indirect_dma source(%dma_start3A_199 : memref<4000000xf32, #tpu.memory_space<hbm>>) target(%dma_start3A_195 : memref<128xf32, #tpu.memory_space<vmem>>) offsets(%dma_start3A_197 : memref<128xi32, #tpu.memory_space<vmem>>) semaphore(%arg14 : memref<!tpu.dma_semaphore, #tpu.memory_space<semaphore_mem>>)
    %dma_start3A_200 = arith.constant 896 : i32
    %dma_start3A_201 = tpu.memref_slice %arg8[%dma_start3A_200] : memref<2048xf32, #tpu.memory_space<vmem>> -> memref<128xf32, #tpu.memory_space<vmem>>
    %dma_start3A_202 = arith.constant 896 : i32
    %dma_start3A_203 = tpu.memref_slice %arg5[%dma_start3A_202] : memref<2048xi32, #tpu.memory_space<vmem>> -> memref<128xi32, #tpu.memory_space<vmem>>
    %dma_start3A_204 = arith.constant 0 : i32
    %dma_start3A_205 = tpu.memref_slice %arg2[%dma_start3A_204] : memref<4000000xf32, #tpu.memory_space<hbm>> -> memref<4000000xf32, #tpu.memory_space<hbm>>
    tpu.enqueue_indirect_dma source(%dma_start3A_205 : memref<4000000xf32, #tpu.memory_space<hbm>>) target(%dma_start3A_201 : memref<128xf32, #tpu.memory_space<vmem>>) offsets(%dma_start3A_203 : memref<128xi32, #tpu.memory_space<vmem>>) semaphore(%arg14 : memref<!tpu.dma_semaphore, #tpu.memory_space<semaphore_mem>>)
    %dma_start3A_206 = arith.constant 1024 : i32
    %dma_start3A_207 = tpu.memref_slice %arg8[%dma_start3A_206] : memref<2048xf32, #tpu.memory_space<vmem>> -> memref<128xf32, #tpu.memory_space<vmem>>
    %dma_start3A_208 = arith.constant 1024 : i32
    %dma_start3A_209 = tpu.memref_slice %arg5[%dma_start3A_208] : memref<2048xi32, #tpu.memory_space<vmem>> -> memref<128xi32, #tpu.memory_space<vmem>>
    %dma_start3A_210 = arith.constant 0 : i32
    %dma_start3A_211 = tpu.memref_slice %arg2[%dma_start3A_210] : memref<4000000xf32, #tpu.memory_space<hbm>> -> memref<4000000xf32, #tpu.memory_space<hbm>>
    tpu.enqueue_indirect_dma source(%dma_start3A_211 : memref<4000000xf32, #tpu.memory_space<hbm>>) target(%dma_start3A_207 : memref<128xf32, #tpu.memory_space<vmem>>) offsets(%dma_start3A_209 : memref<128xi32, #tpu.memory_space<vmem>>) semaphore(%arg14 : memref<!tpu.dma_semaphore, #tpu.memory_space<semaphore_mem>>)
    %dma_start3A_212 = arith.constant 1152 : i32
    %dma_start3A_213 = tpu.memref_slice %arg8[%dma_start3A_212] : memref<2048xf32, #tpu.memory_space<vmem>> -> memref<128xf32, #tpu.memory_space<vmem>>
    %dma_start3A_214 = arith.constant 1152 : i32
    %dma_start3A_215 = tpu.memref_slice %arg5[%dma_start3A_214] : memref<2048xi32, #tpu.memory_space<vmem>> -> memref<128xi32, #tpu.memory_space<vmem>>
    %dma_start3A_216 = arith.constant 0 : i32
    %dma_start3A_217 = tpu.memref_slice %arg2[%dma_start3A_216] : memref<4000000xf32, #tpu.memory_space<hbm>> -> memref<4000000xf32, #tpu.memory_space<hbm>>
    tpu.enqueue_indirect_dma source(%dma_start3A_217 : memref<4000000xf32, #tpu.memory_space<hbm>>) target(%dma_start3A_213 : memref<128xf32, #tpu.memory_space<vmem>>) offsets(%dma_start3A_215 : memref<128xi32, #tpu.memory_space<vmem>>) semaphore(%arg14 : memref<!tpu.dma_semaphore, #tpu.memory_space<semaphore_mem>>)
    %dma_start3A_218 = arith.constant 1280 : i32
    %dma_start3A_219 = tpu.memref_slice %arg8[%dma_start3A_218] : memref<2048xf32, #tpu.memory_space<vmem>> -> memref<128xf32, #tpu.memory_space<vmem>>
    %dma_start3A_220 = arith.constant 1280 : i32
    %dma_start3A_221 = tpu.memref_slice %arg5[%dma_start3A_220] : memref<2048xi32, #tpu.memory_space<vmem>> -> memref<128xi32, #tpu.memory_space<vmem>>
    %dma_start3A_222 = arith.constant 0 : i32
    %dma_start3A_223 = tpu.memref_slice %arg2[%dma_start3A_222] : memref<4000000xf32, #tpu.memory_space<hbm>> -> memref<4000000xf32, #tpu.memory_space<hbm>>
    tpu.enqueue_indirect_dma source(%dma_start3A_223 : memref<4000000xf32, #tpu.memory_space<hbm>>) target(%dma_start3A_219 : memref<128xf32, #tpu.memory_space<vmem>>) offsets(%dma_start3A_221 : memref<128xi32, #tpu.memory_space<vmem>>) semaphore(%arg14 : memref<!tpu.dma_semaphore, #tpu.memory_space<semaphore_mem>>)
    %dma_start3A_224 = arith.constant 1408 : i32
    %dma_start3A_225 = tpu.memref_slice %arg8[%dma_start3A_224] : memref<2048xf32, #tpu.memory_space<vmem>> -> memref<128xf32, #tpu.memory_space<vmem>>
    %dma_start3A_226 = arith.constant 1408 : i32
    %dma_start3A_227 = tpu.memref_slice %arg5[%dma_start3A_226] : memref<2048xi32, #tpu.memory_space<vmem>> -> memref<128xi32, #tpu.memory_space<vmem>>
    %dma_start3A_228 = arith.constant 0 : i32
    %dma_start3A_229 = tpu.memref_slice %arg2[%dma_start3A_228] : memref<4000000xf32, #tpu.memory_space<hbm>> -> memref<4000000xf32, #tpu.memory_space<hbm>>
    tpu.enqueue_indirect_dma source(%dma_start3A_229 : memref<4000000xf32, #tpu.memory_space<hbm>>) target(%dma_start3A_225 : memref<128xf32, #tpu.memory_space<vmem>>) offsets(%dma_start3A_227 : memref<128xi32, #tpu.memory_space<vmem>>) semaphore(%arg14 : memref<!tpu.dma_semaphore, #tpu.memory_space<semaphore_mem>>)
    %dma_start3A_230 = arith.constant 1536 : i32
    %dma_start3A_231 = tpu.memref_slice %arg8[%dma_start3A_230] : memref<2048xf32, #tpu.memory_space<vmem>> -> memref<128xf32, #tpu.memory_space<vmem>>
    %dma_start3A_232 = arith.constant 1536 : i32
    %dma_start3A_233 = tpu.memref_slice %arg5[%dma_start3A_232] : memref<2048xi32, #tpu.memory_space<vmem>> -> memref<128xi32, #tpu.memory_space<vmem>>
    %dma_start3A_234 = arith.constant 0 : i32
    %dma_start3A_235 = tpu.memref_slice %arg2[%dma_start3A_234] : memref<4000000xf32, #tpu.memory_space<hbm>> -> memref<4000000xf32, #tpu.memory_space<hbm>>
    tpu.enqueue_indirect_dma source(%dma_start3A_235 : memref<4000000xf32, #tpu.memory_space<hbm>>) target(%dma_start3A_231 : memref<128xf32, #tpu.memory_space<vmem>>) offsets(%dma_start3A_233 : memref<128xi32, #tpu.memory_space<vmem>>) semaphore(%arg14 : memref<!tpu.dma_semaphore, #tpu.memory_space<semaphore_mem>>)
    %dma_start3A_236 = arith.constant 1664 : i32
    %dma_start3A_237 = tpu.memref_slice %arg8[%dma_start3A_236] : memref<2048xf32, #tpu.memory_space<vmem>> -> memref<128xf32, #tpu.memory_space<vmem>>
    %dma_start3A_238 = arith.constant 1664 : i32
    %dma_start3A_239 = tpu.memref_slice %arg5[%dma_start3A_238] : memref<2048xi32, #tpu.memory_space<vmem>> -> memref<128xi32, #tpu.memory_space<vmem>>
    %dma_start3A_240 = arith.constant 0 : i32
    %dma_start3A_241 = tpu.memref_slice %arg2[%dma_start3A_240] : memref<4000000xf32, #tpu.memory_space<hbm>> -> memref<4000000xf32, #tpu.memory_space<hbm>>
    tpu.enqueue_indirect_dma source(%dma_start3A_241 : memref<4000000xf32, #tpu.memory_space<hbm>>) target(%dma_start3A_237 : memref<128xf32, #tpu.memory_space<vmem>>) offsets(%dma_start3A_239 : memref<128xi32, #tpu.memory_space<vmem>>) semaphore(%arg14 : memref<!tpu.dma_semaphore, #tpu.memory_space<semaphore_mem>>)
    %dma_start3A_242 = arith.constant 1792 : i32
    %dma_start3A_243 = tpu.memref_slice %arg8[%dma_start3A_242] : memref<2048xf32, #tpu.memory_space<vmem>> -> memref<128xf32, #tpu.memory_space<vmem>>
    %dma_start3A_244 = arith.constant 1792 : i32
    %dma_start3A_245 = tpu.memref_slice %arg5[%dma_start3A_244] : memref<2048xi32, #tpu.memory_space<vmem>> -> memref<128xi32, #tpu.memory_space<vmem>>
    %dma_start3A_246 = arith.constant 0 : i32
    %dma_start3A_247 = tpu.memref_slice %arg2[%dma_start3A_246] : memref<4000000xf32, #tpu.memory_space<hbm>> -> memref<4000000xf32, #tpu.memory_space<hbm>>
    tpu.enqueue_indirect_dma source(%dma_start3A_247 : memref<4000000xf32, #tpu.memory_space<hbm>>) target(%dma_start3A_243 : memref<128xf32, #tpu.memory_space<vmem>>) offsets(%dma_start3A_245 : memref<128xi32, #tpu.memory_space<vmem>>) semaphore(%arg14 : memref<!tpu.dma_semaphore, #tpu.memory_space<semaphore_mem>>)
    %dma_start3A_248 = arith.constant 1920 : i32
    %dma_start3A_249 = tpu.memref_slice %arg8[%dma_start3A_248] : memref<2048xf32, #tpu.memory_space<vmem>> -> memref<128xf32, #tpu.memory_space<vmem>>
    %dma_start3A_250 = arith.constant 1920 : i32
    %dma_start3A_251 = tpu.memref_slice %arg5[%dma_start3A_250] : memref<2048xi32, #tpu.memory_space<vmem>> -> memref<128xi32, #tpu.memory_space<vmem>>
    %dma_start3A_252 = arith.constant 0 : i32
    %dma_start3A_253 = tpu.memref_slice %arg2[%dma_start3A_252] : memref<4000000xf32, #tpu.memory_space<hbm>> -> memref<4000000xf32, #tpu.memory_space<hbm>>
    tpu.enqueue_indirect_dma source(%dma_start3A_253 : memref<4000000xf32, #tpu.memory_space<hbm>>) target(%dma_start3A_249 : memref<128xf32, #tpu.memory_space<vmem>>) offsets(%dma_start3A_251 : memref<128xi32, #tpu.memory_space<vmem>>) semaphore(%arg14 : memref<!tpu.dma_semaphore, #tpu.memory_space<semaphore_mem>>)
    %dma_wait3A_254 = arith.constant 0 : i32
    %dma_wait3A_255 = arith.constant 0 : i32
    %dma_wait3A_256 = tpu.memref_slice %arg3[%dma_wait3A_254, %dma_wait3A_255] : memref<200x16384xi32, #tpu.memory_space<hbm>> -> memref<1x16384xi32, #tpu.memory_space<hbm>>
    %dma_wait3A_257 = tpu.memref_squeeze %dma_wait3A_256 : memref<1x16384xi32, #tpu.memory_space<hbm>> -> memref<16384xi32, #tpu.memory_space<hbm>>
    %dma_wait3A_258 = arith.constant 0 : i32
    %dma_wait3A_259 = tpu.memref_slice %dma_wait3A_257[%dma_wait3A_258] : memref<16384xi32, #tpu.memory_space<hbm>> -> memref<2048xi32, #tpu.memory_space<hbm>>
    %dma_wait3A_260 = arith.constant 0 : i32
    %dma_wait3A_261 = tpu.memref_slice %arg3[%dma_wait3A_254, %dma_wait3A_260] : memref<200x16384xi32, #tpu.memory_space<hbm>> -> memref<1x16384xi32, #tpu.memory_space<hbm>>
    %dma_wait3A_262 = tpu.memref_squeeze %dma_wait3A_261 : memref<1x16384xi32, #tpu.memory_space<hbm>> -> memref<16384xi32, #tpu.memory_space<hbm>>
    %dma_wait3A_263 = arith.constant 0 : i32
    %dma_wait3A_264 = tpu.memref_slice %dma_wait3A_262[%dma_wait3A_263] : memref<16384xi32, #tpu.memory_space<hbm>> -> memref<2048xi32, #tpu.memory_space<hbm>>
    tpu.wait_dma2 semaphore(%arg12 : memref<!tpu.dma_semaphore, #tpu.memory_space<semaphore_mem>>) src(%dma_wait3A_264 : memref<2048xi32, #tpu.memory_space<hbm>>) dst(%arg6 : memref<2048xi32, #tpu.memory_space<vmem>>)
    %dma_start3A_265 = arith.constant 0 : i32
    %dma_start3A_266 = tpu.memref_slice %arg9[%dma_start3A_265] : memref<2048xf32, #tpu.memory_space<vmem>> -> memref<128xf32, #tpu.memory_space<vmem>>
    %dma_start3A_267 = arith.constant 0 : i32
    %dma_start3A_268 = tpu.memref_slice %arg6[%dma_start3A_267] : memref<2048xi32, #tpu.memory_space<vmem>> -> memref<128xi32, #tpu.memory_space<vmem>>
    %dma_start3A_269 = arith.constant 0 : i32
    %dma_start3A_270 = tpu.memref_slice %arg2[%dma_start3A_269] : memref<4000000xf32, #tpu.memory_space<hbm>> -> memref<4000000xf32, #tpu.memory_space<hbm>>
    tpu.enqueue_indirect_dma source(%dma_start3A_270 : memref<4000000xf32, #tpu.memory_space<hbm>>) target(%dma_start3A_266 : memref<128xf32, #tpu.memory_space<vmem>>) offsets(%dma_start3A_268 : memref<128xi32, #tpu.memory_space<vmem>>) semaphore(%arg15 : memref<!tpu.dma_semaphore, #tpu.memory_space<semaphore_mem>>)
    %dma_start3A_271 = arith.constant 128 : i32
    %dma_start3A_272 = tpu.memref_slice %arg9[%dma_start3A_271] : memref<2048xf32, #tpu.memory_space<vmem>> -> memref<128xf32, #tpu.memory_space<vmem>>
    %dma_start3A_273 = arith.constant 128 : i32
    %dma_start3A_274 = tpu.memref_slice %arg6[%dma_start3A_273] : memref<2048xi32, #tpu.memory_space<vmem>> -> memref<128xi32, #tpu.memory_space<vmem>>
    %dma_start3A_275 = arith.constant 0 : i32
    %dma_start3A_276 = tpu.memref_slice %arg2[%dma_start3A_275] : memref<4000000xf32, #tpu.memory_space<hbm>> -> memref<4000000xf32, #tpu.memory_space<hbm>>
    tpu.enqueue_indirect_dma source(%dma_start3A_276 : memref<4000000xf32, #tpu.memory_space<hbm>>) target(%dma_start3A_272 : memref<128xf32, #tpu.memory_space<vmem>>) offsets(%dma_start3A_274 : memref<128xi32, #tpu.memory_space<vmem>>) semaphore(%arg15 : memref<!tpu.dma_semaphore, #tpu.memory_space<semaphore_mem>>)
    %dma_start3A_277 = arith.constant 256 : i32
    %dma_start3A_278 = tpu.memref_slice %arg9[%dma_start3A_277] : memref<2048xf32, #tpu.memory_space<vmem>> -> memref<128xf32, #tpu.memory_space<vmem>>
    %dma_start3A_279 = arith.constant 256 : i32
    %dma_start3A_280 = tpu.memref_slice %arg6[%dma_start3A_279] : memref<2048xi32, #tpu.memory_space<vmem>> -> memref<128xi32, #tpu.memory_space<vmem>>
    %dma_start3A_281 = arith.constant 0 : i32
    %dma_start3A_282 = tpu.memref_slice %arg2[%dma_start3A_281] : memref<4000000xf32, #tpu.memory_space<hbm>> -> memref<4000000xf32, #tpu.memory_space<hbm>>
    tpu.enqueue_indirect_dma source(%dma_start3A_282 : memref<4000000xf32, #tpu.memory_space<hbm>>) target(%dma_start3A_278 : memref<128xf32, #tpu.memory_space<vmem>>) offsets(%dma_start3A_280 : memref<128xi32, #tpu.memory_space<vmem>>) semaphore(%arg15 : memref<!tpu.dma_semaphore, #tpu.memory_space<semaphore_mem>>)
    %dma_start3A_283 = arith.constant 384 : i32
    %dma_start3A_284 = tpu.memref_slice %arg9[%dma_start3A_283] : memref<2048xf32, #tpu.memory_space<vmem>> -> memref<128xf32, #tpu.memory_space<vmem>>
    %dma_start3A_285 = arith.constant 384 : i32
    %dma_start3A_286 = tpu.memref_slice %arg6[%dma_start3A_285] : memref<2048xi32, #tpu.memory_space<vmem>> -> memref<128xi32, #tpu.memory_space<vmem>>
    %dma_start3A_287 = arith.constant 0 : i32
    %dma_start3A_288 = tpu.memref_slice %arg2[%dma_start3A_287] : memref<4000000xf32, #tpu.memory_space<hbm>> -> memref<4000000xf32, #tpu.memory_space<hbm>>
    tpu.enqueue_indirect_dma source(%dma_start3A_288 : memref<4000000xf32, #tpu.memory_space<hbm>>) target(%dma_start3A_284 : memref<128xf32, #tpu.memory_space<vmem>>) offsets(%dma_start3A_286 : memref<128xi32, #tpu.memory_space<vmem>>) semaphore(%arg15 : memref<!tpu.dma_semaphore, #tpu.memory_space<semaphore_mem>>)
    %dma_start3A_289 = arith.constant 512 : i32
    %dma_start3A_290 = tpu.memref_slice %arg9[%dma_start3A_289] : memref<2048xf32, #tpu.memory_space<vmem>> -> memref<128xf32, #tpu.memory_space<vmem>>
    %dma_start3A_291 = arith.constant 512 : i32
    %dma_start3A_292 = tpu.memref_slice %arg6[%dma_start3A_291] : memref<2048xi32, #tpu.memory_space<vmem>> -> memref<128xi32, #tpu.memory_space<vmem>>
    %dma_start3A_293 = arith.constant 0 : i32
    %dma_start3A_294 = tpu.memref_slice %arg2[%dma_start3A_293] : memref<4000000xf32, #tpu.memory_space<hbm>> -> memref<4000000xf32, #tpu.memory_space<hbm>>
    tpu.enqueue_indirect_dma source(%dma_start3A_294 : memref<4000000xf32, #tpu.memory_space<hbm>>) target(%dma_start3A_290 : memref<128xf32, #tpu.memory_space<vmem>>) offsets(%dma_start3A_292 : memref<128xi32, #tpu.memory_space<vmem>>) semaphore(%arg15 : memref<!tpu.dma_semaphore, #tpu.memory_space<semaphore_mem>>)
    %dma_start3A_295 = arith.constant 640 : i32
    %dma_start3A_296 = tpu.memref_slice %arg9[%dma_start3A_295] : memref<2048xf32, #tpu.memory_space<vmem>> -> memref<128xf32, #tpu.memory_space<vmem>>
    %dma_start3A_297 = arith.constant 640 : i32
    %dma_start3A_298 = tpu.memref_slice %arg6[%dma_start3A_297] : memref<2048xi32, #tpu.memory_space<vmem>> -> memref<128xi32, #tpu.memory_space<vmem>>
    %dma_start3A_299 = arith.constant 0 : i32
    %dma_start3A_300 = tpu.memref_slice %arg2[%dma_start3A_299] : memref<4000000xf32, #tpu.memory_space<hbm>> -> memref<4000000xf32, #tpu.memory_space<hbm>>
    tpu.enqueue_indirect_dma source(%dma_start3A_300 : memref<4000000xf32, #tpu.memory_space<hbm>>) target(%dma_start3A_296 : memref<128xf32, #tpu.memory_space<vmem>>) offsets(%dma_start3A_298 : memref<128xi32, #tpu.memory_space<vmem>>) semaphore(%arg15 : memref<!tpu.dma_semaphore, #tpu.memory_space<semaphore_mem>>)
    %dma_start3A_301 = arith.constant 768 : i32
    %dma_start3A_302 = tpu.memref_slice %arg9[%dma_start3A_301] : memref<2048xf32, #tpu.memory_space<vmem>> -> memref<128xf32, #tpu.memory_space<vmem>>
    %dma_start3A_303 = arith.constant 768 : i32
    %dma_start3A_304 = tpu.memref_slice %arg6[%dma_start3A_303] : memref<2048xi32, #tpu.memory_space<vmem>> -> memref<128xi32, #tpu.memory_space<vmem>>
    %dma_start3A_305 = arith.constant 0 : i32
    %dma_start3A_306 = tpu.memref_slice %arg2[%dma_start3A_305] : memref<4000000xf32, #tpu.memory_space<hbm>> -> memref<4000000xf32, #tpu.memory_space<hbm>>
    tpu.enqueue_indirect_dma source(%dma_start3A_306 : memref<4000000xf32, #tpu.memory_space<hbm>>) target(%dma_start3A_302 : memref<128xf32, #tpu.memory_space<vmem>>) offsets(%dma_start3A_304 : memref<128xi32, #tpu.memory_space<vmem>>) semaphore(%arg15 : memref<!tpu.dma_semaphore, #tpu.memory_space<semaphore_mem>>)
    %dma_start3A_307 = arith.constant 896 : i32
    %dma_start3A_308 = tpu.memref_slice %arg9[%dma_start3A_307] : memref<2048xf32, #tpu.memory_space<vmem>> -> memref<128xf32, #tpu.memory_space<vmem>>
    %dma_start3A_309 = arith.constant 896 : i32
    %dma_start3A_310 = tpu.memref_slice %arg6[%dma_start3A_309] : memref<2048xi32, #tpu.memory_space<vmem>> -> memref<128xi32, #tpu.memory_space<vmem>>
    %dma_start3A_311 = arith.constant 0 : i32
    %dma_start3A_312 = tpu.memref_slice %arg2[%dma_start3A_311] : memref<4000000xf32, #tpu.memory_space<hbm>> -> memref<4000000xf32, #tpu.memory_space<hbm>>
    tpu.enqueue_indirect_dma source(%dma_start3A_312 : memref<4000000xf32, #tpu.memory_space<hbm>>) target(%dma_start3A_308 : memref<128xf32, #tpu.memory_space<vmem>>) offsets(%dma_start3A_310 : memref<128xi32, #tpu.memory_space<vmem>>) semaphore(%arg15 : memref<!tpu.dma_semaphore, #tpu.memory_space<semaphore_mem>>)
    %dma_start3A_313 = arith.constant 1024 : i32
    %dma_start3A_314 = tpu.memref_slice %arg9[%dma_start3A_313] : memref<2048xf32, #tpu.memory_space<vmem>> -> memref<128xf32, #tpu.memory_space<vmem>>
    %dma_start3A_315 = arith.constant 1024 : i32
    %dma_start3A_316 = tpu.memref_slice %arg6[%dma_start3A_315] : memref<2048xi32, #tpu.memory_space<vmem>> -> memref<128xi32, #tpu.memory_space<vmem>>
    %dma_start3A_317 = arith.constant 0 : i32
    %dma_start3A_318 = tpu.memref_slice %arg2[%dma_start3A_317] : memref<4000000xf32, #tpu.memory_space<hbm>> -> memref<4000000xf32, #tpu.memory_space<hbm>>
    tpu.enqueue_indirect_dma source(%dma_start3A_318 : memref<4000000xf32, #tpu.memory_space<hbm>>) target(%dma_start3A_314 : memref<128xf32, #tpu.memory_space<vmem>>) offsets(%dma_start3A_316 : memref<128xi32, #tpu.memory_space<vmem>>) semaphore(%arg15 : memref<!tpu.dma_semaphore, #tpu.memory_space<semaphore_mem>>)
    %dma_start3A_319 = arith.constant 1152 : i32
    %dma_start3A_320 = tpu.memref_slice %arg9[%dma_start3A_319] : memref<2048xf32, #tpu.memory_space<vmem>> -> memref<128xf32, #tpu.memory_space<vmem>>
    %dma_start3A_321 = arith.constant 1152 : i32
    %dma_start3A_322 = tpu.memref_slice %arg6[%dma_start3A_321] : memref<2048xi32, #tpu.memory_space<vmem>> -> memref<128xi32, #tpu.memory_space<vmem>>
    %dma_start3A_323 = arith.constant 0 : i32
    %dma_start3A_324 = tpu.memref_slice %arg2[%dma_start3A_323] : memref<4000000xf32, #tpu.memory_space<hbm>> -> memref<4000000xf32, #tpu.memory_space<hbm>>
    tpu.enqueue_indirect_dma source(%dma_start3A_324 : memref<4000000xf32, #tpu.memory_space<hbm>>) target(%dma_start3A_320 : memref<128xf32, #tpu.memory_space<vmem>>) offsets(%dma_start3A_322 : memref<128xi32, #tpu.memory_space<vmem>>) semaphore(%arg15 : memref<!tpu.dma_semaphore, #tpu.memory_space<semaphore_mem>>)
    %dma_start3A_325 = arith.constant 1280 : i32
    %dma_start3A_326 = tpu.memref_slice %arg9[%dma_start3A_325] : memref<2048xf32, #tpu.memory_space<vmem>> -> memref<128xf32, #tpu.memory_space<vmem>>
    %dma_start3A_327 = arith.constant 1280 : i32
    %dma_start3A_328 = tpu.memref_slice %arg6[%dma_start3A_327] : memref<2048xi32, #tpu.memory_space<vmem>> -> memref<128xi32, #tpu.memory_space<vmem>>
    %dma_start3A_329 = arith.constant 0 : i32
    %dma_start3A_330 = tpu.memref_slice %arg2[%dma_start3A_329] : memref<4000000xf32, #tpu.memory_space<hbm>> -> memref<4000000xf32, #tpu.memory_space<hbm>>
    tpu.enqueue_indirect_dma source(%dma_start3A_330 : memref<4000000xf32, #tpu.memory_space<hbm>>) target(%dma_start3A_326 : memref<128xf32, #tpu.memory_space<vmem>>) offsets(%dma_start3A_328 : memref<128xi32, #tpu.memory_space<vmem>>) semaphore(%arg15 : memref<!tpu.dma_semaphore, #tpu.memory_space<semaphore_mem>>)
    %dma_start3A_331 = arith.constant 1408 : i32
    %dma_start3A_332 = tpu.memref_slice %arg9[%dma_start3A_331] : memref<2048xf32, #tpu.memory_space<vmem>> -> memref<128xf32, #tpu.memory_space<vmem>>
    %dma_start3A_333 = arith.constant 1408 : i32
    %dma_start3A_334 = tpu.memref_slice %arg6[%dma_start3A_333] : memref<2048xi32, #tpu.memory_space<vmem>> -> memref<128xi32, #tpu.memory_space<vmem>>
    %dma_start3A_335 = arith.constant 0 : i32
    %dma_start3A_336 = tpu.memref_slice %arg2[%dma_start3A_335] : memref<4000000xf32, #tpu.memory_space<hbm>> -> memref<4000000xf32, #tpu.memory_space<hbm>>
    tpu.enqueue_indirect_dma source(%dma_start3A_336 : memref<4000000xf32, #tpu.memory_space<hbm>>) target(%dma_start3A_332 : memref<128xf32, #tpu.memory_space<vmem>>) offsets(%dma_start3A_334 : memref<128xi32, #tpu.memory_space<vmem>>) semaphore(%arg15 : memref<!tpu.dma_semaphore, #tpu.memory_space<semaphore_mem>>)
    %dma_start3A_337 = arith.constant 1536 : i32
    %dma_start3A_338 = tpu.memref_slice %arg9[%dma_start3A_337] : memref<2048xf32, #tpu.memory_space<vmem>> -> memref<128xf32, #tpu.memory_space<vmem>>
    %dma_start3A_339 = arith.constant 1536 : i32
    %dma_start3A_340 = tpu.memref_slice %arg6[%dma_start3A_339] : memref<2048xi32, #tpu.memory_space<vmem>> -> memref<128xi32, #tpu.memory_space<vmem>>
    %dma_start3A_341 = arith.constant 0 : i32
    %dma_start3A_342 = tpu.memref_slice %arg2[%dma_start3A_341] : memref<4000000xf32, #tpu.memory_space<hbm>> -> memref<4000000xf32, #tpu.memory_space<hbm>>
    tpu.enqueue_indirect_dma source(%dma_start3A_342 : memref<4000000xf32, #tpu.memory_space<hbm>>) target(%dma_start3A_338 : memref<128xf32, #tpu.memory_space<vmem>>) offsets(%dma_start3A_340 : memref<128xi32, #tpu.memory_space<vmem>>) semaphore(%arg15 : memref<!tpu.dma_semaphore, #tpu.memory_space<semaphore_mem>>)
    %dma_start3A_343 = arith.constant 1664 : i32
    %dma_start3A_344 = tpu.memref_slice %arg9[%dma_start3A_343] : memref<2048xf32, #tpu.memory_space<vmem>> -> memref<128xf32, #tpu.memory_space<vmem>>
    %dma_start3A_345 = arith.constant 1664 : i32
    %dma_start3A_346 = tpu.memref_slice %arg6[%dma_start3A_345] : memref<2048xi32, #tpu.memory_space<vmem>> -> memref<128xi32, #tpu.memory_space<vmem>>
    %dma_start3A_347 = arith.constant 0 : i32
    %dma_start3A_348 = tpu.memref_slice %arg2[%dma_start3A_347] : memref<4000000xf32, #tpu.memory_space<hbm>> -> memref<4000000xf32, #tpu.memory_space<hbm>>
    tpu.enqueue_indirect_dma source(%dma_start3A_348 : memref<4000000xf32, #tpu.memory_space<hbm>>) target(%dma_start3A_344 : memref<128xf32, #tpu.memory_space<vmem>>) offsets(%dma_start3A_346 : memref<128xi32, #tpu.memory_space<vmem>>) semaphore(%arg15 : memref<!tpu.dma_semaphore, #tpu.memory_space<semaphore_mem>>)
    %dma_start3A_349 = arith.constant 1792 : i32
    %dma_start3A_350 = tpu.memref_slice %arg9[%dma_start3A_349] : memref<2048xf32, #tpu.memory_space<vmem>> -> memref<128xf32, #tpu.memory_space<vmem>>
    %dma_start3A_351 = arith.constant 1792 : i32
    %dma_start3A_352 = tpu.memref_slice %arg6[%dma_start3A_351] : memref<2048xi32, #tpu.memory_space<vmem>> -> memref<128xi32, #tpu.memory_space<vmem>>
    %dma_start3A_353 = arith.constant 0 : i32
    %dma_start3A_354 = tpu.memref_slice %arg2[%dma_start3A_353] : memref<4000000xf32, #tpu.memory_space<hbm>> -> memref<4000000xf32, #tpu.memory_space<hbm>>
    tpu.enqueue_indirect_dma source(%dma_start3A_354 : memref<4000000xf32, #tpu.memory_space<hbm>>) target(%dma_start3A_350 : memref<128xf32, #tpu.memory_space<vmem>>) offsets(%dma_start3A_352 : memref<128xi32, #tpu.memory_space<vmem>>) semaphore(%arg15 : memref<!tpu.dma_semaphore, #tpu.memory_space<semaphore_mem>>)
    %dma_start3A_355 = arith.constant 1920 : i32
    %dma_start3A_356 = tpu.memref_slice %arg9[%dma_start3A_355] : memref<2048xf32, #tpu.memory_space<vmem>> -> memref<128xf32, #tpu.memory_space<vmem>>
    %dma_start3A_357 = arith.constant 1920 : i32
    %dma_start3A_358 = tpu.memref_slice %arg6[%dma_start3A_357] : memref<2048xi32, #tpu.memory_space<vmem>> -> memref<128xi32, #tpu.memory_space<vmem>>
    %dma_start3A_359 = arith.constant 0 : i32
    %dma_start3A_360 = tpu.memref_slice %arg2[%dma_start3A_359] : memref<4000000xf32, #tpu.memory_space<hbm>> -> memref<4000000xf32, #tpu.memory_space<hbm>>
    tpu.enqueue_indirect_dma source(%dma_start3A_360 : memref<4000000xf32, #tpu.memory_space<hbm>>) target(%dma_start3A_356 : memref<128xf32, #tpu.memory_space<vmem>>) offsets(%dma_start3A_358 : memref<128xi32, #tpu.memory_space<vmem>>) semaphore(%arg15 : memref<!tpu.dma_semaphore, #tpu.memory_space<semaphore_mem>>)
    %dma_wait3A_361 = arith.constant 0 : i32
    %dma_wait3A_362 = arith.constant 0 : i32
    %dma_wait3A_363 = tpu.memref_slice %arg3[%dma_wait3A_361, %dma_wait3A_362] : memref<200x16384xi32, #tpu.memory_space<hbm>> -> memref<1x16384xi32, #tpu.memory_space<hbm>>
    %dma_wait3A_364 = tpu.memref_squeeze %dma_wait3A_363 : memref<1x16384xi32, #tpu.memory_space<hbm>> -> memref<16384xi32, #tpu.memory_space<hbm>>
    %dma_wait3A_365 = arith.constant 0 : i32
    %dma_wait3A_366 = tpu.memref_slice %dma_wait3A_364[%dma_wait3A_365] : memref<16384xi32, #tpu.memory_space<hbm>> -> memref<2048xi32, #tpu.memory_space<hbm>>
    %dma_wait3A_367 = arith.constant 0 : i32
    %dma_wait3A_368 = tpu.memref_slice %arg3[%dma_wait3A_361, %dma_wait3A_367] : memref<200x16384xi32, #tpu.memory_space<hbm>> -> memref<1x16384xi32, #tpu.memory_space<hbm>>
    %dma_wait3A_369 = tpu.memref_squeeze %dma_wait3A_368 : memref<1x16384xi32, #tpu.memory_space<hbm>> -> memref<16384xi32, #tpu.memory_space<hbm>>
    %dma_wait3A_370 = arith.constant 0 : i32
    %dma_wait3A_371 = tpu.memref_slice %dma_wait3A_369[%dma_wait3A_370] : memref<16384xi32, #tpu.memory_space<hbm>> -> memref<2048xi32, #tpu.memory_space<hbm>>
    tpu.wait_dma2 semaphore(%arg13 : memref<!tpu.dma_semaphore, #tpu.memory_space<semaphore_mem>>) src(%dma_wait3A_371 : memref<2048xi32, #tpu.memory_space<hbm>>) dst(%arg7 : memref<2048xi32, #tpu.memory_space<vmem>>)
    %dma_start3A_372 = arith.constant 0 : i32
    %dma_start3A_373 = tpu.memref_slice %arg10[%dma_start3A_372] : memref<2048xf32, #tpu.memory_space<vmem>> -> memref<128xf32, #tpu.memory_space<vmem>>
    %dma_start3A_374 = arith.constant 0 : i32
    %dma_start3A_375 = tpu.memref_slice %arg7[%dma_start3A_374] : memref<2048xi32, #tpu.memory_space<vmem>> -> memref<128xi32, #tpu.memory_space<vmem>>
    %dma_start3A_376 = arith.constant 0 : i32
    %dma_start3A_377 = tpu.memref_slice %arg2[%dma_start3A_376] : memref<4000000xf32, #tpu.memory_space<hbm>> -> memref<4000000xf32, #tpu.memory_space<hbm>>
    tpu.enqueue_indirect_dma source(%dma_start3A_377 : memref<4000000xf32, #tpu.memory_space<hbm>>) target(%dma_start3A_373 : memref<128xf32, #tpu.memory_space<vmem>>) offsets(%dma_start3A_375 : memref<128xi32, #tpu.memory_space<vmem>>) semaphore(%arg16 : memref<!tpu.dma_semaphore, #tpu.memory_space<semaphore_mem>>)
    %dma_start3A_378 = arith.constant 128 : i32
    %dma_start3A_379 = tpu.memref_slice %arg10[%dma_start3A_378] : memref<2048xf32, #tpu.memory_space<vmem>> -> memref<128xf32, #tpu.memory_space<vmem>>
    %dma_start3A_380 = arith.constant 128 : i32
    %dma_start3A_381 = tpu.memref_slice %arg7[%dma_start3A_380] : memref<2048xi32, #tpu.memory_space<vmem>> -> memref<128xi32, #tpu.memory_space<vmem>>
    %dma_start3A_382 = arith.constant 0 : i32
    %dma_start3A_383 = tpu.memref_slice %arg2[%dma_start3A_382] : memref<4000000xf32, #tpu.memory_space<hbm>> -> memref<4000000xf32, #tpu.memory_space<hbm>>
    tpu.enqueue_indirect_dma source(%dma_start3A_383 : memref<4000000xf32, #tpu.memory_space<hbm>>) target(%dma_start3A_379 : memref<128xf32, #tpu.memory_space<vmem>>) offsets(%dma_start3A_381 : memref<128xi32, #tpu.memory_space<vmem>>) semaphore(%arg16 : memref<!tpu.dma_semaphore, #tpu.memory_space<semaphore_mem>>)
    %dma_start3A_384 = arith.constant 256 : i32
    %dma_start3A_385 = tpu.memref_slice %arg10[%dma_start3A_384] : memref<2048xf32, #tpu.memory_space<vmem>> -> memref<128xf32, #tpu.memory_space<vmem>>
    %dma_start3A_386 = arith.constant 256 : i32
    %dma_start3A_387 = tpu.memref_slice %arg7[%dma_start3A_386] : memref<2048xi32, #tpu.memory_space<vmem>> -> memref<128xi32, #tpu.memory_space<vmem>>
    %dma_start3A_388 = arith.constant 0 : i32
    %dma_start3A_389 = tpu.memref_slice %arg2[%dma_start3A_388] : memref<4000000xf32, #tpu.memory_space<hbm>> -> memref<4000000xf32, #tpu.memory_space<hbm>>
    tpu.enqueue_indirect_dma source(%dma_start3A_389 : memref<4000000xf32, #tpu.memory_space<hbm>>) target(%dma_start3A_385 : memref<128xf32, #tpu.memory_space<vmem>>) offsets(%dma_start3A_387 : memref<128xi32, #tpu.memory_space<vmem>>) semaphore(%arg16 : memref<!tpu.dma_semaphore, #tpu.memory_space<semaphore_mem>>)
    %dma_start3A_390 = arith.constant 384 : i32
    %dma_start3A_391 = tpu.memref_slice %arg10[%dma_start3A_390] : memref<2048xf32, #tpu.memory_space<vmem>> -> memref<128xf32, #tpu.memory_space<vmem>>
    %dma_start3A_392 = arith.constant 384 : i32
    %dma_start3A_393 = tpu.memref_slice %arg7[%dma_start3A_392] : memref<2048xi32, #tpu.memory_space<vmem>> -> memref<128xi32, #tpu.memory_space<vmem>>
    %dma_start3A_394 = arith.constant 0 : i32
    %dma_start3A_395 = tpu.memref_slice %arg2[%dma_start3A_394] : memref<4000000xf32, #tpu.memory_space<hbm>> -> memref<4000000xf32, #tpu.memory_space<hbm>>
    tpu.enqueue_indirect_dma source(%dma_start3A_395 : memref<4000000xf32, #tpu.memory_space<hbm>>) target(%dma_start3A_391 : memref<128xf32, #tpu.memory_space<vmem>>) offsets(%dma_start3A_393 : memref<128xi32, #tpu.memory_space<vmem>>) semaphore(%arg16 : memref<!tpu.dma_semaphore, #tpu.memory_space<semaphore_mem>>)
    %dma_start3A_396 = arith.constant 512 : i32
    %dma_start3A_397 = tpu.memref_slice %arg10[%dma_start3A_396] : memref<2048xf32, #tpu.memory_space<vmem>> -> memref<128xf32, #tpu.memory_space<vmem>>
    %dma_start3A_398 = arith.constant 512 : i32
    %dma_start3A_399 = tpu.memref_slice %arg7[%dma_start3A_398] : memref<2048xi32, #tpu.memory_space<vmem>> -> memref<128xi32, #tpu.memory_space<vmem>>
    %dma_start3A_400 = arith.constant 0 : i32
    %dma_start3A_401 = tpu.memref_slice %arg2[%dma_start3A_400] : memref<4000000xf32, #tpu.memory_space<hbm>> -> memref<4000000xf32, #tpu.memory_space<hbm>>
    tpu.enqueue_indirect_dma source(%dma_start3A_401 : memref<4000000xf32, #tpu.memory_space<hbm>>) target(%dma_start3A_397 : memref<128xf32, #tpu.memory_space<vmem>>) offsets(%dma_start3A_399 : memref<128xi32, #tpu.memory_space<vmem>>) semaphore(%arg16 : memref<!tpu.dma_semaphore, #tpu.memory_space<semaphore_mem>>)
    %dma_start3A_402 = arith.constant 640 : i32
    %dma_start3A_403 = tpu.memref_slice %arg10[%dma_start3A_402] : memref<2048xf32, #tpu.memory_space<vmem>> -> memref<128xf32, #tpu.memory_space<vmem>>
    %dma_start3A_404 = arith.constant 640 : i32
    %dma_start3A_405 = tpu.memref_slice %arg7[%dma_start3A_404] : memref<2048xi32, #tpu.memory_space<vmem>> -> memref<128xi32, #tpu.memory_space<vmem>>
    %dma_start3A_406 = arith.constant 0 : i32
    %dma_start3A_407 = tpu.memref_slice %arg2[%dma_start3A_406] : memref<4000000xf32, #tpu.memory_space<hbm>> -> memref<4000000xf32, #tpu.memory_space<hbm>>
    tpu.enqueue_indirect_dma source(%dma_start3A_407 : memref<4000000xf32, #tpu.memory_space<hbm>>) target(%dma_start3A_403 : memref<128xf32, #tpu.memory_space<vmem>>) offsets(%dma_start3A_405 : memref<128xi32, #tpu.memory_space<vmem>>) semaphore(%arg16 : memref<!tpu.dma_semaphore, #tpu.memory_space<semaphore_mem>>)
    %dma_start3A_408 = arith.constant 768 : i32
    %dma_start3A_409 = tpu.memref_slice %arg10[%dma_start3A_408] : memref<2048xf32, #tpu.memory_space<vmem>> -> memref<128xf32, #tpu.memory_space<vmem>>
    %dma_start3A_410 = arith.constant 768 : i32
    %dma_start3A_411 = tpu.memref_slice %arg7[%dma_start3A_410] : memref<2048xi32, #tpu.memory_space<vmem>> -> memref<128xi32, #tpu.memory_space<vmem>>
    %dma_start3A_412 = arith.constant 0 : i32
    %dma_start3A_413 = tpu.memref_slice %arg2[%dma_start3A_412] : memref<4000000xf32, #tpu.memory_space<hbm>> -> memref<4000000xf32, #tpu.memory_space<hbm>>
    tpu.enqueue_indirect_dma source(%dma_start3A_413 : memref<4000000xf32, #tpu.memory_space<hbm>>) target(%dma_start3A_409 : memref<128xf32, #tpu.memory_space<vmem>>) offsets(%dma_start3A_411 : memref<128xi32, #tpu.memory_space<vmem>>) semaphore(%arg16 : memref<!tpu.dma_semaphore, #tpu.memory_space<semaphore_mem>>)
    %dma_start3A_414 = arith.constant 896 : i32
    %dma_start3A_415 = tpu.memref_slice %arg10[%dma_start3A_414] : memref<2048xf32, #tpu.memory_space<vmem>> -> memref<128xf32, #tpu.memory_space<vmem>>
    %dma_start3A_416 = arith.constant 896 : i32
    %dma_start3A_417 = tpu.memref_slice %arg7[%dma_start3A_416] : memref<2048xi32, #tpu.memory_space<vmem>> -> memref<128xi32, #tpu.memory_space<vmem>>
    %dma_start3A_418 = arith.constant 0 : i32
    %dma_start3A_419 = tpu.memref_slice %arg2[%dma_start3A_418] : memref<4000000xf32, #tpu.memory_space<hbm>> -> memref<4000000xf32, #tpu.memory_space<hbm>>
    tpu.enqueue_indirect_dma source(%dma_start3A_419 : memref<4000000xf32, #tpu.memory_space<hbm>>) target(%dma_start3A_415 : memref<128xf32, #tpu.memory_space<vmem>>) offsets(%dma_start3A_417 : memref<128xi32, #tpu.memory_space<vmem>>) semaphore(%arg16 : memref<!tpu.dma_semaphore, #tpu.memory_space<semaphore_mem>>)
    %dma_start3A_420 = arith.constant 1024 : i32
    %dma_start3A_421 = tpu.memref_slice %arg10[%dma_start3A_420] : memref<2048xf32, #tpu.memory_space<vmem>> -> memref<128xf32, #tpu.memory_space<vmem>>
    %dma_start3A_422 = arith.constant 1024 : i32
    %dma_start3A_423 = tpu.memref_slice %arg7[%dma_start3A_422] : memref<2048xi32, #tpu.memory_space<vmem>> -> memref<128xi32, #tpu.memory_space<vmem>>
    %dma_start3A_424 = arith.constant 0 : i32
    %dma_start3A_425 = tpu.memref_slice %arg2[%dma_start3A_424] : memref<4000000xf32, #tpu.memory_space<hbm>> -> memref<4000000xf32, #tpu.memory_space<hbm>>
    tpu.enqueue_indirect_dma source(%dma_start3A_425 : memref<4000000xf32, #tpu.memory_space<hbm>>) target(%dma_start3A_421 : memref<128xf32, #tpu.memory_space<vmem>>) offsets(%dma_start3A_423 : memref<128xi32, #tpu.memory_space<vmem>>) semaphore(%arg16 : memref<!tpu.dma_semaphore, #tpu.memory_space<semaphore_mem>>)
    %dma_start3A_426 = arith.constant 1152 : i32
    %dma_start3A_427 = tpu.memref_slice %arg10[%dma_start3A_426] : memref<2048xf32, #tpu.memory_space<vmem>> -> memref<128xf32, #tpu.memory_space<vmem>>
    %dma_start3A_428 = arith.constant 1152 : i32
    %dma_start3A_429 = tpu.memref_slice %arg7[%dma_start3A_428] : memref<2048xi32, #tpu.memory_space<vmem>> -> memref<128xi32, #tpu.memory_space<vmem>>
    %dma_start3A_430 = arith.constant 0 : i32
    %dma_start3A_431 = tpu.memref_slice %arg2[%dma_start3A_430] : memref<4000000xf32, #tpu.memory_space<hbm>> -> memref<4000000xf32, #tpu.memory_space<hbm>>
    tpu.enqueue_indirect_dma source(%dma_start3A_431 : memref<4000000xf32, #tpu.memory_space<hbm>>) target(%dma_start3A_427 : memref<128xf32, #tpu.memory_space<vmem>>) offsets(%dma_start3A_429 : memref<128xi32, #tpu.memory_space<vmem>>) semaphore(%arg16 : memref<!tpu.dma_semaphore, #tpu.memory_space<semaphore_mem>>)
    %dma_start3A_432 = arith.constant 1280 : i32
    %dma_start3A_433 = tpu.memref_slice %arg10[%dma_start3A_432] : memref<2048xf32, #tpu.memory_space<vmem>> -> memref<128xf32, #tpu.memory_space<vmem>>
    %dma_start3A_434 = arith.constant 1280 : i32
    %dma_start3A_435 = tpu.memref_slice %arg7[%dma_start3A_434] : memref<2048xi32, #tpu.memory_space<vmem>> -> memref<128xi32, #tpu.memory_space<vmem>>
    %dma_start3A_436 = arith.constant 0 : i32
    %dma_start3A_437 = tpu.memref_slice %arg2[%dma_start3A_436] : memref<4000000xf32, #tpu.memory_space<hbm>> -> memref<4000000xf32, #tpu.memory_space<hbm>>
    tpu.enqueue_indirect_dma source(%dma_start3A_437 : memref<4000000xf32, #tpu.memory_space<hbm>>) target(%dma_start3A_433 : memref<128xf32, #tpu.memory_space<vmem>>) offsets(%dma_start3A_435 : memref<128xi32, #tpu.memory_space<vmem>>) semaphore(%arg16 : memref<!tpu.dma_semaphore, #tpu.memory_space<semaphore_mem>>)
    %dma_start3A_438 = arith.constant 1408 : i32
    %dma_start3A_439 = tpu.memref_slice %arg10[%dma_start3A_438] : memref<2048xf32, #tpu.memory_space<vmem>> -> memref<128xf32, #tpu.memory_space<vmem>>
    %dma_start3A_440 = arith.constant 1408 : i32
    %dma_start3A_441 = tpu.memref_slice %arg7[%dma_start3A_440] : memref<2048xi32, #tpu.memory_space<vmem>> -> memref<128xi32, #tpu.memory_space<vmem>>
    %dma_start3A_442 = arith.constant 0 : i32
    %dma_start3A_443 = tpu.memref_slice %arg2[%dma_start3A_442] : memref<4000000xf32, #tpu.memory_space<hbm>> -> memref<4000000xf32, #tpu.memory_space<hbm>>
    tpu.enqueue_indirect_dma source(%dma_start3A_443 : memref<4000000xf32, #tpu.memory_space<hbm>>) target(%dma_start3A_439 : memref<128xf32, #tpu.memory_space<vmem>>) offsets(%dma_start3A_441 : memref<128xi32, #tpu.memory_space<vmem>>) semaphore(%arg16 : memref<!tpu.dma_semaphore, #tpu.memory_space<semaphore_mem>>)
    %dma_start3A_444 = arith.constant 1536 : i32
    %dma_start3A_445 = tpu.memref_slice %arg10[%dma_start3A_444] : memref<2048xf32, #tpu.memory_space<vmem>> -> memref<128xf32, #tpu.memory_space<vmem>>
    %dma_start3A_446 = arith.constant 1536 : i32
    %dma_start3A_447 = tpu.memref_slice %arg7[%dma_start3A_446] : memref<2048xi32, #tpu.memory_space<vmem>> -> memref<128xi32, #tpu.memory_space<vmem>>
    %dma_start3A_448 = arith.constant 0 : i32
    %dma_start3A_449 = tpu.memref_slice %arg2[%dma_start3A_448] : memref<4000000xf32, #tpu.memory_space<hbm>> -> memref<4000000xf32, #tpu.memory_space<hbm>>
    tpu.enqueue_indirect_dma source(%dma_start3A_449 : memref<4000000xf32, #tpu.memory_space<hbm>>) target(%dma_start3A_445 : memref<128xf32, #tpu.memory_space<vmem>>) offsets(%dma_start3A_447 : memref<128xi32, #tpu.memory_space<vmem>>) semaphore(%arg16 : memref<!tpu.dma_semaphore, #tpu.memory_space<semaphore_mem>>)
    %dma_start3A_450 = arith.constant 1664 : i32
    %dma_start3A_451 = tpu.memref_slice %arg10[%dma_start3A_450] : memref<2048xf32, #tpu.memory_space<vmem>> -> memref<128xf32, #tpu.memory_space<vmem>>
    %dma_start3A_452 = arith.constant 1664 : i32
    %dma_start3A_453 = tpu.memref_slice %arg7[%dma_start3A_452] : memref<2048xi32, #tpu.memory_space<vmem>> -> memref<128xi32, #tpu.memory_space<vmem>>
    %dma_start3A_454 = arith.constant 0 : i32
    %dma_start3A_455 = tpu.memref_slice %arg2[%dma_start3A_454] : memref<4000000xf32, #tpu.memory_space<hbm>> -> memref<4000000xf32, #tpu.memory_space<hbm>>
    tpu.enqueue_indirect_dma source(%dma_start3A_455 : memref<4000000xf32, #tpu.memory_space<hbm>>) target(%dma_start3A_451 : memref<128xf32, #tpu.memory_space<vmem>>) offsets(%dma_start3A_453 : memref<128xi32, #tpu.memory_space<vmem>>) semaphore(%arg16 : memref<!tpu.dma_semaphore, #tpu.memory_space<semaphore_mem>>)
    %dma_start3A_456 = arith.constant 1792 : i32
    %dma_start3A_457 = tpu.memref_slice %arg10[%dma_start3A_456] : memref<2048xf32, #tpu.memory_space<vmem>> -> memref<128xf32, #tpu.memory_space<vmem>>
    %dma_start3A_458 = arith.constant 1792 : i32
    %dma_start3A_459 = tpu.memref_slice %arg7[%dma_start3A_458] : memref<2048xi32, #tpu.memory_space<vmem>> -> memref<128xi32, #tpu.memory_space<vmem>>
    %dma_start3A_460 = arith.constant 0 : i32
    %dma_start3A_461 = tpu.memref_slice %arg2[%dma_start3A_460] : memref<4000000xf32, #tpu.memory_space<hbm>> -> memref<4000000xf32, #tpu.memory_space<hbm>>
    tpu.enqueue_indirect_dma source(%dma_start3A_461 : memref<4000000xf32, #tpu.memory_space<hbm>>) target(%dma_start3A_457 : memref<128xf32, #tpu.memory_space<vmem>>) offsets(%dma_start3A_459 : memref<128xi32, #tpu.memory_space<vmem>>) semaphore(%arg16 : memref<!tpu.dma_semaphore, #tpu.memory_space<semaphore_mem>>)
    %dma_start3A_462 = arith.constant 1920 : i32
    %dma_start3A_463 = tpu.memref_slice %arg10[%dma_start3A_462] : memref<2048xf32, #tpu.memory_space<vmem>> -> memref<128xf32, #tpu.memory_space<vmem>>
    %dma_start3A_464 = arith.constant 1920 : i32
    %dma_start3A_465 = tpu.memref_slice %arg7[%dma_start3A_464] : memref<2048xi32, #tpu.memory_space<vmem>> -> memref<128xi32, #tpu.memory_space<vmem>>
    %dma_start3A_466 = arith.constant 0 : i32
    %dma_start3A_467 = tpu.memref_slice %arg2[%dma_start3A_466] : memref<4000000xf32, #tpu.memory_space<hbm>> -> memref<4000000xf32, #tpu.memory_space<hbm>>
    tpu.enqueue_indirect_dma source(%dma_start3A_467 : memref<4000000xf32, #tpu.memory_space<hbm>>) target(%dma_start3A_463 : memref<128xf32, #tpu.memory_space<vmem>>) offsets(%dma_start3A_465 : memref<128xi32, #tpu.memory_space<vmem>>) semaphore(%arg16 : memref<!tpu.dma_semaphore, #tpu.memory_space<semaphore_mem>>)
    %dma_wait3A_468 = arith.constant 0 : i32
    %dma_wait3A_469 = arith.constant 0 : i32
    %dma_wait3A_470 = tpu.memref_slice %arg4[%dma_wait3A_468, %dma_wait3A_469] : memref<200x16384xf32, #tpu.memory_space<hbm>> -> memref<1x16384xf32, #tpu.memory_space<hbm>>
    %dma_wait3A_471 = tpu.memref_squeeze %dma_wait3A_470 : memref<1x16384xf32, #tpu.memory_space<hbm>> -> memref<16384xf32, #tpu.memory_space<hbm>>
    %dma_wait3A_472 = arith.constant 0 : i32
    %dma_wait3A_473 = tpu.memref_slice %dma_wait3A_471[%dma_wait3A_472] : memref<16384xf32, #tpu.memory_space<hbm>> -> memref<2048xf32, #tpu.memory_space<hbm>>
    %dma_wait3A_474 = arith.constant 0 : i32
    %dma_wait3A_475 = tpu.memref_slice %arg4[%dma_wait3A_468, %dma_wait3A_474] : memref<200x16384xf32, #tpu.memory_space<hbm>> -> memref<1x16384xf32, #tpu.memory_space<hbm>>
    %dma_wait3A_476 = tpu.memref_squeeze %dma_wait3A_475 : memref<1x16384xf32, #tpu.memory_space<hbm>> -> memref<16384xf32, #tpu.memory_space<hbm>>
    %dma_wait3A_477 = arith.constant 0 : i32
    %dma_wait3A_478 = tpu.memref_slice %dma_wait3A_476[%dma_wait3A_477] : memref<16384xf32, #tpu.memory_space<hbm>> -> memref<2048xf32, #tpu.memory_space<hbm>>
    tpu.wait_dma2 semaphore(%arg14 : memref<!tpu.dma_semaphore, #tpu.memory_space<semaphore_mem>>) src(%dma_wait3A_478 : memref<2048xf32, #tpu.memory_space<hbm>>) dst(%arg8 : memref<2048xf32, #tpu.memory_space<vmem>>)
    %add3A_479 = arith.constant 0 : i32
    %add3A_480 = arith.addi %mul3A_2, %add3A_479 : i32
    %jit3A_481 = arith.constant 8 : i32
    %div3A_482 = arith.divsi %add3A_480, %jit3A_481 : i32
    %sign3A_483 = arith.constant 0 : i32
    %sign3A_484 = arith.cmpi sgt, %add3A_480, %sign3A_483 : i32
    %sign3A_485 = arith.extui %sign3A_484 : i1 to i32
    %sign3A_486 = arith.constant 0 : i32
    %sign3A_487 = arith.cmpi slt, %add3A_480, %sign3A_486 : i32
    %sign3A_488 = arith.extui %sign3A_487 : i1 to i32
    %sign3A_489 = arith.subi %sign3A_485, %sign3A_488 : i32
    %sign3A_490 = arith.constant 0 : i32
    %sign3A_491 = arith.cmpi sgt, %jit3A_481, %sign3A_490 : i32
    %sign3A_492 = arith.extui %sign3A_491 : i1 to i32
    %sign3A_493 = arith.constant 0 : i32
    %sign3A_494 = arith.cmpi slt, %jit3A_481, %sign3A_493 : i32
    %sign3A_495 = arith.extui %sign3A_494 : i1 to i32
    %sign3A_496 = arith.subi %sign3A_492, %sign3A_495 : i32
    %ne3A_497 = arith.cmpi ne, %sign3A_489, %sign3A_496 : i32
    %rem3A_498 = arith.remsi %add3A_480, %jit3A_481 : i32
    %ne3A_499 = arith.constant 0 : i32
    %ne3A_500 = arith.cmpi ne, %rem3A_498, %ne3A_499 : i32
    %and3A_501 = arith.andi %ne3A_497, %ne3A_500 : i1
    %sub3A_502 = arith.constant 1 : i32
    %sub3A_503 = arith.subi %div3A_482, %sub3A_502 : i32
    %select_n3A_504 = arith.select %and3A_501, %sub3A_503, %div3A_482 : i32
    %jit3A_505 = arith.constant 8 : i32
    %eq3A_506 = arith.constant 0 : i32
    %eq3A_507 = arith.cmpi eq, %jit3A_505, %eq3A_506 : i32
    %jit3A_508 = arith.constant 1 : i32
    %select_n3A_509 = arith.select %eq3A_507, %jit3A_508, %jit3A_505 : i32
    %rem3A_510 = arith.remsi %add3A_480, %select_n3A_509 : i32
    %ne3A_511 = arith.constant 0 : i32
    %ne3A_512 = arith.cmpi ne, %rem3A_510, %ne3A_511 : i32
    %lt3A_513 = arith.constant 0 : i32
    %lt3A_514 = arith.cmpi slt, %rem3A_510, %lt3A_513 : i32
    %lt3A_515 = arith.constant 0 : i32
    %lt3A_516 = arith.cmpi slt, %select_n3A_509, %lt3A_515 : i32
    %ne3A_517 = arith.xori %lt3A_514, %lt3A_516 : i1
    %and3A_518 = arith.andi %ne3A_517, %ne3A_512 : i1
    %add3A_519 = arith.addi %rem3A_510, %select_n3A_509 : i32
    %select_n3A_520 = arith.select %and3A_518, %add3A_519, %rem3A_510 : i32
    %mul3A_521 = arith.constant 2048 : i32
    %mul3A_522 = arith.muli %select_n3A_520, %mul3A_521 : i32
    %dma_start3A_523 = arith.constant 0 : i32
    %dma_start3A_524 = tpu.memref_slice %arg4[%select_n3A_504, %dma_start3A_523] : memref<200x16384xf32, #tpu.memory_space<hbm>> -> memref<1x16384xf32, #tpu.memory_space<hbm>>
    %dma_start3A_525 = tpu.memref_squeeze %dma_start3A_524 : memref<1x16384xf32, #tpu.memory_space<hbm>> -> memref<16384xf32, #tpu.memory_space<hbm>>
    %dma_start3A_526 = tpu.memref_slice %dma_start3A_525[%mul3A_522] : memref<16384xf32, #tpu.memory_space<hbm>> -> memref<2048xf32, #tpu.memory_space<hbm>>
    %dma_start3A_527 = arith.constant 0 : i32
    %dma_start3A_528 = tpu.memref_slice %arg4[%select_n3A_504, %dma_start3A_527] : memref<200x16384xf32, #tpu.memory_space<hbm>> -> memref<1x16384xf32, #tpu.memory_space<hbm>>
    %dma_start3A_529 = tpu.memref_squeeze %dma_start3A_528 : memref<1x16384xf32, #tpu.memory_space<hbm>> -> memref<16384xf32, #tpu.memory_space<hbm>>
    %dma_start3A_530 = tpu.memref_slice %dma_start3A_529[%mul3A_522] : memref<16384xf32, #tpu.memory_space<hbm>> -> memref<2048xf32, #tpu.memory_space<hbm>>
    tpu.enqueue_dma source(%arg8 : memref<2048xf32, #tpu.memory_space<vmem>>) target(%dma_start3A_530 : memref<2048xf32, #tpu.memory_space<hbm>>) target_semaphore(%arg17 : memref<!tpu.dma_semaphore, #tpu.memory_space<semaphore_mem>>)
    %add3A_531 = arith.constant 3 : i32
    %add3A_532 = arith.addi %mul3A_2, %add3A_531 : i32
    %jit3A_533 = arith.constant 8 : i32
    %div3A_534 = arith.divsi %add3A_532, %jit3A_533 : i32
    %sign3A_535 = arith.constant 0 : i32
    %sign3A_536 = arith.cmpi sgt, %add3A_532, %sign3A_535 : i32
    %sign3A_537 = arith.extui %sign3A_536 : i1 to i32
    %sign3A_538 = arith.constant 0 : i32
    %sign3A_539 = arith.cmpi slt, %add3A_532, %sign3A_538 : i32
    %sign3A_540 = arith.extui %sign3A_539 : i1 to i32
    %sign3A_541 = arith.subi %sign3A_537, %sign3A_540 : i32
    %sign3A_542 = arith.constant 0 : i32
    %sign3A_543 = arith.cmpi sgt, %jit3A_533, %sign3A_542 : i32
    %sign3A_544 = arith.extui %sign3A_543 : i1 to i32
    %sign3A_545 = arith.constant 0 : i32
    %sign3A_546 = arith.cmpi slt, %jit3A_533, %sign3A_545 : i32
    %sign3A_547 = arith.extui %sign3A_546 : i1 to i32
    %sign3A_548 = arith.subi %sign3A_544, %sign3A_547 : i32
    %ne3A_549 = arith.cmpi ne, %sign3A_541, %sign3A_548 : i32
    %rem3A_550 = arith.remsi %add3A_532, %jit3A_533 : i32
    %ne3A_551 = arith.constant 0 : i32
    %ne3A_552 = arith.cmpi ne, %rem3A_550, %ne3A_551 : i32
    %and3A_553 = arith.andi %ne3A_549, %ne3A_552 : i1
    %sub3A_554 = arith.constant 1 : i32
    %sub3A_555 = arith.subi %div3A_534, %sub3A_554 : i32
    %select_n3A_556 = arith.select %and3A_553, %sub3A_555, %div3A_534 : i32
    %jit3A_557 = arith.constant 8 : i32
    %eq3A_558 = arith.constant 0 : i32
    %eq3A_559 = arith.cmpi eq, %jit3A_557, %eq3A_558 : i32
    %jit3A_560 = arith.constant 1 : i32
    %select_n3A_561 = arith.select %eq3A_559, %jit3A_560, %jit3A_557 : i32
    %rem3A_562 = arith.remsi %add3A_532, %select_n3A_561 : i32
    %ne3A_563 = arith.constant 0 : i32
    %ne3A_564 = arith.cmpi ne, %rem3A_562, %ne3A_563 : i32
    %lt3A_565 = arith.constant 0 : i32
    %lt3A_566 = arith.cmpi slt, %rem3A_562, %lt3A_565 : i32
    %lt3A_567 = arith.constant 0 : i32
    %lt3A_568 = arith.cmpi slt, %select_n3A_561, %lt3A_567 : i32
    %ne3A_569 = arith.xori %lt3A_566, %lt3A_568 : i1
    %and3A_570 = arith.andi %ne3A_569, %ne3A_564 : i1
    %add3A_571 = arith.addi %rem3A_562, %select_n3A_561 : i32
    %select_n3A_572 = arith.select %and3A_570, %add3A_571, %rem3A_562 : i32
    %mul3A_573 = arith.constant 2048 : i32
    %mul3A_574 = arith.muli %select_n3A_572, %mul3A_573 : i32
    %dma_start3A_575 = arith.constant 0 : i32
    %dma_start3A_576 = tpu.memref_slice %arg3[%select_n3A_556, %dma_start3A_575] : memref<200x16384xi32, #tpu.memory_space<hbm>> -> memref<1x16384xi32, #tpu.memory_space<hbm>>
    %dma_start3A_577 = tpu.memref_squeeze %dma_start3A_576 : memref<1x16384xi32, #tpu.memory_space<hbm>> -> memref<16384xi32, #tpu.memory_space<hbm>>
    %dma_start3A_578 = tpu.memref_slice %dma_start3A_577[%mul3A_574] : memref<16384xi32, #tpu.memory_space<hbm>> -> memref<2048xi32, #tpu.memory_space<hbm>>
    %dma_start3A_579 = arith.constant 0 : i32
    %dma_start3A_580 = tpu.memref_slice %arg3[%select_n3A_556, %dma_start3A_579] : memref<200x16384xi32, #tpu.memory_space<hbm>> -> memref<1x16384xi32, #tpu.memory_space<hbm>>
    %dma_start3A_581 = tpu.memref_squeeze %dma_start3A_580 : memref<1x16384xi32, #tpu.memory_space<hbm>> -> memref<16384xi32, #tpu.memory_space<hbm>>
    %dma_start3A_582 = tpu.memref_slice %dma_start3A_581[%mul3A_574] : memref<16384xi32, #tpu.memory_space<hbm>> -> memref<2048xi32, #tpu.memory_space<hbm>>
    tpu.enqueue_dma source(%dma_start3A_582 : memref<2048xi32, #tpu.memory_space<hbm>>) target(%arg5 : memref<2048xi32, #tpu.memory_space<vmem>>) target_semaphore(%arg11 : memref<!tpu.dma_semaphore, #tpu.memory_space<semaphore_mem>>)
    %scan3A = arith.constant 0 : i32
    %scan3A_583 = arith.constant 0 : i32
    %scan3A_584 = arith.constant 15 : i32
    %scan3A_585 = arith.addi %scan3A_583, %scan3A_584 : i32
    %scan3A_586 = arith.constant 1 : i32
    scf.for %scan3A_1161 = %scan3A_583 to %scan3A_585 step %scan3A_586  : i32 {
      %mul3A_1162 = arith.constant 3 : i32
      %mul3A_1163 = arith.muli %mul3A_1162, %scan3A_1161 : i32
      %add3A_1164 = arith.constant 1 : i32
      %add3A_1165 = arith.addi %mul3A_1163, %add3A_1164 : i32
      %dma_wait3A_1166 = arith.constant 0 : i32
      %dma_wait3A_1167 = arith.constant 0 : i32
      %dma_wait3A_1168 = tpu.memref_slice %arg4[%dma_wait3A_1166, %dma_wait3A_1167] : memref<200x16384xf32, #tpu.memory_space<hbm>> -> memref<1x16384xf32, #tpu.memory_space<hbm>>
      %dma_wait3A_1169 = tpu.memref_squeeze %dma_wait3A_1168 : memref<1x16384xf32, #tpu.memory_space<hbm>> -> memref<16384xf32, #tpu.memory_space<hbm>>
      %dma_wait3A_1170 = arith.constant 0 : i32
      %dma_wait3A_1171 = tpu.memref_slice %dma_wait3A_1169[%dma_wait3A_1170] : memref<16384xf32, #tpu.memory_space<hbm>> -> memref<2048xf32, #tpu.memory_space<hbm>>
      %dma_wait3A_1172 = arith.constant 0 : i32
      %dma_wait3A_1173 = tpu.memref_slice %arg4[%dma_wait3A_1166, %dma_wait3A_1172] : memref<200x16384xf32, #tpu.memory_space<hbm>> -> memref<1x16384xf32, #tpu.memory_space<hbm>>
      %dma_wait3A_1174 = tpu.memref_squeeze %dma_wait3A_1173 : memref<1x16384xf32, #tpu.memory_space<hbm>> -> memref<16384xf32, #tpu.memory_space<hbm>>
      %dma_wait3A_1175 = arith.constant 0 : i32
      %dma_wait3A_1176 = tpu.memref_slice %dma_wait3A_1174[%dma_wait3A_1175] : memref<16384xf32, #tpu.memory_space<hbm>> -> memref<2048xf32, #tpu.memory_space<hbm>>
      tpu.wait_dma2 semaphore(%arg17 : memref<!tpu.dma_semaphore, #tpu.memory_space<semaphore_mem>>) src(%arg8 : memref<2048xf32, #tpu.memory_space<vmem>>) dst(%dma_wait3A_1176 : memref<2048xf32, #tpu.memory_space<hbm>>)
      %dma_wait3A_1177 = arith.constant 0 : i32
      %dma_wait3A_1178 = arith.constant 0 : i32
      %dma_wait3A_1179 = tpu.memref_slice %arg3[%dma_wait3A_1177, %dma_wait3A_1178] : memref<200x16384xi32, #tpu.memory_space<hbm>> -> memref<1x16384xi32, #tpu.memory_space<hbm>>
      %dma_wait3A_1180 = tpu.memref_squeeze %dma_wait3A_1179 : memref<1x16384xi32, #tpu.memory_space<hbm>> -> memref<16384xi32, #tpu.memory_space<hbm>>
      %dma_wait3A_1181 = arith.constant 0 : i32
      %dma_wait3A_1182 = tpu.memref_slice %dma_wait3A_1180[%dma_wait3A_1181] : memref<16384xi32, #tpu.memory_space<hbm>> -> memref<2048xi32, #tpu.memory_space<hbm>>
      %dma_wait3A_1183 = arith.constant 0 : i32
      %dma_wait3A_1184 = tpu.memref_slice %arg3[%dma_wait3A_1177, %dma_wait3A_1183] : memref<200x16384xi32, #tpu.memory_space<hbm>> -> memref<1x16384xi32, #tpu.memory_space<hbm>>
      %dma_wait3A_1185 = tpu.memref_squeeze %dma_wait3A_1184 : memref<1x16384xi32, #tpu.memory_space<hbm>> -> memref<16384xi32, #tpu.memory_space<hbm>>
      %dma_wait3A_1186 = arith.constant 0 : i32
      %dma_wait3A_1187 = tpu.memref_slice %dma_wait3A_1185[%dma_wait3A_1186] : memref<16384xi32, #tpu.memory_space<hbm>> -> memref<2048xi32, #tpu.memory_space<hbm>>
      tpu.wait_dma2 semaphore(%arg11 : memref<!tpu.dma_semaphore, #tpu.memory_space<semaphore_mem>>) src(%dma_wait3A_1187 : memref<2048xi32, #tpu.memory_space<hbm>>) dst(%arg5 : memref<2048xi32, #tpu.memory_space<vmem>>)
      %add3A_1188 = arith.constant 2 : i32
      %add3A_1189 = arith.addi %add3A_1165, %add3A_1188 : i32
      %dma_start3A_1190 = arith.constant 0 : i32
      %dma_start3A_1191 = tpu.memref_slice %arg8[%dma_start3A_1190] : memref<2048xf32, #tpu.memory_space<vmem>> -> memref<128xf32, #tpu.memory_space<vmem>>
      %dma_start3A_1192 = arith.constant 0 : i32
      %dma_start3A_1193 = tpu.memref_slice %arg5[%dma_start3A_1192] : memref<2048xi32, #tpu.memory_space<vmem>> -> memref<128xi32, #tpu.memory_space<vmem>>
      %dma_start3A_1194 = arith.constant 0 : i32
      %dma_start3A_1195 = tpu.memref_slice %arg2[%dma_start3A_1194] : memref<4000000xf32, #tpu.memory_space<hbm>> -> memref<4000000xf32, #tpu.memory_space<hbm>>
      tpu.enqueue_indirect_dma source(%dma_start3A_1195 : memref<4000000xf32, #tpu.memory_space<hbm>>) target(%dma_start3A_1191 : memref<128xf32, #tpu.memory_space<vmem>>) offsets(%dma_start3A_1193 : memref<128xi32, #tpu.memory_space<vmem>>) semaphore(%arg14 : memref<!tpu.dma_semaphore, #tpu.memory_space<semaphore_mem>>)
      %dma_start3A_1196 = arith.constant 128 : i32
      %dma_start3A_1197 = tpu.memref_slice %arg8[%dma_start3A_1196] : memref<2048xf32, #tpu.memory_space<vmem>> -> memref<128xf32, #tpu.memory_space<vmem>>
      %dma_start3A_1198 = arith.constant 128 : i32
      %dma_start3A_1199 = tpu.memref_slice %arg5[%dma_start3A_1198] : memref<2048xi32, #tpu.memory_space<vmem>> -> memref<128xi32, #tpu.memory_space<vmem>>
      %dma_start3A_1200 = arith.constant 0 : i32
      %dma_start3A_1201 = tpu.memref_slice %arg2[%dma_start3A_1200] : memref<4000000xf32, #tpu.memory_space<hbm>> -> memref<4000000xf32, #tpu.memory_space<hbm>>
      tpu.enqueue_indirect_dma source(%dma_start3A_1201 : memref<4000000xf32, #tpu.memory_space<hbm>>) target(%dma_start3A_1197 : memref<128xf32, #tpu.memory_space<vmem>>) offsets(%dma_start3A_1199 : memref<128xi32, #tpu.memory_space<vmem>>) semaphore(%arg14 : memref<!tpu.dma_semaphore, #tpu.memory_space<semaphore_mem>>)
      %dma_start3A_1202 = arith.constant 256 : i32
      %dma_start3A_1203 = tpu.memref_slice %arg8[%dma_start3A_1202] : memref<2048xf32, #tpu.memory_space<vmem>> -> memref<128xf32, #tpu.memory_space<vmem>>
      %dma_start3A_1204 = arith.constant 256 : i32
      %dma_start3A_1205 = tpu.memref_slice %arg5[%dma_start3A_1204] : memref<2048xi32, #tpu.memory_space<vmem>> -> memref<128xi32, #tpu.memory_space<vmem>>
      %dma_start3A_1206 = arith.constant 0 : i32
      %dma_start3A_1207 = tpu.memref_slice %arg2[%dma_start3A_1206] : memref<4000000xf32, #tpu.memory_space<hbm>> -> memref<4000000xf32, #tpu.memory_space<hbm>>
      tpu.enqueue_indirect_dma source(%dma_start3A_1207 : memref<4000000xf32, #tpu.memory_space<hbm>>) target(%dma_start3A_1203 : memref<128xf32, #tpu.memory_space<vmem>>) offsets(%dma_start3A_1205 : memref<128xi32, #tpu.memory_space<vmem>>) semaphore(%arg14 : memref<!tpu.dma_semaphore, #tpu.memory_space<semaphore_mem>>)
      %dma_start3A_1208 = arith.constant 384 : i32
      %dma_start3A_1209 = tpu.memref_slice %arg8[%dma_start3A_1208] : memref<2048xf32, #tpu.memory_space<vmem>> -> memref<128xf32, #tpu.memory_space<vmem>>
      %dma_start3A_1210 = arith.constant 384 : i32
      %dma_start3A_1211 = tpu.memref_slice %arg5[%dma_start3A_1210] : memref<2048xi32, #tpu.memory_space<vmem>> -> memref<128xi32, #tpu.memory_space<vmem>>
      %dma_start3A_1212 = arith.constant 0 : i32
      %dma_start3A_1213 = tpu.memref_slice %arg2[%dma_start3A_1212] : memref<4000000xf32, #tpu.memory_space<hbm>> -> memref<4000000xf32, #tpu.memory_space<hbm>>
      tpu.enqueue_indirect_dma source(%dma_start3A_1213 : memref<4000000xf32, #tpu.memory_space<hbm>>) target(%dma_start3A_1209 : memref<128xf32, #tpu.memory_space<vmem>>) offsets(%dma_start3A_1211 : memref<128xi32, #tpu.memory_space<vmem>>) semaphore(%arg14 : memref<!tpu.dma_semaphore, #tpu.memory_space<semaphore_mem>>)
      %dma_start3A_1214 = arith.constant 512 : i32
      %dma_start3A_1215 = tpu.memref_slice %arg8[%dma_start3A_1214] : memref<2048xf32, #tpu.memory_space<vmem>> -> memref<128xf32, #tpu.memory_space<vmem>>
      %dma_start3A_1216 = arith.constant 512 : i32
      %dma_start3A_1217 = tpu.memref_slice %arg5[%dma_start3A_1216] : memref<2048xi32, #tpu.memory_space<vmem>> -> memref<128xi32, #tpu.memory_space<vmem>>
      %dma_start3A_1218 = arith.constant 0 : i32
      %dma_start3A_1219 = tpu.memref_slice %arg2[%dma_start3A_1218] : memref<4000000xf32, #tpu.memory_space<hbm>> -> memref<4000000xf32, #tpu.memory_space<hbm>>
      tpu.enqueue_indirect_dma source(%dma_start3A_1219 : memref<4000000xf32, #tpu.memory_space<hbm>>) target(%dma_start3A_1215 : memref<128xf32, #tpu.memory_space<vmem>>) offsets(%dma_start3A_1217 : memref<128xi32, #tpu.memory_space<vmem>>) semaphore(%arg14 : memref<!tpu.dma_semaphore, #tpu.memory_space<semaphore_mem>>)
      %dma_start3A_1220 = arith.constant 640 : i32
      %dma_start3A_1221 = tpu.memref_slice %arg8[%dma_start3A_1220] : memref<2048xf32, #tpu.memory_space<vmem>> -> memref<128xf32, #tpu.memory_space<vmem>>
      %dma_start3A_1222 = arith.constant 640 : i32
      %dma_start3A_1223 = tpu.memref_slice %arg5[%dma_start3A_1222] : memref<2048xi32, #tpu.memory_space<vmem>> -> memref<128xi32, #tpu.memory_space<vmem>>
      %dma_start3A_1224 = arith.constant 0 : i32
      %dma_start3A_1225 = tpu.memref_slice %arg2[%dma_start3A_1224] : memref<4000000xf32, #tpu.memory_space<hbm>> -> memref<4000000xf32, #tpu.memory_space<hbm>>
      tpu.enqueue_indirect_dma source(%dma_start3A_1225 : memref<4000000xf32, #tpu.memory_space<hbm>>) target(%dma_start3A_1221 : memref<128xf32, #tpu.memory_space<vmem>>) offsets(%dma_start3A_1223 : memref<128xi32, #tpu.memory_space<vmem>>) semaphore(%arg14 : memref<!tpu.dma_semaphore, #tpu.memory_space<semaphore_mem>>)
      %dma_start3A_1226 = arith.constant 768 : i32
      %dma_start3A_1227 = tpu.memref_slice %arg8[%dma_start3A_1226] : memref<2048xf32, #tpu.memory_space<vmem>> -> memref<128xf32, #tpu.memory_space<vmem>>
      %dma_start3A_1228 = arith.constant 768 : i32
      %dma_start3A_1229 = tpu.memref_slice %arg5[%dma_start3A_1228] : memref<2048xi32, #tpu.memory_space<vmem>> -> memref<128xi32, #tpu.memory_space<vmem>>
      %dma_start3A_1230 = arith.constant 0 : i32
      %dma_start3A_1231 = tpu.memref_slice %arg2[%dma_start3A_1230] : memref<4000000xf32, #tpu.memory_space<hbm>> -> memref<4000000xf32, #tpu.memory_space<hbm>>
      tpu.enqueue_indirect_dma source(%dma_start3A_1231 : memref<4000000xf32, #tpu.memory_space<hbm>>) target(%dma_start3A_1227 : memref<128xf32, #tpu.memory_space<vmem>>) offsets(%dma_start3A_1229 : memref<128xi32, #tpu.memory_space<vmem>>) semaphore(%arg14 : memref<!tpu.dma_semaphore, #tpu.memory_space<semaphore_mem>>)
      %dma_start3A_1232 = arith.constant 896 : i32
      %dma_start3A_1233 = tpu.memref_slice %arg8[%dma_start3A_1232] : memref<2048xf32, #tpu.memory_space<vmem>> -> memref<128xf32, #tpu.memory_space<vmem>>
      %dma_start3A_1234 = arith.constant 896 : i32
      %dma_start3A_1235 = tpu.memref_slice %arg5[%dma_start3A_1234] : memref<2048xi32, #tpu.memory_space<vmem>> -> memref<128xi32, #tpu.memory_space<vmem>>
      %dma_start3A_1236 = arith.constant 0 : i32
      %dma_start3A_1237 = tpu.memref_slice %arg2[%dma_start3A_1236] : memref<4000000xf32, #tpu.memory_space<hbm>> -> memref<4000000xf32, #tpu.memory_space<hbm>>
      tpu.enqueue_indirect_dma source(%dma_start3A_1237 : memref<4000000xf32, #tpu.memory_space<hbm>>) target(%dma_start3A_1233 : memref<128xf32, #tpu.memory_space<vmem>>) offsets(%dma_start3A_1235 : memref<128xi32, #tpu.memory_space<vmem>>) semaphore(%arg14 : memref<!tpu.dma_semaphore, #tpu.memory_space<semaphore_mem>>)
      %dma_start3A_1238 = arith.constant 1024 : i32
      %dma_start3A_1239 = tpu.memref_slice %arg8[%dma_start3A_1238] : memref<2048xf32, #tpu.memory_space<vmem>> -> memref<128xf32, #tpu.memory_space<vmem>>
      %dma_start3A_1240 = arith.constant 1024 : i32
      %dma_start3A_1241 = tpu.memref_slice %arg5[%dma_start3A_1240] : memref<2048xi32, #tpu.memory_space<vmem>> -> memref<128xi32, #tpu.memory_space<vmem>>
      %dma_start3A_1242 = arith.constant 0 : i32
      %dma_start3A_1243 = tpu.memref_slice %arg2[%dma_start3A_1242] : memref<4000000xf32, #tpu.memory_space<hbm>> -> memref<4000000xf32, #tpu.memory_space<hbm>>
      tpu.enqueue_indirect_dma source(%dma_start3A_1243 : memref<4000000xf32, #tpu.memory_space<hbm>>) target(%dma_start3A_1239 : memref<128xf32, #tpu.memory_space<vmem>>) offsets(%dma_start3A_1241 : memref<128xi32, #tpu.memory_space<vmem>>) semaphore(%arg14 : memref<!tpu.dma_semaphore, #tpu.memory_space<semaphore_mem>>)
      %dma_start3A_1244 = arith.constant 1152 : i32
      %dma_start3A_1245 = tpu.memref_slice %arg8[%dma_start3A_1244] : memref<2048xf32, #tpu.memory_space<vmem>> -> memref<128xf32, #tpu.memory_space<vmem>>
      %dma_start3A_1246 = arith.constant 1152 : i32
      %dma_start3A_1247 = tpu.memref_slice %arg5[%dma_start3A_1246] : memref<2048xi32, #tpu.memory_space<vmem>> -> memref<128xi32, #tpu.memory_space<vmem>>
      %dma_start3A_1248 = arith.constant 0 : i32
      %dma_start3A_1249 = tpu.memref_slice %arg2[%dma_start3A_1248] : memref<4000000xf32, #tpu.memory_space<hbm>> -> memref<4000000xf32, #tpu.memory_space<hbm>>
      tpu.enqueue_indirect_dma source(%dma_start3A_1249 : memref<4000000xf32, #tpu.memory_space<hbm>>) target(%dma_start3A_1245 : memref<128xf32, #tpu.memory_space<vmem>>) offsets(%dma_start3A_1247 : memref<128xi32, #tpu.memory_space<vmem>>) semaphore(%arg14 : memref<!tpu.dma_semaphore, #tpu.memory_space<semaphore_mem>>)
      %dma_start3A_1250 = arith.constant 1280 : i32
      %dma_start3A_1251 = tpu.memref_slice %arg8[%dma_start3A_1250] : memref<2048xf32, #tpu.memory_space<vmem>> -> memref<128xf32, #tpu.memory_space<vmem>>
      %dma_start3A_1252 = arith.constant 1280 : i32
      %dma_start3A_1253 = tpu.memref_slice %arg5[%dma_start3A_1252] : memref<2048xi32, #tpu.memory_space<vmem>> -> memref<128xi32, #tpu.memory_space<vmem>>
      %dma_start3A_1254 = arith.constant 0 : i32
      %dma_start3A_1255 = tpu.memref_slice %arg2[%dma_start3A_1254] : memref<4000000xf32, #tpu.memory_space<hbm>> -> memref<4000000xf32, #tpu.memory_space<hbm>>
      tpu.enqueue_indirect_dma source(%dma_start3A_1255 : memref<4000000xf32, #tpu.memory_space<hbm>>) target(%dma_start3A_1251 : memref<128xf32, #tpu.memory_space<vmem>>) offsets(%dma_start3A_1253 : memref<128xi32, #tpu.memory_space<vmem>>) semaphore(%arg14 : memref<!tpu.dma_semaphore, #tpu.memory_space<semaphore_mem>>)
      %dma_start3A_1256 = arith.constant 1408 : i32
      %dma_start3A_1257 = tpu.memref_slice %arg8[%dma_start3A_1256] : memref<2048xf32, #tpu.memory_space<vmem>> -> memref<128xf32, #tpu.memory_space<vmem>>
      %dma_start3A_1258 = arith.constant 1408 : i32
      %dma_start3A_1259 = tpu.memref_slice %arg5[%dma_start3A_1258] : memref<2048xi32, #tpu.memory_space<vmem>> -> memref<128xi32, #tpu.memory_space<vmem>>
      %dma_start3A_1260 = arith.constant 0 : i32
      %dma_start3A_1261 = tpu.memref_slice %arg2[%dma_start3A_1260] : memref<4000000xf32, #tpu.memory_space<hbm>> -> memref<4000000xf32, #tpu.memory_space<hbm>>
      tpu.enqueue_indirect_dma source(%dma_start3A_1261 : memref<4000000xf32, #tpu.memory_space<hbm>>) target(%dma_start3A_1257 : memref<128xf32, #tpu.memory_space<vmem>>) offsets(%dma_start3A_1259 : memref<128xi32, #tpu.memory_space<vmem>>) semaphore(%arg14 : memref<!tpu.dma_semaphore, #tpu.memory_space<semaphore_mem>>)
      %dma_start3A_1262 = arith.constant 1536 : i32
      %dma_start3A_1263 = tpu.memref_slice %arg8[%dma_start3A_1262] : memref<2048xf32, #tpu.memory_space<vmem>> -> memref<128xf32, #tpu.memory_space<vmem>>
      %dma_start3A_1264 = arith.constant 1536 : i32
      %dma_start3A_1265 = tpu.memref_slice %arg5[%dma_start3A_1264] : memref<2048xi32, #tpu.memory_space<vmem>> -> memref<128xi32, #tpu.memory_space<vmem>>
      %dma_start3A_1266 = arith.constant 0 : i32
      %dma_start3A_1267 = tpu.memref_slice %arg2[%dma_start3A_1266] : memref<4000000xf32, #tpu.memory_space<hbm>> -> memref<4000000xf32, #tpu.memory_space<hbm>>
      tpu.enqueue_indirect_dma source(%dma_start3A_1267 : memref<4000000xf32, #tpu.memory_space<hbm>>) target(%dma_start3A_1263 : memref<128xf32, #tpu.memory_space<vmem>>) offsets(%dma_start3A_1265 : memref<128xi32, #tpu.memory_space<vmem>>) semaphore(%arg14 : memref<!tpu.dma_semaphore, #tpu.memory_space<semaphore_mem>>)
      %dma_start3A_1268 = arith.constant 1664 : i32
      %dma_start3A_1269 = tpu.memref_slice %arg8[%dma_start3A_1268] : memref<2048xf32, #tpu.memory_space<vmem>> -> memref<128xf32, #tpu.memory_space<vmem>>
      %dma_start3A_1270 = arith.constant 1664 : i32
      %dma_start3A_1271 = tpu.memref_slice %arg5[%dma_start3A_1270] : memref<2048xi32, #tpu.memory_space<vmem>> -> memref<128xi32, #tpu.memory_space<vmem>>
      %dma_start3A_1272 = arith.constant 0 : i32
      %dma_start3A_1273 = tpu.memref_slice %arg2[%dma_start3A_1272] : memref<4000000xf32, #tpu.memory_space<hbm>> -> memref<4000000xf32, #tpu.memory_space<hbm>>
      tpu.enqueue_indirect_dma source(%dma_start3A_1273 : memref<4000000xf32, #tpu.memory_space<hbm>>) target(%dma_start3A_1269 : memref<128xf32, #tpu.memory_space<vmem>>) offsets(%dma_start3A_1271 : memref<128xi32, #tpu.memory_space<vmem>>) semaphore(%arg14 : memref<!tpu.dma_semaphore, #tpu.memory_space<semaphore_mem>>)
      %dma_start3A_1274 = arith.constant 1792 : i32
      %dma_start3A_1275 = tpu.memref_slice %arg8[%dma_start3A_1274] : memref<2048xf32, #tpu.memory_space<vmem>> -> memref<128xf32, #tpu.memory_space<vmem>>
      %dma_start3A_1276 = arith.constant 1792 : i32
      %dma_start3A_1277 = tpu.memref_slice %arg5[%dma_start3A_1276] : memref<2048xi32, #tpu.memory_space<vmem>> -> memref<128xi32, #tpu.memory_space<vmem>>
      %dma_start3A_1278 = arith.constant 0 : i32
      %dma_start3A_1279 = tpu.memref_slice %arg2[%dma_start3A_1278] : memref<4000000xf32, #tpu.memory_space<hbm>> -> memref<4000000xf32, #tpu.memory_space<hbm>>
      tpu.enqueue_indirect_dma source(%dma_start3A_1279 : memref<4000000xf32, #tpu.memory_space<hbm>>) target(%dma_start3A_1275 : memref<128xf32, #tpu.memory_space<vmem>>) offsets(%dma_start3A_1277 : memref<128xi32, #tpu.memory_space<vmem>>) semaphore(%arg14 : memref<!tpu.dma_semaphore, #tpu.memory_space<semaphore_mem>>)
      %dma_start3A_1280 = arith.constant 1920 : i32
      %dma_start3A_1281 = tpu.memref_slice %arg8[%dma_start3A_1280] : memref<2048xf32, #tpu.memory_space<vmem>> -> memref<128xf32, #tpu.memory_space<vmem>>
      %dma_start3A_1282 = arith.constant 1920 : i32
      %dma_start3A_1283 = tpu.memref_slice %arg5[%dma_start3A_1282] : memref<2048xi32, #tpu.memory_space<vmem>> -> memref<128xi32, #tpu.memory_space<vmem>>
      %dma_start3A_1284 = arith.constant 0 : i32
      %dma_start3A_1285 = tpu.memref_slice %arg2[%dma_start3A_1284] : memref<4000000xf32, #tpu.memory_space<hbm>> -> memref<4000000xf32, #tpu.memory_space<hbm>>
      tpu.enqueue_indirect_dma source(%dma_start3A_1285 : memref<4000000xf32, #tpu.memory_space<hbm>>) target(%dma_start3A_1281 : memref<128xf32, #tpu.memory_space<vmem>>) offsets(%dma_start3A_1283 : memref<128xi32, #tpu.memory_space<vmem>>) semaphore(%arg14 : memref<!tpu.dma_semaphore, #tpu.memory_space<semaphore_mem>>)
      %dma_wait3A_1286 = arith.constant 0 : i32
      %dma_wait3A_1287 = arith.constant 0 : i32
      %dma_wait3A_1288 = tpu.memref_slice %arg4[%dma_wait3A_1286, %dma_wait3A_1287] : memref<200x16384xf32, #tpu.memory_space<hbm>> -> memref<1x16384xf32, #tpu.memory_space<hbm>>
      %dma_wait3A_1289 = tpu.memref_squeeze %dma_wait3A_1288 : memref<1x16384xf32, #tpu.memory_space<hbm>> -> memref<16384xf32, #tpu.memory_space<hbm>>
      %dma_wait3A_1290 = arith.constant 0 : i32
      %dma_wait3A_1291 = tpu.memref_slice %dma_wait3A_1289[%dma_wait3A_1290] : memref<16384xf32, #tpu.memory_space<hbm>> -> memref<2048xf32, #tpu.memory_space<hbm>>
      %dma_wait3A_1292 = arith.constant 0 : i32
      %dma_wait3A_1293 = tpu.memref_slice %arg4[%dma_wait3A_1286, %dma_wait3A_1292] : memref<200x16384xf32, #tpu.memory_space<hbm>> -> memref<1x16384xf32, #tpu.memory_space<hbm>>
      %dma_wait3A_1294 = tpu.memref_squeeze %dma_wait3A_1293 : memref<1x16384xf32, #tpu.memory_space<hbm>> -> memref<16384xf32, #tpu.memory_space<hbm>>
      %dma_wait3A_1295 = arith.constant 0 : i32
      %dma_wait3A_1296 = tpu.memref_slice %dma_wait3A_1294[%dma_wait3A_1295] : memref<16384xf32, #tpu.memory_space<hbm>> -> memref<2048xf32, #tpu.memory_space<hbm>>
      tpu.wait_dma2 semaphore(%arg15 : memref<!tpu.dma_semaphore, #tpu.memory_space<semaphore_mem>>) src(%dma_wait3A_1296 : memref<2048xf32, #tpu.memory_space<hbm>>) dst(%arg9 : memref<2048xf32, #tpu.memory_space<vmem>>)
      %add3A_1297 = arith.addi %mul3A_2, %add3A_1165 : i32
      %jit3A_1298 = arith.constant 8 : i32
      %div3A_1299 = arith.divsi %add3A_1297, %jit3A_1298 : i32
      %sign3A_1300 = arith.constant 0 : i32
      %sign3A_1301 = arith.cmpi sgt, %add3A_1297, %sign3A_1300 : i32
      %sign3A_1302 = arith.extui %sign3A_1301 : i1 to i32
      %sign3A_1303 = arith.constant 0 : i32
      %sign3A_1304 = arith.cmpi slt, %add3A_1297, %sign3A_1303 : i32
      %sign3A_1305 = arith.extui %sign3A_1304 : i1 to i32
      %sign3A_1306 = arith.subi %sign3A_1302, %sign3A_1305 : i32
      %sign3A_1307 = arith.constant 0 : i32
      %sign3A_1308 = arith.cmpi sgt, %jit3A_1298, %sign3A_1307 : i32
      %sign3A_1309 = arith.extui %sign3A_1308 : i1 to i32
      %sign3A_1310 = arith.constant 0 : i32
      %sign3A_1311 = arith.cmpi slt, %jit3A_1298, %sign3A_1310 : i32
      %sign3A_1312 = arith.extui %sign3A_1311 : i1 to i32
      %sign3A_1313 = arith.subi %sign3A_1309, %sign3A_1312 : i32
      %ne3A_1314 = arith.cmpi ne, %sign3A_1306, %sign3A_1313 : i32
      %rem3A_1315 = arith.remsi %add3A_1297, %jit3A_1298 : i32
      %ne3A_1316 = arith.constant 0 : i32
      %ne3A_1317 = arith.cmpi ne, %rem3A_1315, %ne3A_1316 : i32
      %and3A_1318 = arith.andi %ne3A_1314, %ne3A_1317 : i1
      %sub3A_1319 = arith.constant 1 : i32
      %sub3A_1320 = arith.subi %div3A_1299, %sub3A_1319 : i32
      %select_n3A_1321 = arith.select %and3A_1318, %sub3A_1320, %div3A_1299 : i32
      %jit3A_1322 = arith.constant 8 : i32
      %eq3A_1323 = arith.constant 0 : i32
      %eq3A_1324 = arith.cmpi eq, %jit3A_1322, %eq3A_1323 : i32
      %jit3A_1325 = arith.constant 1 : i32
      %select_n3A_1326 = arith.select %eq3A_1324, %jit3A_1325, %jit3A_1322 : i32
      %rem3A_1327 = arith.remsi %add3A_1297, %select_n3A_1326 : i32
      %ne3A_1328 = arith.constant 0 : i32
      %ne3A_1329 = arith.cmpi ne, %rem3A_1327, %ne3A_1328 : i32
      %lt3A_1330 = arith.constant 0 : i32
      %lt3A_1331 = arith.cmpi slt, %rem3A_1327, %lt3A_1330 : i32
      %lt3A_1332 = arith.constant 0 : i32
      %lt3A_1333 = arith.cmpi slt, %select_n3A_1326, %lt3A_1332 : i32
      %ne3A_1334 = arith.xori %lt3A_1331, %lt3A_1333 : i1
      %and3A_1335 = arith.andi %ne3A_1334, %ne3A_1329 : i1
      %add3A_1336 = arith.addi %rem3A_1327, %select_n3A_1326 : i32
      %select_n3A_1337 = arith.select %and3A_1335, %add3A_1336, %rem3A_1327 : i32
      %mul3A_1338 = arith.constant 2048 : i32
      %mul3A_1339 = arith.muli %select_n3A_1337, %mul3A_1338 : i32
      %dma_start3A_1340 = arith.constant 0 : i32
      %dma_start3A_1341 = tpu.memref_slice %arg4[%select_n3A_1321, %dma_start3A_1340] : memref<200x16384xf32, #tpu.memory_space<hbm>> -> memref<1x16384xf32, #tpu.memory_space<hbm>>
      %dma_start3A_1342 = tpu.memref_squeeze %dma_start3A_1341 : memref<1x16384xf32, #tpu.memory_space<hbm>> -> memref<16384xf32, #tpu.memory_space<hbm>>
      %dma_start3A_1343 = tpu.memref_slice %dma_start3A_1342[%mul3A_1339] : memref<16384xf32, #tpu.memory_space<hbm>> -> memref<2048xf32, #tpu.memory_space<hbm>>
      %dma_start3A_1344 = arith.constant 0 : i32
      %dma_start3A_1345 = tpu.memref_slice %arg4[%select_n3A_1321, %dma_start3A_1344] : memref<200x16384xf32, #tpu.memory_space<hbm>> -> memref<1x16384xf32, #tpu.memory_space<hbm>>
      %dma_start3A_1346 = tpu.memref_squeeze %dma_start3A_1345 : memref<1x16384xf32, #tpu.memory_space<hbm>> -> memref<16384xf32, #tpu.memory_space<hbm>>
      %dma_start3A_1347 = tpu.memref_slice %dma_start3A_1346[%mul3A_1339] : memref<16384xf32, #tpu.memory_space<hbm>> -> memref<2048xf32, #tpu.memory_space<hbm>>
      tpu.enqueue_dma source(%arg9 : memref<2048xf32, #tpu.memory_space<vmem>>) target(%dma_start3A_1347 : memref<2048xf32, #tpu.memory_space<hbm>>) target_semaphore(%arg18 : memref<!tpu.dma_semaphore, #tpu.memory_space<semaphore_mem>>)
      %add3A_1348 = arith.constant 3 : i32
      %add3A_1349 = arith.addi %add3A_1165, %add3A_1348 : i32
      %add3A_1350 = arith.addi %mul3A_2, %add3A_1349 : i32
      %jit3A_1351 = arith.constant 8 : i32
      %div3A_1352 = arith.divsi %add3A_1350, %jit3A_1351 : i32
      %sign3A_1353 = arith.constant 0 : i32
      %sign3A_1354 = arith.cmpi sgt, %add3A_1350, %sign3A_1353 : i32
      %sign3A_1355 = arith.extui %sign3A_1354 : i1 to i32
      %sign3A_1356 = arith.constant 0 : i32
      %sign3A_1357 = arith.cmpi slt, %add3A_1350, %sign3A_1356 : i32
      %sign3A_1358 = arith.extui %sign3A_1357 : i1 to i32
      %sign3A_1359 = arith.subi %sign3A_1355, %sign3A_1358 : i32
      %sign3A_1360 = arith.constant 0 : i32
      %sign3A_1361 = arith.cmpi sgt, %jit3A_1351, %sign3A_1360 : i32
      %sign3A_1362 = arith.extui %sign3A_1361 : i1 to i32
      %sign3A_1363 = arith.constant 0 : i32
      %sign3A_1364 = arith.cmpi slt, %jit3A_1351, %sign3A_1363 : i32
      %sign3A_1365 = arith.extui %sign3A_1364 : i1 to i32
      %sign3A_1366 = arith.subi %sign3A_1362, %sign3A_1365 : i32
      %ne3A_1367 = arith.cmpi ne, %sign3A_1359, %sign3A_1366 : i32
      %rem3A_1368 = arith.remsi %add3A_1350, %jit3A_1351 : i32
      %ne3A_1369 = arith.constant 0 : i32
      %ne3A_1370 = arith.cmpi ne, %rem3A_1368, %ne3A_1369 : i32
      %and3A_1371 = arith.andi %ne3A_1367, %ne3A_1370 : i1
      %sub3A_1372 = arith.constant 1 : i32
      %sub3A_1373 = arith.subi %div3A_1352, %sub3A_1372 : i32
      %select_n3A_1374 = arith.select %and3A_1371, %sub3A_1373, %div3A_1352 : i32
      %jit3A_1375 = arith.constant 8 : i32
      %eq3A_1376 = arith.constant 0 : i32
      %eq3A_1377 = arith.cmpi eq, %jit3A_1375, %eq3A_1376 : i32
      %jit3A_1378 = arith.constant 1 : i32
      %select_n3A_1379 = arith.select %eq3A_1377, %jit3A_1378, %jit3A_1375 : i32
      %rem3A_1380 = arith.remsi %add3A_1350, %select_n3A_1379 : i32
      %ne3A_1381 = arith.constant 0 : i32
      %ne3A_1382 = arith.cmpi ne, %rem3A_1380, %ne3A_1381 : i32
      %lt3A_1383 = arith.constant 0 : i32
      %lt3A_1384 = arith.cmpi slt, %rem3A_1380, %lt3A_1383 : i32
      %lt3A_1385 = arith.constant 0 : i32
      %lt3A_1386 = arith.cmpi slt, %select_n3A_1379, %lt3A_1385 : i32
      %ne3A_1387 = arith.xori %lt3A_1384, %lt3A_1386 : i1
      %and3A_1388 = arith.andi %ne3A_1387, %ne3A_1382 : i1
      %add3A_1389 = arith.addi %rem3A_1380, %select_n3A_1379 : i32
      %select_n3A_1390 = arith.select %and3A_1388, %add3A_1389, %rem3A_1380 : i32
      %mul3A_1391 = arith.constant 2048 : i32
      %mul3A_1392 = arith.muli %select_n3A_1390, %mul3A_1391 : i32
      %dma_start3A_1393 = arith.constant 0 : i32
      %dma_start3A_1394 = tpu.memref_slice %arg3[%select_n3A_1374, %dma_start3A_1393] : memref<200x16384xi32, #tpu.memory_space<hbm>> -> memref<1x16384xi32, #tpu.memory_space<hbm>>
      %dma_start3A_1395 = tpu.memref_squeeze %dma_start3A_1394 : memref<1x16384xi32, #tpu.memory_space<hbm>> -> memref<16384xi32, #tpu.memory_space<hbm>>
      %dma_start3A_1396 = tpu.memref_slice %dma_start3A_1395[%mul3A_1392] : memref<16384xi32, #tpu.memory_space<hbm>> -> memref<2048xi32, #tpu.memory_space<hbm>>
      %dma_start3A_1397 = arith.constant 0 : i32
      %dma_start3A_1398 = tpu.memref_slice %arg3[%select_n3A_1374, %dma_start3A_1397] : memref<200x16384xi32, #tpu.memory_space<hbm>> -> memref<1x16384xi32, #tpu.memory_space<hbm>>
      %dma_start3A_1399 = tpu.memref_squeeze %dma_start3A_1398 : memref<1x16384xi32, #tpu.memory_space<hbm>> -> memref<16384xi32, #tpu.memory_space<hbm>>
      %dma_start3A_1400 = tpu.memref_slice %dma_start3A_1399[%mul3A_1392] : memref<16384xi32, #tpu.memory_space<hbm>> -> memref<2048xi32, #tpu.memory_space<hbm>>
      tpu.enqueue_dma source(%dma_start3A_1400 : memref<2048xi32, #tpu.memory_space<hbm>>) target(%arg6 : memref<2048xi32, #tpu.memory_space<vmem>>) target_semaphore(%arg12 : memref<!tpu.dma_semaphore, #tpu.memory_space<semaphore_mem>>)
      %mul3A_1401 = arith.constant 3 : i32
      %mul3A_1402 = arith.muli %mul3A_1401, %scan3A_1161 : i32
      %add3A_1403 = arith.constant 2 : i32
      %add3A_1404 = arith.addi %mul3A_1402, %add3A_1403 : i32
      %dma_wait3A_1405 = arith.constant 0 : i32
      %dma_wait3A_1406 = arith.constant 0 : i32
      %dma_wait3A_1407 = tpu.memref_slice %arg4[%dma_wait3A_1405, %dma_wait3A_1406] : memref<200x16384xf32, #tpu.memory_space<hbm>> -> memref<1x16384xf32, #tpu.memory_space<hbm>>
      %dma_wait3A_1408 = tpu.memref_squeeze %dma_wait3A_1407 : memref<1x16384xf32, #tpu.memory_space<hbm>> -> memref<16384xf32, #tpu.memory_space<hbm>>
      %dma_wait3A_1409 = arith.constant 0 : i32
      %dma_wait3A_1410 = tpu.memref_slice %dma_wait3A_1408[%dma_wait3A_1409] : memref<16384xf32, #tpu.memory_space<hbm>> -> memref<2048xf32, #tpu.memory_space<hbm>>
      %dma_wait3A_1411 = arith.constant 0 : i32
      %dma_wait3A_1412 = tpu.memref_slice %arg4[%dma_wait3A_1405, %dma_wait3A_1411] : memref<200x16384xf32, #tpu.memory_space<hbm>> -> memref<1x16384xf32, #tpu.memory_space<hbm>>
      %dma_wait3A_1413 = tpu.memref_squeeze %dma_wait3A_1412 : memref<1x16384xf32, #tpu.memory_space<hbm>> -> memref<16384xf32, #tpu.memory_space<hbm>>
      %dma_wait3A_1414 = arith.constant 0 : i32
      %dma_wait3A_1415 = tpu.memref_slice %dma_wait3A_1413[%dma_wait3A_1414] : memref<16384xf32, #tpu.memory_space<hbm>> -> memref<2048xf32, #tpu.memory_space<hbm>>
      tpu.wait_dma2 semaphore(%arg18 : memref<!tpu.dma_semaphore, #tpu.memory_space<semaphore_mem>>) src(%arg9 : memref<2048xf32, #tpu.memory_space<vmem>>) dst(%dma_wait3A_1415 : memref<2048xf32, #tpu.memory_space<hbm>>)
      %dma_wait3A_1416 = arith.constant 0 : i32
      %dma_wait3A_1417 = arith.constant 0 : i32
      %dma_wait3A_1418 = tpu.memref_slice %arg3[%dma_wait3A_1416, %dma_wait3A_1417] : memref<200x16384xi32, #tpu.memory_space<hbm>> -> memref<1x16384xi32, #tpu.memory_space<hbm>>
      %dma_wait3A_1419 = tpu.memref_squeeze %dma_wait3A_1418 : memref<1x16384xi32, #tpu.memory_space<hbm>> -> memref<16384xi32, #tpu.memory_space<hbm>>
      %dma_wait3A_1420 = arith.constant 0 : i32
      %dma_wait3A_1421 = tpu.memref_slice %dma_wait3A_1419[%dma_wait3A_1420] : memref<16384xi32, #tpu.memory_space<hbm>> -> memref<2048xi32, #tpu.memory_space<hbm>>
      %dma_wait3A_1422 = arith.constant 0 : i32
      %dma_wait3A_1423 = tpu.memref_slice %arg3[%dma_wait3A_1416, %dma_wait3A_1422] : memref<200x16384xi32, #tpu.memory_space<hbm>> -> memref<1x16384xi32, #tpu.memory_space<hbm>>
      %dma_wait3A_1424 = tpu.memref_squeeze %dma_wait3A_1423 : memref<1x16384xi32, #tpu.memory_space<hbm>> -> memref<16384xi32, #tpu.memory_space<hbm>>
      %dma_wait3A_1425 = arith.constant 0 : i32
      %dma_wait3A_1426 = tpu.memref_slice %dma_wait3A_1424[%dma_wait3A_1425] : memref<16384xi32, #tpu.memory_space<hbm>> -> memref<2048xi32, #tpu.memory_space<hbm>>
      tpu.wait_dma2 semaphore(%arg12 : memref<!tpu.dma_semaphore, #tpu.memory_space<semaphore_mem>>) src(%dma_wait3A_1426 : memref<2048xi32, #tpu.memory_space<hbm>>) dst(%arg6 : memref<2048xi32, #tpu.memory_space<vmem>>)
      %add3A_1427 = arith.constant 2 : i32
      %add3A_1428 = arith.addi %add3A_1404, %add3A_1427 : i32
      %dma_start3A_1429 = arith.constant 0 : i32
      %dma_start3A_1430 = tpu.memref_slice %arg9[%dma_start3A_1429] : memref<2048xf32, #tpu.memory_space<vmem>> -> memref<128xf32, #tpu.memory_space<vmem>>
      %dma_start3A_1431 = arith.constant 0 : i32
      %dma_start3A_1432 = tpu.memref_slice %arg6[%dma_start3A_1431] : memref<2048xi32, #tpu.memory_space<vmem>> -> memref<128xi32, #tpu.memory_space<vmem>>
      %dma_start3A_1433 = arith.constant 0 : i32
      %dma_start3A_1434 = tpu.memref_slice %arg2[%dma_start3A_1433] : memref<4000000xf32, #tpu.memory_space<hbm>> -> memref<4000000xf32, #tpu.memory_space<hbm>>
      tpu.enqueue_indirect_dma source(%dma_start3A_1434 : memref<4000000xf32, #tpu.memory_space<hbm>>) target(%dma_start3A_1430 : memref<128xf32, #tpu.memory_space<vmem>>) offsets(%dma_start3A_1432 : memref<128xi32, #tpu.memory_space<vmem>>) semaphore(%arg15 : memref<!tpu.dma_semaphore, #tpu.memory_space<semaphore_mem>>)
      %dma_start3A_1435 = arith.constant 128 : i32
      %dma_start3A_1436 = tpu.memref_slice %arg9[%dma_start3A_1435] : memref<2048xf32, #tpu.memory_space<vmem>> -> memref<128xf32, #tpu.memory_space<vmem>>
      %dma_start3A_1437 = arith.constant 128 : i32
      %dma_start3A_1438 = tpu.memref_slice %arg6[%dma_start3A_1437] : memref<2048xi32, #tpu.memory_space<vmem>> -> memref<128xi32, #tpu.memory_space<vmem>>
      %dma_start3A_1439 = arith.constant 0 : i32
      %dma_start3A_1440 = tpu.memref_slice %arg2[%dma_start3A_1439] : memref<4000000xf32, #tpu.memory_space<hbm>> -> memref<4000000xf32, #tpu.memory_space<hbm>>
      tpu.enqueue_indirect_dma source(%dma_start3A_1440 : memref<4000000xf32, #tpu.memory_space<hbm>>) target(%dma_start3A_1436 : memref<128xf32, #tpu.memory_space<vmem>>) offsets(%dma_start3A_1438 : memref<128xi32, #tpu.memory_space<vmem>>) semaphore(%arg15 : memref<!tpu.dma_semaphore, #tpu.memory_space<semaphore_mem>>)
      %dma_start3A_1441 = arith.constant 256 : i32
      %dma_start3A_1442 = tpu.memref_slice %arg9[%dma_start3A_1441] : memref<2048xf32, #tpu.memory_space<vmem>> -> memref<128xf32, #tpu.memory_space<vmem>>
      %dma_start3A_1443 = arith.constant 256 : i32
      %dma_start3A_1444 = tpu.memref_slice %arg6[%dma_start3A_1443] : memref<2048xi32, #tpu.memory_space<vmem>> -> memref<128xi32, #tpu.memory_space<vmem>>
      %dma_start3A_1445 = arith.constant 0 : i32
      %dma_start3A_1446 = tpu.memref_slice %arg2[%dma_start3A_1445] : memref<4000000xf32, #tpu.memory_space<hbm>> -> memref<4000000xf32, #tpu.memory_space<hbm>>
      tpu.enqueue_indirect_dma source(%dma_start3A_1446 : memref<4000000xf32, #tpu.memory_space<hbm>>) target(%dma_start3A_1442 : memref<128xf32, #tpu.memory_space<vmem>>) offsets(%dma_start3A_1444 : memref<128xi32, #tpu.memory_space<vmem>>) semaphore(%arg15 : memref<!tpu.dma_semaphore, #tpu.memory_space<semaphore_mem>>)
      %dma_start3A_1447 = arith.constant 384 : i32
      %dma_start3A_1448 = tpu.memref_slice %arg9[%dma_start3A_1447] : memref<2048xf32, #tpu.memory_space<vmem>> -> memref<128xf32, #tpu.memory_space<vmem>>
      %dma_start3A_1449 = arith.constant 384 : i32
      %dma_start3A_1450 = tpu.memref_slice %arg6[%dma_start3A_1449] : memref<2048xi32, #tpu.memory_space<vmem>> -> memref<128xi32, #tpu.memory_space<vmem>>
      %dma_start3A_1451 = arith.constant 0 : i32
      %dma_start3A_1452 = tpu.memref_slice %arg2[%dma_start3A_1451] : memref<4000000xf32, #tpu.memory_space<hbm>> -> memref<4000000xf32, #tpu.memory_space<hbm>>
      tpu.enqueue_indirect_dma source(%dma_start3A_1452 : memref<4000000xf32, #tpu.memory_space<hbm>>) target(%dma_start3A_1448 : memref<128xf32, #tpu.memory_space<vmem>>) offsets(%dma_start3A_1450 : memref<128xi32, #tpu.memory_space<vmem>>) semaphore(%arg15 : memref<!tpu.dma_semaphore, #tpu.memory_space<semaphore_mem>>)
      %dma_start3A_1453 = arith.constant 512 : i32
      %dma_start3A_1454 = tpu.memref_slice %arg9[%dma_start3A_1453] : memref<2048xf32, #tpu.memory_space<vmem>> -> memref<128xf32, #tpu.memory_space<vmem>>
      %dma_start3A_1455 = arith.constant 512 : i32
      %dma_start3A_1456 = tpu.memref_slice %arg6[%dma_start3A_1455] : memref<2048xi32, #tpu.memory_space<vmem>> -> memref<128xi32, #tpu.memory_space<vmem>>
      %dma_start3A_1457 = arith.constant 0 : i32
      %dma_start3A_1458 = tpu.memref_slice %arg2[%dma_start3A_1457] : memref<4000000xf32, #tpu.memory_space<hbm>> -> memref<4000000xf32, #tpu.memory_space<hbm>>
      tpu.enqueue_indirect_dma source(%dma_start3A_1458 : memref<4000000xf32, #tpu.memory_space<hbm>>) target(%dma_start3A_1454 : memref<128xf32, #tpu.memory_space<vmem>>) offsets(%dma_start3A_1456 : memref<128xi32, #tpu.memory_space<vmem>>) semaphore(%arg15 : memref<!tpu.dma_semaphore, #tpu.memory_space<semaphore_mem>>)
      %dma_start3A_1459 = arith.constant 640 : i32
      %dma_start3A_1460 = tpu.memref_slice %arg9[%dma_start3A_1459] : memref<2048xf32, #tpu.memory_space<vmem>> -> memref<128xf32, #tpu.memory_space<vmem>>
      %dma_start3A_1461 = arith.constant 640 : i32
      %dma_start3A_1462 = tpu.memref_slice %arg6[%dma_start3A_1461] : memref<2048xi32, #tpu.memory_space<vmem>> -> memref<128xi32, #tpu.memory_space<vmem>>
      %dma_start3A_1463 = arith.constant 0 : i32
      %dma_start3A_1464 = tpu.memref_slice %arg2[%dma_start3A_1463] : memref<4000000xf32, #tpu.memory_space<hbm>> -> memref<4000000xf32, #tpu.memory_space<hbm>>
      tpu.enqueue_indirect_dma source(%dma_start3A_1464 : memref<4000000xf32, #tpu.memory_space<hbm>>) target(%dma_start3A_1460 : memref<128xf32, #tpu.memory_space<vmem>>) offsets(%dma_start3A_1462 : memref<128xi32, #tpu.memory_space<vmem>>) semaphore(%arg15 : memref<!tpu.dma_semaphore, #tpu.memory_space<semaphore_mem>>)
      %dma_start3A_1465 = arith.constant 768 : i32
      %dma_start3A_1466 = tpu.memref_slice %arg9[%dma_start3A_1465] : memref<2048xf32, #tpu.memory_space<vmem>> -> memref<128xf32, #tpu.memory_space<vmem>>
      %dma_start3A_1467 = arith.constant 768 : i32
      %dma_start3A_1468 = tpu.memref_slice %arg6[%dma_start3A_1467] : memref<2048xi32, #tpu.memory_space<vmem>> -> memref<128xi32, #tpu.memory_space<vmem>>
      %dma_start3A_1469 = arith.constant 0 : i32
      %dma_start3A_1470 = tpu.memref_slice %arg2[%dma_start3A_1469] : memref<4000000xf32, #tpu.memory_space<hbm>> -> memref<4000000xf32, #tpu.memory_space<hbm>>
      tpu.enqueue_indirect_dma source(%dma_start3A_1470 : memref<4000000xf32, #tpu.memory_space<hbm>>) target(%dma_start3A_1466 : memref<128xf32, #tpu.memory_space<vmem>>) offsets(%dma_start3A_1468 : memref<128xi32, #tpu.memory_space<vmem>>) semaphore(%arg15 : memref<!tpu.dma_semaphore, #tpu.memory_space<semaphore_mem>>)
      %dma_start3A_1471 = arith.constant 896 : i32
      %dma_start3A_1472 = tpu.memref_slice %arg9[%dma_start3A_1471] : memref<2048xf32, #tpu.memory_space<vmem>> -> memref<128xf32, #tpu.memory_space<vmem>>
      %dma_start3A_1473 = arith.constant 896 : i32
      %dma_start3A_1474 = tpu.memref_slice %arg6[%dma_start3A_1473] : memref<2048xi32, #tpu.memory_space<vmem>> -> memref<128xi32, #tpu.memory_space<vmem>>
      %dma_start3A_1475 = arith.constant 0 : i32
      %dma_start3A_1476 = tpu.memref_slice %arg2[%dma_start3A_1475] : memref<4000000xf32, #tpu.memory_space<hbm>> -> memref<4000000xf32, #tpu.memory_space<hbm>>
      tpu.enqueue_indirect_dma source(%dma_start3A_1476 : memref<4000000xf32, #tpu.memory_space<hbm>>) target(%dma_start3A_1472 : memref<128xf32, #tpu.memory_space<vmem>>) offsets(%dma_start3A_1474 : memref<128xi32, #tpu.memory_space<vmem>>) semaphore(%arg15 : memref<!tpu.dma_semaphore, #tpu.memory_space<semaphore_mem>>)
      %dma_start3A_1477 = arith.constant 1024 : i32
      %dma_start3A_1478 = tpu.memref_slice %arg9[%dma_start3A_1477] : memref<2048xf32, #tpu.memory_space<vmem>> -> memref<128xf32, #tpu.memory_space<vmem>>
      %dma_start3A_1479 = arith.constant 1024 : i32
      %dma_start3A_1480 = tpu.memref_slice %arg6[%dma_start3A_1479] : memref<2048xi32, #tpu.memory_space<vmem>> -> memref<128xi32, #tpu.memory_space<vmem>>
      %dma_start3A_1481 = arith.constant 0 : i32
      %dma_start3A_1482 = tpu.memref_slice %arg2[%dma_start3A_1481] : memref<4000000xf32, #tpu.memory_space<hbm>> -> memref<4000000xf32, #tpu.memory_space<hbm>>
      tpu.enqueue_indirect_dma source(%dma_start3A_1482 : memref<4000000xf32, #tpu.memory_space<hbm>>) target(%dma_start3A_1478 : memref<128xf32, #tpu.memory_space<vmem>>) offsets(%dma_start3A_1480 : memref<128xi32, #tpu.memory_space<vmem>>) semaphore(%arg15 : memref<!tpu.dma_semaphore, #tpu.memory_space<semaphore_mem>>)
      %dma_start3A_1483 = arith.constant 1152 : i32
      %dma_start3A_1484 = tpu.memref_slice %arg9[%dma_start3A_1483] : memref<2048xf32, #tpu.memory_space<vmem>> -> memref<128xf32, #tpu.memory_space<vmem>>
      %dma_start3A_1485 = arith.constant 1152 : i32
      %dma_start3A_1486 = tpu.memref_slice %arg6[%dma_start3A_1485] : memref<2048xi32, #tpu.memory_space<vmem>> -> memref<128xi32, #tpu.memory_space<vmem>>
      %dma_start3A_1487 = arith.constant 0 : i32
      %dma_start3A_1488 = tpu.memref_slice %arg2[%dma_start3A_1487] : memref<4000000xf32, #tpu.memory_space<hbm>> -> memref<4000000xf32, #tpu.memory_space<hbm>>
      tpu.enqueue_indirect_dma source(%dma_start3A_1488 : memref<4000000xf32, #tpu.memory_space<hbm>>) target(%dma_start3A_1484 : memref<128xf32, #tpu.memory_space<vmem>>) offsets(%dma_start3A_1486 : memref<128xi32, #tpu.memory_space<vmem>>) semaphore(%arg15 : memref<!tpu.dma_semaphore, #tpu.memory_space<semaphore_mem>>)
      %dma_start3A_1489 = arith.constant 1280 : i32
      %dma_start3A_1490 = tpu.memref_slice %arg9[%dma_start3A_1489] : memref<2048xf32, #tpu.memory_space<vmem>> -> memref<128xf32, #tpu.memory_space<vmem>>
      %dma_start3A_1491 = arith.constant 1280 : i32
      %dma_start3A_1492 = tpu.memref_slice %arg6[%dma_start3A_1491] : memref<2048xi32, #tpu.memory_space<vmem>> -> memref<128xi32, #tpu.memory_space<vmem>>
      %dma_start3A_1493 = arith.constant 0 : i32
      %dma_start3A_1494 = tpu.memref_slice %arg2[%dma_start3A_1493] : memref<4000000xf32, #tpu.memory_space<hbm>> -> memref<4000000xf32, #tpu.memory_space<hbm>>
      tpu.enqueue_indirect_dma source(%dma_start3A_1494 : memref<4000000xf32, #tpu.memory_space<hbm>>) target(%dma_start3A_1490 : memref<128xf32, #tpu.memory_space<vmem>>) offsets(%dma_start3A_1492 : memref<128xi32, #tpu.memory_space<vmem>>) semaphore(%arg15 : memref<!tpu.dma_semaphore, #tpu.memory_space<semaphore_mem>>)
      %dma_start3A_1495 = arith.constant 1408 : i32
      %dma_start3A_1496 = tpu.memref_slice %arg9[%dma_start3A_1495] : memref<2048xf32, #tpu.memory_space<vmem>> -> memref<128xf32, #tpu.memory_space<vmem>>
      %dma_start3A_1497 = arith.constant 1408 : i32
      %dma_start3A_1498 = tpu.memref_slice %arg6[%dma_start3A_1497] : memref<2048xi32, #tpu.memory_space<vmem>> -> memref<128xi32, #tpu.memory_space<vmem>>
      %dma_start3A_1499 = arith.constant 0 : i32
      %dma_start3A_1500 = tpu.memref_slice %arg2[%dma_start3A_1499] : memref<4000000xf32, #tpu.memory_space<hbm>> -> memref<4000000xf32, #tpu.memory_space<hbm>>
      tpu.enqueue_indirect_dma source(%dma_start3A_1500 : memref<4000000xf32, #tpu.memory_space<hbm>>) target(%dma_start3A_1496 : memref<128xf32, #tpu.memory_space<vmem>>) offsets(%dma_start3A_1498 : memref<128xi32, #tpu.memory_space<vmem>>) semaphore(%arg15 : memref<!tpu.dma_semaphore, #tpu.memory_space<semaphore_mem>>)
      %dma_start3A_1501 = arith.constant 1536 : i32
      %dma_start3A_1502 = tpu.memref_slice %arg9[%dma_start3A_1501] : memref<2048xf32, #tpu.memory_space<vmem>> -> memref<128xf32, #tpu.memory_space<vmem>>
      %dma_start3A_1503 = arith.constant 1536 : i32
      %dma_start3A_1504 = tpu.memref_slice %arg6[%dma_start3A_1503] : memref<2048xi32, #tpu.memory_space<vmem>> -> memref<128xi32, #tpu.memory_space<vmem>>
      %dma_start3A_1505 = arith.constant 0 : i32
      %dma_start3A_1506 = tpu.memref_slice %arg2[%dma_start3A_1505] : memref<4000000xf32, #tpu.memory_space<hbm>> -> memref<4000000xf32, #tpu.memory_space<hbm>>
      tpu.enqueue_indirect_dma source(%dma_start3A_1506 : memref<4000000xf32, #tpu.memory_space<hbm>>) target(%dma_start3A_1502 : memref<128xf32, #tpu.memory_space<vmem>>) offsets(%dma_start3A_1504 : memref<128xi32, #tpu.memory_space<vmem>>) semaphore(%arg15 : memref<!tpu.dma_semaphore, #tpu.memory_space<semaphore_mem>>)
      %dma_start3A_1507 = arith.constant 1664 : i32
      %dma_start3A_1508 = tpu.memref_slice %arg9[%dma_start3A_1507] : memref<2048xf32, #tpu.memory_space<vmem>> -> memref<128xf32, #tpu.memory_space<vmem>>
      %dma_start3A_1509 = arith.constant 1664 : i32
      %dma_start3A_1510 = tpu.memref_slice %arg6[%dma_start3A_1509] : memref<2048xi32, #tpu.memory_space<vmem>> -> memref<128xi32, #tpu.memory_space<vmem>>
      %dma_start3A_1511 = arith.constant 0 : i32
      %dma_start3A_1512 = tpu.memref_slice %arg2[%dma_start3A_1511] : memref<4000000xf32, #tpu.memory_space<hbm>> -> memref<4000000xf32, #tpu.memory_space<hbm>>
      tpu.enqueue_indirect_dma source(%dma_start3A_1512 : memref<4000000xf32, #tpu.memory_space<hbm>>) target(%dma_start3A_1508 : memref<128xf32, #tpu.memory_space<vmem>>) offsets(%dma_start3A_1510 : memref<128xi32, #tpu.memory_space<vmem>>) semaphore(%arg15 : memref<!tpu.dma_semaphore, #tpu.memory_space<semaphore_mem>>)
      %dma_start3A_1513 = arith.constant 1792 : i32
      %dma_start3A_1514 = tpu.memref_slice %arg9[%dma_start3A_1513] : memref<2048xf32, #tpu.memory_space<vmem>> -> memref<128xf32, #tpu.memory_space<vmem>>
      %dma_start3A_1515 = arith.constant 1792 : i32
      %dma_start3A_1516 = tpu.memref_slice %arg6[%dma_start3A_1515] : memref<2048xi32, #tpu.memory_space<vmem>> -> memref<128xi32, #tpu.memory_space<vmem>>
      %dma_start3A_1517 = arith.constant 0 : i32
      %dma_start3A_1518 = tpu.memref_slice %arg2[%dma_start3A_1517] : memref<4000000xf32, #tpu.memory_space<hbm>> -> memref<4000000xf32, #tpu.memory_space<hbm>>
      tpu.enqueue_indirect_dma source(%dma_start3A_1518 : memref<4000000xf32, #tpu.memory_space<hbm>>) target(%dma_start3A_1514 : memref<128xf32, #tpu.memory_space<vmem>>) offsets(%dma_start3A_1516 : memref<128xi32, #tpu.memory_space<vmem>>) semaphore(%arg15 : memref<!tpu.dma_semaphore, #tpu.memory_space<semaphore_mem>>)
      %dma_start3A_1519 = arith.constant 1920 : i32
      %dma_start3A_1520 = tpu.memref_slice %arg9[%dma_start3A_1519] : memref<2048xf32, #tpu.memory_space<vmem>> -> memref<128xf32, #tpu.memory_space<vmem>>
      %dma_start3A_1521 = arith.constant 1920 : i32
      %dma_start3A_1522 = tpu.memref_slice %arg6[%dma_start3A_1521] : memref<2048xi32, #tpu.memory_space<vmem>> -> memref<128xi32, #tpu.memory_space<vmem>>
      %dma_start3A_1523 = arith.constant 0 : i32
      %dma_start3A_1524 = tpu.memref_slice %arg2[%dma_start3A_1523] : memref<4000000xf32, #tpu.memory_space<hbm>> -> memref<4000000xf32, #tpu.memory_space<hbm>>
      tpu.enqueue_indirect_dma source(%dma_start3A_1524 : memref<4000000xf32, #tpu.memory_space<hbm>>) target(%dma_start3A_1520 : memref<128xf32, #tpu.memory_space<vmem>>) offsets(%dma_start3A_1522 : memref<128xi32, #tpu.memory_space<vmem>>) semaphore(%arg15 : memref<!tpu.dma_semaphore, #tpu.memory_space<semaphore_mem>>)
      %dma_wait3A_1525 = arith.constant 0 : i32
      %dma_wait3A_1526 = arith.constant 0 : i32
      %dma_wait3A_1527 = tpu.memref_slice %arg4[%dma_wait3A_1525, %dma_wait3A_1526] : memref<200x16384xf32, #tpu.memory_space<hbm>> -> memref<1x16384xf32, #tpu.memory_space<hbm>>
      %dma_wait3A_1528 = tpu.memref_squeeze %dma_wait3A_1527 : memref<1x16384xf32, #tpu.memory_space<hbm>> -> memref<16384xf32, #tpu.memory_space<hbm>>
      %dma_wait3A_1529 = arith.constant 0 : i32
      %dma_wait3A_1530 = tpu.memref_slice %dma_wait3A_1528[%dma_wait3A_1529] : memref<16384xf32, #tpu.memory_space<hbm>> -> memref<2048xf32, #tpu.memory_space<hbm>>
      %dma_wait3A_1531 = arith.constant 0 : i32
      %dma_wait3A_1532 = tpu.memref_slice %arg4[%dma_wait3A_1525, %dma_wait3A_1531] : memref<200x16384xf32, #tpu.memory_space<hbm>> -> memref<1x16384xf32, #tpu.memory_space<hbm>>
      %dma_wait3A_1533 = tpu.memref_squeeze %dma_wait3A_1532 : memref<1x16384xf32, #tpu.memory_space<hbm>> -> memref<16384xf32, #tpu.memory_space<hbm>>
      %dma_wait3A_1534 = arith.constant 0 : i32
      %dma_wait3A_1535 = tpu.memref_slice %dma_wait3A_1533[%dma_wait3A_1534] : memref<16384xf32, #tpu.memory_space<hbm>> -> memref<2048xf32, #tpu.memory_space<hbm>>
      tpu.wait_dma2 semaphore(%arg16 : memref<!tpu.dma_semaphore, #tpu.memory_space<semaphore_mem>>) src(%dma_wait3A_1535 : memref<2048xf32, #tpu.memory_space<hbm>>) dst(%arg10 : memref<2048xf32, #tpu.memory_space<vmem>>)
      %add3A_1536 = arith.addi %mul3A_2, %add3A_1404 : i32
      %jit3A_1537 = arith.constant 8 : i32
      %div3A_1538 = arith.divsi %add3A_1536, %jit3A_1537 : i32
      %sign3A_1539 = arith.constant 0 : i32
      %sign3A_1540 = arith.cmpi sgt, %add3A_1536, %sign3A_1539 : i32
      %sign3A_1541 = arith.extui %sign3A_1540 : i1 to i32
      %sign3A_1542 = arith.constant 0 : i32
      %sign3A_1543 = arith.cmpi slt, %add3A_1536, %sign3A_1542 : i32
      %sign3A_1544 = arith.extui %sign3A_1543 : i1 to i32
      %sign3A_1545 = arith.subi %sign3A_1541, %sign3A_1544 : i32
      %sign3A_1546 = arith.constant 0 : i32
      %sign3A_1547 = arith.cmpi sgt, %jit3A_1537, %sign3A_1546 : i32
      %sign3A_1548 = arith.extui %sign3A_1547 : i1 to i32
      %sign3A_1549 = arith.constant 0 : i32
      %sign3A_1550 = arith.cmpi slt, %jit3A_1537, %sign3A_1549 : i32
      %sign3A_1551 = arith.extui %sign3A_1550 : i1 to i32
      %sign3A_1552 = arith.subi %sign3A_1548, %sign3A_1551 : i32
      %ne3A_1553 = arith.cmpi ne, %sign3A_1545, %sign3A_1552 : i32
      %rem3A_1554 = arith.remsi %add3A_1536, %jit3A_1537 : i32
      %ne3A_1555 = arith.constant 0 : i32
      %ne3A_1556 = arith.cmpi ne, %rem3A_1554, %ne3A_1555 : i32
      %and3A_1557 = arith.andi %ne3A_1553, %ne3A_1556 : i1
      %sub3A_1558 = arith.constant 1 : i32
      %sub3A_1559 = arith.subi %div3A_1538, %sub3A_1558 : i32
      %select_n3A_1560 = arith.select %and3A_1557, %sub3A_1559, %div3A_1538 : i32
      %jit3A_1561 = arith.constant 8 : i32
      %eq3A_1562 = arith.constant 0 : i32
      %eq3A_1563 = arith.cmpi eq, %jit3A_1561, %eq3A_1562 : i32
      %jit3A_1564 = arith.constant 1 : i32
      %select_n3A_1565 = arith.select %eq3A_1563, %jit3A_1564, %jit3A_1561 : i32
      %rem3A_1566 = arith.remsi %add3A_1536, %select_n3A_1565 : i32
      %ne3A_1567 = arith.constant 0 : i32
      %ne3A_1568 = arith.cmpi ne, %rem3A_1566, %ne3A_1567 : i32
      %lt3A_1569 = arith.constant 0 : i32
      %lt3A_1570 = arith.cmpi slt, %rem3A_1566, %lt3A_1569 : i32
      %lt3A_1571 = arith.constant 0 : i32
      %lt3A_1572 = arith.cmpi slt, %select_n3A_1565, %lt3A_1571 : i32
      %ne3A_1573 = arith.xori %lt3A_1570, %lt3A_1572 : i1
      %and3A_1574 = arith.andi %ne3A_1573, %ne3A_1568 : i1
      %add3A_1575 = arith.addi %rem3A_1566, %select_n3A_1565 : i32
      %select_n3A_1576 = arith.select %and3A_1574, %add3A_1575, %rem3A_1566 : i32
      %mul3A_1577 = arith.constant 2048 : i32
      %mul3A_1578 = arith.muli %select_n3A_1576, %mul3A_1577 : i32
      %dma_start3A_1579 = arith.constant 0 : i32
      %dma_start3A_1580 = tpu.memref_slice %arg4[%select_n3A_1560, %dma_start3A_1579] : memref<200x16384xf32, #tpu.memory_space<hbm>> -> memref<1x16384xf32, #tpu.memory_space<hbm>>
      %dma_start3A_1581 = tpu.memref_squeeze %dma_start3A_1580 : memref<1x16384xf32, #tpu.memory_space<hbm>> -> memref<16384xf32, #tpu.memory_space<hbm>>
      %dma_start3A_1582 = tpu.memref_slice %dma_start3A_1581[%mul3A_1578] : memref<16384xf32, #tpu.memory_space<hbm>> -> memref<2048xf32, #tpu.memory_space<hbm>>
      %dma_start3A_1583 = arith.constant 0 : i32
      %dma_start3A_1584 = tpu.memref_slice %arg4[%select_n3A_1560, %dma_start3A_1583] : memref<200x16384xf32, #tpu.memory_space<hbm>> -> memref<1x16384xf32, #tpu.memory_space<hbm>>
      %dma_start3A_1585 = tpu.memref_squeeze %dma_start3A_1584 : memref<1x16384xf32, #tpu.memory_space<hbm>> -> memref<16384xf32, #tpu.memory_space<hbm>>
      %dma_start3A_1586 = tpu.memref_slice %dma_start3A_1585[%mul3A_1578] : memref<16384xf32, #tpu.memory_space<hbm>> -> memref<2048xf32, #tpu.memory_space<hbm>>
      tpu.enqueue_dma source(%arg10 : memref<2048xf32, #tpu.memory_space<vmem>>) target(%dma_start3A_1586 : memref<2048xf32, #tpu.memory_space<hbm>>) target_semaphore(%arg19 : memref<!tpu.dma_semaphore, #tpu.memory_space<semaphore_mem>>)
      %add3A_1587 = arith.constant 3 : i32
      %add3A_1588 = arith.addi %add3A_1404, %add3A_1587 : i32
      %add3A_1589 = arith.addi %mul3A_2, %add3A_1588 : i32
      %jit3A_1590 = arith.constant 8 : i32
      %div3A_1591 = arith.divsi %add3A_1589, %jit3A_1590 : i32
      %sign3A_1592 = arith.constant 0 : i32
      %sign3A_1593 = arith.cmpi sgt, %add3A_1589, %sign3A_1592 : i32
      %sign3A_1594 = arith.extui %sign3A_1593 : i1 to i32
      %sign3A_1595 = arith.constant 0 : i32
      %sign3A_1596 = arith.cmpi slt, %add3A_1589, %sign3A_1595 : i32
      %sign3A_1597 = arith.extui %sign3A_1596 : i1 to i32
      %sign3A_1598 = arith.subi %sign3A_1594, %sign3A_1597 : i32
      %sign3A_1599 = arith.constant 0 : i32
      %sign3A_1600 = arith.cmpi sgt, %jit3A_1590, %sign3A_1599 : i32
      %sign3A_1601 = arith.extui %sign3A_1600 : i1 to i32
      %sign3A_1602 = arith.constant 0 : i32
      %sign3A_1603 = arith.cmpi slt, %jit3A_1590, %sign3A_1602 : i32
      %sign3A_1604 = arith.extui %sign3A_1603 : i1 to i32
      %sign3A_1605 = arith.subi %sign3A_1601, %sign3A_1604 : i32
      %ne3A_1606 = arith.cmpi ne, %sign3A_1598, %sign3A_1605 : i32
      %rem3A_1607 = arith.remsi %add3A_1589, %jit3A_1590 : i32
      %ne3A_1608 = arith.constant 0 : i32
      %ne3A_1609 = arith.cmpi ne, %rem3A_1607, %ne3A_1608 : i32
      %and3A_1610 = arith.andi %ne3A_1606, %ne3A_1609 : i1
      %sub3A_1611 = arith.constant 1 : i32
      %sub3A_1612 = arith.subi %div3A_1591, %sub3A_1611 : i32
      %select_n3A_1613 = arith.select %and3A_1610, %sub3A_1612, %div3A_1591 : i32
      %jit3A_1614 = arith.constant 8 : i32
      %eq3A_1615 = arith.constant 0 : i32
      %eq3A_1616 = arith.cmpi eq, %jit3A_1614, %eq3A_1615 : i32
      %jit3A_1617 = arith.constant 1 : i32
      %select_n3A_1618 = arith.select %eq3A_1616, %jit3A_1617, %jit3A_1614 : i32
      %rem3A_1619 = arith.remsi %add3A_1589, %select_n3A_1618 : i32
      %ne3A_1620 = arith.constant 0 : i32
      %ne3A_1621 = arith.cmpi ne, %rem3A_1619, %ne3A_1620 : i32
      %lt3A_1622 = arith.constant 0 : i32
      %lt3A_1623 = arith.cmpi slt, %rem3A_1619, %lt3A_1622 : i32
      %lt3A_1624 = arith.constant 0 : i32
      %lt3A_1625 = arith.cmpi slt, %select_n3A_1618, %lt3A_1624 : i32
      %ne3A_1626 = arith.xori %lt3A_1623, %lt3A_1625 : i1
      %and3A_1627 = arith.andi %ne3A_1626, %ne3A_1621 : i1
      %add3A_1628 = arith.addi %rem3A_1619, %select_n3A_1618 : i32
      %select_n3A_1629 = arith.select %and3A_1627, %add3A_1628, %rem3A_1619 : i32
      %mul3A_1630 = arith.constant 2048 : i32
      %mul3A_1631 = arith.muli %select_n3A_1629, %mul3A_1630 : i32
      %dma_start3A_1632 = arith.constant 0 : i32
      %dma_start3A_1633 = tpu.memref_slice %arg3[%select_n3A_1613, %dma_start3A_1632] : memref<200x16384xi32, #tpu.memory_space<hbm>> -> memref<1x16384xi32, #tpu.memory_space<hbm>>
      %dma_start3A_1634 = tpu.memref_squeeze %dma_start3A_1633 : memref<1x16384xi32, #tpu.memory_space<hbm>> -> memref<16384xi32, #tpu.memory_space<hbm>>
      %dma_start3A_1635 = tpu.memref_slice %dma_start3A_1634[%mul3A_1631] : memref<16384xi32, #tpu.memory_space<hbm>> -> memref<2048xi32, #tpu.memory_space<hbm>>
      %dma_start3A_1636 = arith.constant 0 : i32
      %dma_start3A_1637 = tpu.memref_slice %arg3[%select_n3A_1613, %dma_start3A_1636] : memref<200x16384xi32, #tpu.memory_space<hbm>> -> memref<1x16384xi32, #tpu.memory_space<hbm>>
      %dma_start3A_1638 = tpu.memref_squeeze %dma_start3A_1637 : memref<1x16384xi32, #tpu.memory_space<hbm>> -> memref<16384xi32, #tpu.memory_space<hbm>>
      %dma_start3A_1639 = tpu.memref_slice %dma_start3A_1638[%mul3A_1631] : memref<16384xi32, #tpu.memory_space<hbm>> -> memref<2048xi32, #tpu.memory_space<hbm>>
      tpu.enqueue_dma source(%dma_start3A_1639 : memref<2048xi32, #tpu.memory_space<hbm>>) target(%arg7 : memref<2048xi32, #tpu.memory_space<vmem>>) target_semaphore(%arg13 : memref<!tpu.dma_semaphore, #tpu.memory_space<semaphore_mem>>)
      %mul3A_1640 = arith.constant 3 : i32
      %mul3A_1641 = arith.muli %mul3A_1640, %scan3A_1161 : i32
      %add3A_1642 = arith.constant 3 : i32
      %add3A_1643 = arith.addi %mul3A_1641, %add3A_1642 : i32
      %dma_wait3A_1644 = arith.constant 0 : i32
      %dma_wait3A_1645 = arith.constant 0 : i32
      %dma_wait3A_1646 = tpu.memref_slice %arg4[%dma_wait3A_1644, %dma_wait3A_1645] : memref<200x16384xf32, #tpu.memory_space<hbm>> -> memref<1x16384xf32, #tpu.memory_space<hbm>>
      %dma_wait3A_1647 = tpu.memref_squeeze %dma_wait3A_1646 : memref<1x16384xf32, #tpu.memory_space<hbm>> -> memref<16384xf32, #tpu.memory_space<hbm>>
      %dma_wait3A_1648 = arith.constant 0 : i32
      %dma_wait3A_1649 = tpu.memref_slice %dma_wait3A_1647[%dma_wait3A_1648] : memref<16384xf32, #tpu.memory_space<hbm>> -> memref<2048xf32, #tpu.memory_space<hbm>>
      %dma_wait3A_1650 = arith.constant 0 : i32
      %dma_wait3A_1651 = tpu.memref_slice %arg4[%dma_wait3A_1644, %dma_wait3A_1650] : memref<200x16384xf32, #tpu.memory_space<hbm>> -> memref<1x16384xf32, #tpu.memory_space<hbm>>
      %dma_wait3A_1652 = tpu.memref_squeeze %dma_wait3A_1651 : memref<1x16384xf32, #tpu.memory_space<hbm>> -> memref<16384xf32, #tpu.memory_space<hbm>>
      %dma_wait3A_1653 = arith.constant 0 : i32
      %dma_wait3A_1654 = tpu.memref_slice %dma_wait3A_1652[%dma_wait3A_1653] : memref<16384xf32, #tpu.memory_space<hbm>> -> memref<2048xf32, #tpu.memory_space<hbm>>
      tpu.wait_dma2 semaphore(%arg19 : memref<!tpu.dma_semaphore, #tpu.memory_space<semaphore_mem>>) src(%arg10 : memref<2048xf32, #tpu.memory_space<vmem>>) dst(%dma_wait3A_1654 : memref<2048xf32, #tpu.memory_space<hbm>>)
      %dma_wait3A_1655 = arith.constant 0 : i32
      %dma_wait3A_1656 = arith.constant 0 : i32
      %dma_wait3A_1657 = tpu.memref_slice %arg3[%dma_wait3A_1655, %dma_wait3A_1656] : memref<200x16384xi32, #tpu.memory_space<hbm>> -> memref<1x16384xi32, #tpu.memory_space<hbm>>
      %dma_wait3A_1658 = tpu.memref_squeeze %dma_wait3A_1657 : memref<1x16384xi32, #tpu.memory_space<hbm>> -> memref<16384xi32, #tpu.memory_space<hbm>>
      %dma_wait3A_1659 = arith.constant 0 : i32
      %dma_wait3A_1660 = tpu.memref_slice %dma_wait3A_1658[%dma_wait3A_1659] : memref<16384xi32, #tpu.memory_space<hbm>> -> memref<2048xi32, #tpu.memory_space<hbm>>
      %dma_wait3A_1661 = arith.constant 0 : i32
      %dma_wait3A_1662 = tpu.memref_slice %arg3[%dma_wait3A_1655, %dma_wait3A_1661] : memref<200x16384xi32, #tpu.memory_space<hbm>> -> memref<1x16384xi32, #tpu.memory_space<hbm>>
      %dma_wait3A_1663 = tpu.memref_squeeze %dma_wait3A_1662 : memref<1x16384xi32, #tpu.memory_space<hbm>> -> memref<16384xi32, #tpu.memory_space<hbm>>
      %dma_wait3A_1664 = arith.constant 0 : i32
      %dma_wait3A_1665 = tpu.memref_slice %dma_wait3A_1663[%dma_wait3A_1664] : memref<16384xi32, #tpu.memory_space<hbm>> -> memref<2048xi32, #tpu.memory_space<hbm>>
      tpu.wait_dma2 semaphore(%arg13 : memref<!tpu.dma_semaphore, #tpu.memory_space<semaphore_mem>>) src(%dma_wait3A_1665 : memref<2048xi32, #tpu.memory_space<hbm>>) dst(%arg7 : memref<2048xi32, #tpu.memory_space<vmem>>)
      %add3A_1666 = arith.constant 2 : i32
      %add3A_1667 = arith.addi %add3A_1643, %add3A_1666 : i32
      %dma_start3A_1668 = arith.constant 0 : i32
      %dma_start3A_1669 = tpu.memref_slice %arg10[%dma_start3A_1668] : memref<2048xf32, #tpu.memory_space<vmem>> -> memref<128xf32, #tpu.memory_space<vmem>>
      %dma_start3A_1670 = arith.constant 0 : i32
      %dma_start3A_1671 = tpu.memref_slice %arg7[%dma_start3A_1670] : memref<2048xi32, #tpu.memory_space<vmem>> -> memref<128xi32, #tpu.memory_space<vmem>>
      %dma_start3A_1672 = arith.constant 0 : i32
      %dma_start3A_1673 = tpu.memref_slice %arg2[%dma_start3A_1672] : memref<4000000xf32, #tpu.memory_space<hbm>> -> memref<4000000xf32, #tpu.memory_space<hbm>>
      tpu.enqueue_indirect_dma source(%dma_start3A_1673 : memref<4000000xf32, #tpu.memory_space<hbm>>) target(%dma_start3A_1669 : memref<128xf32, #tpu.memory_space<vmem>>) offsets(%dma_start3A_1671 : memref<128xi32, #tpu.memory_space<vmem>>) semaphore(%arg16 : memref<!tpu.dma_semaphore, #tpu.memory_space<semaphore_mem>>)
      %dma_start3A_1674 = arith.constant 128 : i32
      %dma_start3A_1675 = tpu.memref_slice %arg10[%dma_start3A_1674] : memref<2048xf32, #tpu.memory_space<vmem>> -> memref<128xf32, #tpu.memory_space<vmem>>
      %dma_start3A_1676 = arith.constant 128 : i32
      %dma_start3A_1677 = tpu.memref_slice %arg7[%dma_start3A_1676] : memref<2048xi32, #tpu.memory_space<vmem>> -> memref<128xi32, #tpu.memory_space<vmem>>
      %dma_start3A_1678 = arith.constant 0 : i32
      %dma_start3A_1679 = tpu.memref_slice %arg2[%dma_start3A_1678] : memref<4000000xf32, #tpu.memory_space<hbm>> -> memref<4000000xf32, #tpu.memory_space<hbm>>
      tpu.enqueue_indirect_dma source(%dma_start3A_1679 : memref<4000000xf32, #tpu.memory_space<hbm>>) target(%dma_start3A_1675 : memref<128xf32, #tpu.memory_space<vmem>>) offsets(%dma_start3A_1677 : memref<128xi32, #tpu.memory_space<vmem>>) semaphore(%arg16 : memref<!tpu.dma_semaphore, #tpu.memory_space<semaphore_mem>>)
      %dma_start3A_1680 = arith.constant 256 : i32
      %dma_start3A_1681 = tpu.memref_slice %arg10[%dma_start3A_1680] : memref<2048xf32, #tpu.memory_space<vmem>> -> memref<128xf32, #tpu.memory_space<vmem>>
      %dma_start3A_1682 = arith.constant 256 : i32
      %dma_start3A_1683 = tpu.memref_slice %arg7[%dma_start3A_1682] : memref<2048xi32, #tpu.memory_space<vmem>> -> memref<128xi32, #tpu.memory_space<vmem>>
      %dma_start3A_1684 = arith.constant 0 : i32
      %dma_start3A_1685 = tpu.memref_slice %arg2[%dma_start3A_1684] : memref<4000000xf32, #tpu.memory_space<hbm>> -> memref<4000000xf32, #tpu.memory_space<hbm>>
      tpu.enqueue_indirect_dma source(%dma_start3A_1685 : memref<4000000xf32, #tpu.memory_space<hbm>>) target(%dma_start3A_1681 : memref<128xf32, #tpu.memory_space<vmem>>) offsets(%dma_start3A_1683 : memref<128xi32, #tpu.memory_space<vmem>>) semaphore(%arg16 : memref<!tpu.dma_semaphore, #tpu.memory_space<semaphore_mem>>)
      %dma_start3A_1686 = arith.constant 384 : i32
      %dma_start3A_1687 = tpu.memref_slice %arg10[%dma_start3A_1686] : memref<2048xf32, #tpu.memory_space<vmem>> -> memref<128xf32, #tpu.memory_space<vmem>>
      %dma_start3A_1688 = arith.constant 384 : i32
      %dma_start3A_1689 = tpu.memref_slice %arg7[%dma_start3A_1688] : memref<2048xi32, #tpu.memory_space<vmem>> -> memref<128xi32, #tpu.memory_space<vmem>>
      %dma_start3A_1690 = arith.constant 0 : i32
      %dma_start3A_1691 = tpu.memref_slice %arg2[%dma_start3A_1690] : memref<4000000xf32, #tpu.memory_space<hbm>> -> memref<4000000xf32, #tpu.memory_space<hbm>>
      tpu.enqueue_indirect_dma source(%dma_start3A_1691 : memref<4000000xf32, #tpu.memory_space<hbm>>) target(%dma_start3A_1687 : memref<128xf32, #tpu.memory_space<vmem>>) offsets(%dma_start3A_1689 : memref<128xi32, #tpu.memory_space<vmem>>) semaphore(%arg16 : memref<!tpu.dma_semaphore, #tpu.memory_space<semaphore_mem>>)
      %dma_start3A_1692 = arith.constant 512 : i32
      %dma_start3A_1693 = tpu.memref_slice %arg10[%dma_start3A_1692] : memref<2048xf32, #tpu.memory_space<vmem>> -> memref<128xf32, #tpu.memory_space<vmem>>
      %dma_start3A_1694 = arith.constant 512 : i32
      %dma_start3A_1695 = tpu.memref_slice %arg7[%dma_start3A_1694] : memref<2048xi32, #tpu.memory_space<vmem>> -> memref<128xi32, #tpu.memory_space<vmem>>
      %dma_start3A_1696 = arith.constant 0 : i32
      %dma_start3A_1697 = tpu.memref_slice %arg2[%dma_start3A_1696] : memref<4000000xf32, #tpu.memory_space<hbm>> -> memref<4000000xf32, #tpu.memory_space<hbm>>
      tpu.enqueue_indirect_dma source(%dma_start3A_1697 : memref<4000000xf32, #tpu.memory_space<hbm>>) target(%dma_start3A_1693 : memref<128xf32, #tpu.memory_space<vmem>>) offsets(%dma_start3A_1695 : memref<128xi32, #tpu.memory_space<vmem>>) semaphore(%arg16 : memref<!tpu.dma_semaphore, #tpu.memory_space<semaphore_mem>>)
      %dma_start3A_1698 = arith.constant 640 : i32
      %dma_start3A_1699 = tpu.memref_slice %arg10[%dma_start3A_1698] : memref<2048xf32, #tpu.memory_space<vmem>> -> memref<128xf32, #tpu.memory_space<vmem>>
      %dma_start3A_1700 = arith.constant 640 : i32
      %dma_start3A_1701 = tpu.memref_slice %arg7[%dma_start3A_1700] : memref<2048xi32, #tpu.memory_space<vmem>> -> memref<128xi32, #tpu.memory_space<vmem>>
      %dma_start3A_1702 = arith.constant 0 : i32
      %dma_start3A_1703 = tpu.memref_slice %arg2[%dma_start3A_1702] : memref<4000000xf32, #tpu.memory_space<hbm>> -> memref<4000000xf32, #tpu.memory_space<hbm>>
      tpu.enqueue_indirect_dma source(%dma_start3A_1703 : memref<4000000xf32, #tpu.memory_space<hbm>>) target(%dma_start3A_1699 : memref<128xf32, #tpu.memory_space<vmem>>) offsets(%dma_start3A_1701 : memref<128xi32, #tpu.memory_space<vmem>>) semaphore(%arg16 : memref<!tpu.dma_semaphore, #tpu.memory_space<semaphore_mem>>)
      %dma_start3A_1704 = arith.constant 768 : i32
      %dma_start3A_1705 = tpu.memref_slice %arg10[%dma_start3A_1704] : memref<2048xf32, #tpu.memory_space<vmem>> -> memref<128xf32, #tpu.memory_space<vmem>>
      %dma_start3A_1706 = arith.constant 768 : i32
      %dma_start3A_1707 = tpu.memref_slice %arg7[%dma_start3A_1706] : memref<2048xi32, #tpu.memory_space<vmem>> -> memref<128xi32, #tpu.memory_space<vmem>>
      %dma_start3A_1708 = arith.constant 0 : i32
      %dma_start3A_1709 = tpu.memref_slice %arg2[%dma_start3A_1708] : memref<4000000xf32, #tpu.memory_space<hbm>> -> memref<4000000xf32, #tpu.memory_space<hbm>>
      tpu.enqueue_indirect_dma source(%dma_start3A_1709 : memref<4000000xf32, #tpu.memory_space<hbm>>) target(%dma_start3A_1705 : memref<128xf32, #tpu.memory_space<vmem>>) offsets(%dma_start3A_1707 : memref<128xi32, #tpu.memory_space<vmem>>) semaphore(%arg16 : memref<!tpu.dma_semaphore, #tpu.memory_space<semaphore_mem>>)
      %dma_start3A_1710 = arith.constant 896 : i32
      %dma_start3A_1711 = tpu.memref_slice %arg10[%dma_start3A_1710] : memref<2048xf32, #tpu.memory_space<vmem>> -> memref<128xf32, #tpu.memory_space<vmem>>
      %dma_start3A_1712 = arith.constant 896 : i32
      %dma_start3A_1713 = tpu.memref_slice %arg7[%dma_start3A_1712] : memref<2048xi32, #tpu.memory_space<vmem>> -> memref<128xi32, #tpu.memory_space<vmem>>
      %dma_start3A_1714 = arith.constant 0 : i32
      %dma_start3A_1715 = tpu.memref_slice %arg2[%dma_start3A_1714] : memref<4000000xf32, #tpu.memory_space<hbm>> -> memref<4000000xf32, #tpu.memory_space<hbm>>
      tpu.enqueue_indirect_dma source(%dma_start3A_1715 : memref<4000000xf32, #tpu.memory_space<hbm>>) target(%dma_start3A_1711 : memref<128xf32, #tpu.memory_space<vmem>>) offsets(%dma_start3A_1713 : memref<128xi32, #tpu.memory_space<vmem>>) semaphore(%arg16 : memref<!tpu.dma_semaphore, #tpu.memory_space<semaphore_mem>>)
      %dma_start3A_1716 = arith.constant 1024 : i32
      %dma_start3A_1717 = tpu.memref_slice %arg10[%dma_start3A_1716] : memref<2048xf32, #tpu.memory_space<vmem>> -> memref<128xf32, #tpu.memory_space<vmem>>
      %dma_start3A_1718 = arith.constant 1024 : i32
      %dma_start3A_1719 = tpu.memref_slice %arg7[%dma_start3A_1718] : memref<2048xi32, #tpu.memory_space<vmem>> -> memref<128xi32, #tpu.memory_space<vmem>>
      %dma_start3A_1720 = arith.constant 0 : i32
      %dma_start3A_1721 = tpu.memref_slice %arg2[%dma_start3A_1720] : memref<4000000xf32, #tpu.memory_space<hbm>> -> memref<4000000xf32, #tpu.memory_space<hbm>>
      tpu.enqueue_indirect_dma source(%dma_start3A_1721 : memref<4000000xf32, #tpu.memory_space<hbm>>) target(%dma_start3A_1717 : memref<128xf32, #tpu.memory_space<vmem>>) offsets(%dma_start3A_1719 : memref<128xi32, #tpu.memory_space<vmem>>) semaphore(%arg16 : memref<!tpu.dma_semaphore, #tpu.memory_space<semaphore_mem>>)
      %dma_start3A_1722 = arith.constant 1152 : i32
      %dma_start3A_1723 = tpu.memref_slice %arg10[%dma_start3A_1722] : memref<2048xf32, #tpu.memory_space<vmem>> -> memref<128xf32, #tpu.memory_space<vmem>>
      %dma_start3A_1724 = arith.constant 1152 : i32
      %dma_start3A_1725 = tpu.memref_slice %arg7[%dma_start3A_1724] : memref<2048xi32, #tpu.memory_space<vmem>> -> memref<128xi32, #tpu.memory_space<vmem>>
      %dma_start3A_1726 = arith.constant 0 : i32
      %dma_start3A_1727 = tpu.memref_slice %arg2[%dma_start3A_1726] : memref<4000000xf32, #tpu.memory_space<hbm>> -> memref<4000000xf32, #tpu.memory_space<hbm>>
      tpu.enqueue_indirect_dma source(%dma_start3A_1727 : memref<4000000xf32, #tpu.memory_space<hbm>>) target(%dma_start3A_1723 : memref<128xf32, #tpu.memory_space<vmem>>) offsets(%dma_start3A_1725 : memref<128xi32, #tpu.memory_space<vmem>>) semaphore(%arg16 : memref<!tpu.dma_semaphore, #tpu.memory_space<semaphore_mem>>)
      %dma_start3A_1728 = arith.constant 1280 : i32
      %dma_start3A_1729 = tpu.memref_slice %arg10[%dma_start3A_1728] : memref<2048xf32, #tpu.memory_space<vmem>> -> memref<128xf32, #tpu.memory_space<vmem>>
      %dma_start3A_1730 = arith.constant 1280 : i32
      %dma_start3A_1731 = tpu.memref_slice %arg7[%dma_start3A_1730] : memref<2048xi32, #tpu.memory_space<vmem>> -> memref<128xi32, #tpu.memory_space<vmem>>
      %dma_start3A_1732 = arith.constant 0 : i32
      %dma_start3A_1733 = tpu.memref_slice %arg2[%dma_start3A_1732] : memref<4000000xf32, #tpu.memory_space<hbm>> -> memref<4000000xf32, #tpu.memory_space<hbm>>
      tpu.enqueue_indirect_dma source(%dma_start3A_1733 : memref<4000000xf32, #tpu.memory_space<hbm>>) target(%dma_start3A_1729 : memref<128xf32, #tpu.memory_space<vmem>>) offsets(%dma_start3A_1731 : memref<128xi32, #tpu.memory_space<vmem>>) semaphore(%arg16 : memref<!tpu.dma_semaphore, #tpu.memory_space<semaphore_mem>>)
      %dma_start3A_1734 = arith.constant 1408 : i32
      %dma_start3A_1735 = tpu.memref_slice %arg10[%dma_start3A_1734] : memref<2048xf32, #tpu.memory_space<vmem>> -> memref<128xf32, #tpu.memory_space<vmem>>
      %dma_start3A_1736 = arith.constant 1408 : i32
      %dma_start3A_1737 = tpu.memref_slice %arg7[%dma_start3A_1736] : memref<2048xi32, #tpu.memory_space<vmem>> -> memref<128xi32, #tpu.memory_space<vmem>>
      %dma_start3A_1738 = arith.constant 0 : i32
      %dma_start3A_1739 = tpu.memref_slice %arg2[%dma_start3A_1738] : memref<4000000xf32, #tpu.memory_space<hbm>> -> memref<4000000xf32, #tpu.memory_space<hbm>>
      tpu.enqueue_indirect_dma source(%dma_start3A_1739 : memref<4000000xf32, #tpu.memory_space<hbm>>) target(%dma_start3A_1735 : memref<128xf32, #tpu.memory_space<vmem>>) offsets(%dma_start3A_1737 : memref<128xi32, #tpu.memory_space<vmem>>) semaphore(%arg16 : memref<!tpu.dma_semaphore, #tpu.memory_space<semaphore_mem>>)
      %dma_start3A_1740 = arith.constant 1536 : i32
      %dma_start3A_1741 = tpu.memref_slice %arg10[%dma_start3A_1740] : memref<2048xf32, #tpu.memory_space<vmem>> -> memref<128xf32, #tpu.memory_space<vmem>>
      %dma_start3A_1742 = arith.constant 1536 : i32
      %dma_start3A_1743 = tpu.memref_slice %arg7[%dma_start3A_1742] : memref<2048xi32, #tpu.memory_space<vmem>> -> memref<128xi32, #tpu.memory_space<vmem>>
      %dma_start3A_1744 = arith.constant 0 : i32
      %dma_start3A_1745 = tpu.memref_slice %arg2[%dma_start3A_1744] : memref<4000000xf32, #tpu.memory_space<hbm>> -> memref<4000000xf32, #tpu.memory_space<hbm>>
      tpu.enqueue_indirect_dma source(%dma_start3A_1745 : memref<4000000xf32, #tpu.memory_space<hbm>>) target(%dma_start3A_1741 : memref<128xf32, #tpu.memory_space<vmem>>) offsets(%dma_start3A_1743 : memref<128xi32, #tpu.memory_space<vmem>>) semaphore(%arg16 : memref<!tpu.dma_semaphore, #tpu.memory_space<semaphore_mem>>)
      %dma_start3A_1746 = arith.constant 1664 : i32
      %dma_start3A_1747 = tpu.memref_slice %arg10[%dma_start3A_1746] : memref<2048xf32, #tpu.memory_space<vmem>> -> memref<128xf32, #tpu.memory_space<vmem>>
      %dma_start3A_1748 = arith.constant 1664 : i32
      %dma_start3A_1749 = tpu.memref_slice %arg7[%dma_start3A_1748] : memref<2048xi32, #tpu.memory_space<vmem>> -> memref<128xi32, #tpu.memory_space<vmem>>
      %dma_start3A_1750 = arith.constant 0 : i32
      %dma_start3A_1751 = tpu.memref_slice %arg2[%dma_start3A_1750] : memref<4000000xf32, #tpu.memory_space<hbm>> -> memref<4000000xf32, #tpu.memory_space<hbm>>
      tpu.enqueue_indirect_dma source(%dma_start3A_1751 : memref<4000000xf32, #tpu.memory_space<hbm>>) target(%dma_start3A_1747 : memref<128xf32, #tpu.memory_space<vmem>>) offsets(%dma_start3A_1749 : memref<128xi32, #tpu.memory_space<vmem>>) semaphore(%arg16 : memref<!tpu.dma_semaphore, #tpu.memory_space<semaphore_mem>>)
      %dma_start3A_1752 = arith.constant 1792 : i32
      %dma_start3A_1753 = tpu.memref_slice %arg10[%dma_start3A_1752] : memref<2048xf32, #tpu.memory_space<vmem>> -> memref<128xf32, #tpu.memory_space<vmem>>
      %dma_start3A_1754 = arith.constant 1792 : i32
      %dma_start3A_1755 = tpu.memref_slice %arg7[%dma_start3A_1754] : memref<2048xi32, #tpu.memory_space<vmem>> -> memref<128xi32, #tpu.memory_space<vmem>>
      %dma_start3A_1756 = arith.constant 0 : i32
      %dma_start3A_1757 = tpu.memref_slice %arg2[%dma_start3A_1756] : memref<4000000xf32, #tpu.memory_space<hbm>> -> memref<4000000xf32, #tpu.memory_space<hbm>>
      tpu.enqueue_indirect_dma source(%dma_start3A_1757 : memref<4000000xf32, #tpu.memory_space<hbm>>) target(%dma_start3A_1753 : memref<128xf32, #tpu.memory_space<vmem>>) offsets(%dma_start3A_1755 : memref<128xi32, #tpu.memory_space<vmem>>) semaphore(%arg16 : memref<!tpu.dma_semaphore, #tpu.memory_space<semaphore_mem>>)
      %dma_start3A_1758 = arith.constant 1920 : i32
      %dma_start3A_1759 = tpu.memref_slice %arg10[%dma_start3A_1758] : memref<2048xf32, #tpu.memory_space<vmem>> -> memref<128xf32, #tpu.memory_space<vmem>>
      %dma_start3A_1760 = arith.constant 1920 : i32
      %dma_start3A_1761 = tpu.memref_slice %arg7[%dma_start3A_1760] : memref<2048xi32, #tpu.memory_space<vmem>> -> memref<128xi32, #tpu.memory_space<vmem>>
      %dma_start3A_1762 = arith.constant 0 : i32
      %dma_start3A_1763 = tpu.memref_slice %arg2[%dma_start3A_1762] : memref<4000000xf32, #tpu.memory_space<hbm>> -> memref<4000000xf32, #tpu.memory_space<hbm>>
      tpu.enqueue_indirect_dma source(%dma_start3A_1763 : memref<4000000xf32, #tpu.memory_space<hbm>>) target(%dma_start3A_1759 : memref<128xf32, #tpu.memory_space<vmem>>) offsets(%dma_start3A_1761 : memref<128xi32, #tpu.memory_space<vmem>>) semaphore(%arg16 : memref<!tpu.dma_semaphore, #tpu.memory_space<semaphore_mem>>)
      %dma_wait3A_1764 = arith.constant 0 : i32
      %dma_wait3A_1765 = arith.constant 0 : i32
      %dma_wait3A_1766 = tpu.memref_slice %arg4[%dma_wait3A_1764, %dma_wait3A_1765] : memref<200x16384xf32, #tpu.memory_space<hbm>> -> memref<1x16384xf32, #tpu.memory_space<hbm>>
      %dma_wait3A_1767 = tpu.memref_squeeze %dma_wait3A_1766 : memref<1x16384xf32, #tpu.memory_space<hbm>> -> memref<16384xf32, #tpu.memory_space<hbm>>
      %dma_wait3A_1768 = arith.constant 0 : i32
      %dma_wait3A_1769 = tpu.memref_slice %dma_wait3A_1767[%dma_wait3A_1768] : memref<16384xf32, #tpu.memory_space<hbm>> -> memref<2048xf32, #tpu.memory_space<hbm>>
      %dma_wait3A_1770 = arith.constant 0 : i32
      %dma_wait3A_1771 = tpu.memref_slice %arg4[%dma_wait3A_1764, %dma_wait3A_1770] : memref<200x16384xf32, #tpu.memory_space<hbm>> -> memref<1x16384xf32, #tpu.memory_space<hbm>>
      %dma_wait3A_1772 = tpu.memref_squeeze %dma_wait3A_1771 : memref<1x16384xf32, #tpu.memory_space<hbm>> -> memref<16384xf32, #tpu.memory_space<hbm>>
      %dma_wait3A_1773 = arith.constant 0 : i32
      %dma_wait3A_1774 = tpu.memref_slice %dma_wait3A_1772[%dma_wait3A_1773] : memref<16384xf32, #tpu.memory_space<hbm>> -> memref<2048xf32, #tpu.memory_space<hbm>>
      tpu.wait_dma2 semaphore(%arg14 : memref<!tpu.dma_semaphore, #tpu.memory_space<semaphore_mem>>) src(%dma_wait3A_1774 : memref<2048xf32, #tpu.memory_space<hbm>>) dst(%arg8 : memref<2048xf32, #tpu.memory_space<vmem>>)
      %add3A_1775 = arith.addi %mul3A_2, %add3A_1643 : i32
      %jit3A_1776 = arith.constant 8 : i32
      %div3A_1777 = arith.divsi %add3A_1775, %jit3A_1776 : i32
      %sign3A_1778 = arith.constant 0 : i32
      %sign3A_1779 = arith.cmpi sgt, %add3A_1775, %sign3A_1778 : i32
      %sign3A_1780 = arith.extui %sign3A_1779 : i1 to i32
      %sign3A_1781 = arith.constant 0 : i32
      %sign3A_1782 = arith.cmpi slt, %add3A_1775, %sign3A_1781 : i32
      %sign3A_1783 = arith.extui %sign3A_1782 : i1 to i32
      %sign3A_1784 = arith.subi %sign3A_1780, %sign3A_1783 : i32
      %sign3A_1785 = arith.constant 0 : i32
      %sign3A_1786 = arith.cmpi sgt, %jit3A_1776, %sign3A_1785 : i32
      %sign3A_1787 = arith.extui %sign3A_1786 : i1 to i32
      %sign3A_1788 = arith.constant 0 : i32
      %sign3A_1789 = arith.cmpi slt, %jit3A_1776, %sign3A_1788 : i32
      %sign3A_1790 = arith.extui %sign3A_1789 : i1 to i32
      %sign3A_1791 = arith.subi %sign3A_1787, %sign3A_1790 : i32
      %ne3A_1792 = arith.cmpi ne, %sign3A_1784, %sign3A_1791 : i32
      %rem3A_1793 = arith.remsi %add3A_1775, %jit3A_1776 : i32
      %ne3A_1794 = arith.constant 0 : i32
      %ne3A_1795 = arith.cmpi ne, %rem3A_1793, %ne3A_1794 : i32
      %and3A_1796 = arith.andi %ne3A_1792, %ne3A_1795 : i1
      %sub3A_1797 = arith.constant 1 : i32
      %sub3A_1798 = arith.subi %div3A_1777, %sub3A_1797 : i32
      %select_n3A_1799 = arith.select %and3A_1796, %sub3A_1798, %div3A_1777 : i32
      %jit3A_1800 = arith.constant 8 : i32
      %eq3A_1801 = arith.constant 0 : i32
      %eq3A_1802 = arith.cmpi eq, %jit3A_1800, %eq3A_1801 : i32
      %jit3A_1803 = arith.constant 1 : i32
      %select_n3A_1804 = arith.select %eq3A_1802, %jit3A_1803, %jit3A_1800 : i32
      %rem3A_1805 = arith.remsi %add3A_1775, %select_n3A_1804 : i32
      %ne3A_1806 = arith.constant 0 : i32
      %ne3A_1807 = arith.cmpi ne, %rem3A_1805, %ne3A_1806 : i32
      %lt3A_1808 = arith.constant 0 : i32
      %lt3A_1809 = arith.cmpi slt, %rem3A_1805, %lt3A_1808 : i32
      %lt3A_1810 = arith.constant 0 : i32
      %lt3A_1811 = arith.cmpi slt, %select_n3A_1804, %lt3A_1810 : i32
      %ne3A_1812 = arith.xori %lt3A_1809, %lt3A_1811 : i1
      %and3A_1813 = arith.andi %ne3A_1812, %ne3A_1807 : i1
      %add3A_1814 = arith.addi %rem3A_1805, %select_n3A_1804 : i32
      %select_n3A_1815 = arith.select %and3A_1813, %add3A_1814, %rem3A_1805 : i32
      %mul3A_1816 = arith.constant 2048 : i32
      %mul3A_1817 = arith.muli %select_n3A_1815, %mul3A_1816 : i32
      %dma_start3A_1818 = arith.constant 0 : i32
      %dma_start3A_1819 = tpu.memref_slice %arg4[%select_n3A_1799, %dma_start3A_1818] : memref<200x16384xf32, #tpu.memory_space<hbm>> -> memref<1x16384xf32, #tpu.memory_space<hbm>>
      %dma_start3A_1820 = tpu.memref_squeeze %dma_start3A_1819 : memref<1x16384xf32, #tpu.memory_space<hbm>> -> memref<16384xf32, #tpu.memory_space<hbm>>
      %dma_start3A_1821 = tpu.memref_slice %dma_start3A_1820[%mul3A_1817] : memref<16384xf32, #tpu.memory_space<hbm>> -> memref<2048xf32, #tpu.memory_space<hbm>>
      %dma_start3A_1822 = arith.constant 0 : i32
      %dma_start3A_1823 = tpu.memref_slice %arg4[%select_n3A_1799, %dma_start3A_1822] : memref<200x16384xf32, #tpu.memory_space<hbm>> -> memref<1x16384xf32, #tpu.memory_space<hbm>>
      %dma_start3A_1824 = tpu.memref_squeeze %dma_start3A_1823 : memref<1x16384xf32, #tpu.memory_space<hbm>> -> memref<16384xf32, #tpu.memory_space<hbm>>
      %dma_start3A_1825 = tpu.memref_slice %dma_start3A_1824[%mul3A_1817] : memref<16384xf32, #tpu.memory_space<hbm>> -> memref<2048xf32, #tpu.memory_space<hbm>>
      tpu.enqueue_dma source(%arg8 : memref<2048xf32, #tpu.memory_space<vmem>>) target(%dma_start3A_1825 : memref<2048xf32, #tpu.memory_space<hbm>>) target_semaphore(%arg17 : memref<!tpu.dma_semaphore, #tpu.memory_space<semaphore_mem>>)
      %add3A_1826 = arith.constant 3 : i32
      %add3A_1827 = arith.addi %add3A_1643, %add3A_1826 : i32
      %add3A_1828 = arith.addi %mul3A_2, %add3A_1827 : i32
      %jit3A_1829 = arith.constant 8 : i32
      %div3A_1830 = arith.divsi %add3A_1828, %jit3A_1829 : i32
      %sign3A_1831 = arith.constant 0 : i32
      %sign3A_1832 = arith.cmpi sgt, %add3A_1828, %sign3A_1831 : i32
      %sign3A_1833 = arith.extui %sign3A_1832 : i1 to i32
      %sign3A_1834 = arith.constant 0 : i32
      %sign3A_1835 = arith.cmpi slt, %add3A_1828, %sign3A_1834 : i32
      %sign3A_1836 = arith.extui %sign3A_1835 : i1 to i32
      %sign3A_1837 = arith.subi %sign3A_1833, %sign3A_1836 : i32
      %sign3A_1838 = arith.constant 0 : i32
      %sign3A_1839 = arith.cmpi sgt, %jit3A_1829, %sign3A_1838 : i32
      %sign3A_1840 = arith.extui %sign3A_1839 : i1 to i32
      %sign3A_1841 = arith.constant 0 : i32
      %sign3A_1842 = arith.cmpi slt, %jit3A_1829, %sign3A_1841 : i32
      %sign3A_1843 = arith.extui %sign3A_1842 : i1 to i32
      %sign3A_1844 = arith.subi %sign3A_1840, %sign3A_1843 : i32
      %ne3A_1845 = arith.cmpi ne, %sign3A_1837, %sign3A_1844 : i32
      %rem3A_1846 = arith.remsi %add3A_1828, %jit3A_1829 : i32
      %ne3A_1847 = arith.constant 0 : i32
      %ne3A_1848 = arith.cmpi ne, %rem3A_1846, %ne3A_1847 : i32
      %and3A_1849 = arith.andi %ne3A_1845, %ne3A_1848 : i1
      %sub3A_1850 = arith.constant 1 : i32
      %sub3A_1851 = arith.subi %div3A_1830, %sub3A_1850 : i32
      %select_n3A_1852 = arith.select %and3A_1849, %sub3A_1851, %div3A_1830 : i32
      %jit3A_1853 = arith.constant 8 : i32
      %eq3A_1854 = arith.constant 0 : i32
      %eq3A_1855 = arith.cmpi eq, %jit3A_1853, %eq3A_1854 : i32
      %jit3A_1856 = arith.constant 1 : i32
      %select_n3A_1857 = arith.select %eq3A_1855, %jit3A_1856, %jit3A_1853 : i32
      %rem3A_1858 = arith.remsi %add3A_1828, %select_n3A_1857 : i32
      %ne3A_1859 = arith.constant 0 : i32
      %ne3A_1860 = arith.cmpi ne, %rem3A_1858, %ne3A_1859 : i32
      %lt3A_1861 = arith.constant 0 : i32
      %lt3A_1862 = arith.cmpi slt, %rem3A_1858, %lt3A_1861 : i32
      %lt3A_1863 = arith.constant 0 : i32
      %lt3A_1864 = arith.cmpi slt, %select_n3A_1857, %lt3A_1863 : i32
      %ne3A_1865 = arith.xori %lt3A_1862, %lt3A_1864 : i1
      %and3A_1866 = arith.andi %ne3A_1865, %ne3A_1860 : i1
      %add3A_1867 = arith.addi %rem3A_1858, %select_n3A_1857 : i32
      %select_n3A_1868 = arith.select %and3A_1866, %add3A_1867, %rem3A_1858 : i32
      %mul3A_1869 = arith.constant 2048 : i32
      %mul3A_1870 = arith.muli %select_n3A_1868, %mul3A_1869 : i32
      %dma_start3A_1871 = arith.constant 0 : i32
      %dma_start3A_1872 = tpu.memref_slice %arg3[%select_n3A_1852, %dma_start3A_1871] : memref<200x16384xi32, #tpu.memory_space<hbm>> -> memref<1x16384xi32, #tpu.memory_space<hbm>>
      %dma_start3A_1873 = tpu.memref_squeeze %dma_start3A_1872 : memref<1x16384xi32, #tpu.memory_space<hbm>> -> memref<16384xi32, #tpu.memory_space<hbm>>
      %dma_start3A_1874 = tpu.memref_slice %dma_start3A_1873[%mul3A_1870] : memref<16384xi32, #tpu.memory_space<hbm>> -> memref<2048xi32, #tpu.memory_space<hbm>>
      %dma_start3A_1875 = arith.constant 0 : i32
      %dma_start3A_1876 = tpu.memref_slice %arg3[%select_n3A_1852, %dma_start3A_1875] : memref<200x16384xi32, #tpu.memory_space<hbm>> -> memref<1x16384xi32, #tpu.memory_space<hbm>>
      %dma_start3A_1877 = tpu.memref_squeeze %dma_start3A_1876 : memref<1x16384xi32, #tpu.memory_space<hbm>> -> memref<16384xi32, #tpu.memory_space<hbm>>
      %dma_start3A_1878 = tpu.memref_slice %dma_start3A_1877[%mul3A_1870] : memref<16384xi32, #tpu.memory_space<hbm>> -> memref<2048xi32, #tpu.memory_space<hbm>>
      tpu.enqueue_dma source(%dma_start3A_1878 : memref<2048xi32, #tpu.memory_space<hbm>>) target(%arg5 : memref<2048xi32, #tpu.memory_space<vmem>>) target_semaphore(%arg11 : memref<!tpu.dma_semaphore, #tpu.memory_space<semaphore_mem>>)
    }
    %scan3A_587 = arith.constant 15 : i32
    %dma_wait3A_588 = arith.constant 0 : i32
    %dma_wait3A_589 = arith.constant 0 : i32
    %dma_wait3A_590 = tpu.memref_slice %arg4[%dma_wait3A_588, %dma_wait3A_589] : memref<200x16384xf32, #tpu.memory_space<hbm>> -> memref<1x16384xf32, #tpu.memory_space<hbm>>
    %dma_wait3A_591 = tpu.memref_squeeze %dma_wait3A_590 : memref<1x16384xf32, #tpu.memory_space<hbm>> -> memref<16384xf32, #tpu.memory_space<hbm>>
    %dma_wait3A_592 = arith.constant 0 : i32
    %dma_wait3A_593 = tpu.memref_slice %dma_wait3A_591[%dma_wait3A_592] : memref<16384xf32, #tpu.memory_space<hbm>> -> memref<2048xf32, #tpu.memory_space<hbm>>
    %dma_wait3A_594 = arith.constant 0 : i32
    %dma_wait3A_595 = tpu.memref_slice %arg4[%dma_wait3A_588, %dma_wait3A_594] : memref<200x16384xf32, #tpu.memory_space<hbm>> -> memref<1x16384xf32, #tpu.memory_space<hbm>>
    %dma_wait3A_596 = tpu.memref_squeeze %dma_wait3A_595 : memref<1x16384xf32, #tpu.memory_space<hbm>> -> memref<16384xf32, #tpu.memory_space<hbm>>
    %dma_wait3A_597 = arith.constant 0 : i32
    %dma_wait3A_598 = tpu.memref_slice %dma_wait3A_596[%dma_wait3A_597] : memref<16384xf32, #tpu.memory_space<hbm>> -> memref<2048xf32, #tpu.memory_space<hbm>>
    tpu.wait_dma2 semaphore(%arg17 : memref<!tpu.dma_semaphore, #tpu.memory_space<semaphore_mem>>) src(%arg8 : memref<2048xf32, #tpu.memory_space<vmem>>) dst(%dma_wait3A_598 : memref<2048xf32, #tpu.memory_space<hbm>>)
    %dma_wait3A_599 = arith.constant 0 : i32
    %dma_wait3A_600 = arith.constant 0 : i32
    %dma_wait3A_601 = tpu.memref_slice %arg3[%dma_wait3A_599, %dma_wait3A_600] : memref<200x16384xi32, #tpu.memory_space<hbm>> -> memref<1x16384xi32, #tpu.memory_space<hbm>>
    %dma_wait3A_602 = tpu.memref_squeeze %dma_wait3A_601 : memref<1x16384xi32, #tpu.memory_space<hbm>> -> memref<16384xi32, #tpu.memory_space<hbm>>
    %dma_wait3A_603 = arith.constant 0 : i32
    %dma_wait3A_604 = tpu.memref_slice %dma_wait3A_602[%dma_wait3A_603] : memref<16384xi32, #tpu.memory_space<hbm>> -> memref<2048xi32, #tpu.memory_space<hbm>>
    %dma_wait3A_605 = arith.constant 0 : i32
    %dma_wait3A_606 = tpu.memref_slice %arg3[%dma_wait3A_599, %dma_wait3A_605] : memref<200x16384xi32, #tpu.memory_space<hbm>> -> memref<1x16384xi32, #tpu.memory_space<hbm>>
    %dma_wait3A_607 = tpu.memref_squeeze %dma_wait3A_606 : memref<1x16384xi32, #tpu.memory_space<hbm>> -> memref<16384xi32, #tpu.memory_space<hbm>>
    %dma_wait3A_608 = arith.constant 0 : i32
    %dma_wait3A_609 = tpu.memref_slice %dma_wait3A_607[%dma_wait3A_608] : memref<16384xi32, #tpu.memory_space<hbm>> -> memref<2048xi32, #tpu.memory_space<hbm>>
    tpu.wait_dma2 semaphore(%arg11 : memref<!tpu.dma_semaphore, #tpu.memory_space<semaphore_mem>>) src(%dma_wait3A_609 : memref<2048xi32, #tpu.memory_space<hbm>>) dst(%arg5 : memref<2048xi32, #tpu.memory_space<vmem>>)
    %dma_start3A_610 = arith.constant 0 : i32
    %dma_start3A_611 = tpu.memref_slice %arg8[%dma_start3A_610] : memref<2048xf32, #tpu.memory_space<vmem>> -> memref<128xf32, #tpu.memory_space<vmem>>
    %dma_start3A_612 = arith.constant 0 : i32
    %dma_start3A_613 = tpu.memref_slice %arg5[%dma_start3A_612] : memref<2048xi32, #tpu.memory_space<vmem>> -> memref<128xi32, #tpu.memory_space<vmem>>
    %dma_start3A_614 = arith.constant 0 : i32
    %dma_start3A_615 = tpu.memref_slice %arg2[%dma_start3A_614] : memref<4000000xf32, #tpu.memory_space<hbm>> -> memref<4000000xf32, #tpu.memory_space<hbm>>
    tpu.enqueue_indirect_dma source(%dma_start3A_615 : memref<4000000xf32, #tpu.memory_space<hbm>>) target(%dma_start3A_611 : memref<128xf32, #tpu.memory_space<vmem>>) offsets(%dma_start3A_613 : memref<128xi32, #tpu.memory_space<vmem>>) semaphore(%arg14 : memref<!tpu.dma_semaphore, #tpu.memory_space<semaphore_mem>>)
    %dma_start3A_616 = arith.constant 128 : i32
    %dma_start3A_617 = tpu.memref_slice %arg8[%dma_start3A_616] : memref<2048xf32, #tpu.memory_space<vmem>> -> memref<128xf32, #tpu.memory_space<vmem>>
    %dma_start3A_618 = arith.constant 128 : i32
    %dma_start3A_619 = tpu.memref_slice %arg5[%dma_start3A_618] : memref<2048xi32, #tpu.memory_space<vmem>> -> memref<128xi32, #tpu.memory_space<vmem>>
    %dma_start3A_620 = arith.constant 0 : i32
    %dma_start3A_621 = tpu.memref_slice %arg2[%dma_start3A_620] : memref<4000000xf32, #tpu.memory_space<hbm>> -> memref<4000000xf32, #tpu.memory_space<hbm>>
    tpu.enqueue_indirect_dma source(%dma_start3A_621 : memref<4000000xf32, #tpu.memory_space<hbm>>) target(%dma_start3A_617 : memref<128xf32, #tpu.memory_space<vmem>>) offsets(%dma_start3A_619 : memref<128xi32, #tpu.memory_space<vmem>>) semaphore(%arg14 : memref<!tpu.dma_semaphore, #tpu.memory_space<semaphore_mem>>)
    %dma_start3A_622 = arith.constant 256 : i32
    %dma_start3A_623 = tpu.memref_slice %arg8[%dma_start3A_622] : memref<2048xf32, #tpu.memory_space<vmem>> -> memref<128xf32, #tpu.memory_space<vmem>>
    %dma_start3A_624 = arith.constant 256 : i32
    %dma_start3A_625 = tpu.memref_slice %arg5[%dma_start3A_624] : memref<2048xi32, #tpu.memory_space<vmem>> -> memref<128xi32, #tpu.memory_space<vmem>>
    %dma_start3A_626 = arith.constant 0 : i32
    %dma_start3A_627 = tpu.memref_slice %arg2[%dma_start3A_626] : memref<4000000xf32, #tpu.memory_space<hbm>> -> memref<4000000xf32, #tpu.memory_space<hbm>>
    tpu.enqueue_indirect_dma source(%dma_start3A_627 : memref<4000000xf32, #tpu.memory_space<hbm>>) target(%dma_start3A_623 : memref<128xf32, #tpu.memory_space<vmem>>) offsets(%dma_start3A_625 : memref<128xi32, #tpu.memory_space<vmem>>) semaphore(%arg14 : memref<!tpu.dma_semaphore, #tpu.memory_space<semaphore_mem>>)
    %dma_start3A_628 = arith.constant 384 : i32
    %dma_start3A_629 = tpu.memref_slice %arg8[%dma_start3A_628] : memref<2048xf32, #tpu.memory_space<vmem>> -> memref<128xf32, #tpu.memory_space<vmem>>
    %dma_start3A_630 = arith.constant 384 : i32
    %dma_start3A_631 = tpu.memref_slice %arg5[%dma_start3A_630] : memref<2048xi32, #tpu.memory_space<vmem>> -> memref<128xi32, #tpu.memory_space<vmem>>
    %dma_start3A_632 = arith.constant 0 : i32
    %dma_start3A_633 = tpu.memref_slice %arg2[%dma_start3A_632] : memref<4000000xf32, #tpu.memory_space<hbm>> -> memref<4000000xf32, #tpu.memory_space<hbm>>
    tpu.enqueue_indirect_dma source(%dma_start3A_633 : memref<4000000xf32, #tpu.memory_space<hbm>>) target(%dma_start3A_629 : memref<128xf32, #tpu.memory_space<vmem>>) offsets(%dma_start3A_631 : memref<128xi32, #tpu.memory_space<vmem>>) semaphore(%arg14 : memref<!tpu.dma_semaphore, #tpu.memory_space<semaphore_mem>>)
    %dma_start3A_634 = arith.constant 512 : i32
    %dma_start3A_635 = tpu.memref_slice %arg8[%dma_start3A_634] : memref<2048xf32, #tpu.memory_space<vmem>> -> memref<128xf32, #tpu.memory_space<vmem>>
    %dma_start3A_636 = arith.constant 512 : i32
    %dma_start3A_637 = tpu.memref_slice %arg5[%dma_start3A_636] : memref<2048xi32, #tpu.memory_space<vmem>> -> memref<128xi32, #tpu.memory_space<vmem>>
    %dma_start3A_638 = arith.constant 0 : i32
    %dma_start3A_639 = tpu.memref_slice %arg2[%dma_start3A_638] : memref<4000000xf32, #tpu.memory_space<hbm>> -> memref<4000000xf32, #tpu.memory_space<hbm>>
    tpu.enqueue_indirect_dma source(%dma_start3A_639 : memref<4000000xf32, #tpu.memory_space<hbm>>) target(%dma_start3A_635 : memref<128xf32, #tpu.memory_space<vmem>>) offsets(%dma_start3A_637 : memref<128xi32, #tpu.memory_space<vmem>>) semaphore(%arg14 : memref<!tpu.dma_semaphore, #tpu.memory_space<semaphore_mem>>)
    %dma_start3A_640 = arith.constant 640 : i32
    %dma_start3A_641 = tpu.memref_slice %arg8[%dma_start3A_640] : memref<2048xf32, #tpu.memory_space<vmem>> -> memref<128xf32, #tpu.memory_space<vmem>>
    %dma_start3A_642 = arith.constant 640 : i32
    %dma_start3A_643 = tpu.memref_slice %arg5[%dma_start3A_642] : memref<2048xi32, #tpu.memory_space<vmem>> -> memref<128xi32, #tpu.memory_space<vmem>>
    %dma_start3A_644 = arith.constant 0 : i32
    %dma_start3A_645 = tpu.memref_slice %arg2[%dma_start3A_644] : memref<4000000xf32, #tpu.memory_space<hbm>> -> memref<4000000xf32, #tpu.memory_space<hbm>>
    tpu.enqueue_indirect_dma source(%dma_start3A_645 : memref<4000000xf32, #tpu.memory_space<hbm>>) target(%dma_start3A_641 : memref<128xf32, #tpu.memory_space<vmem>>) offsets(%dma_start3A_643 : memref<128xi32, #tpu.memory_space<vmem>>) semaphore(%arg14 : memref<!tpu.dma_semaphore, #tpu.memory_space<semaphore_mem>>)
    %dma_start3A_646 = arith.constant 768 : i32
    %dma_start3A_647 = tpu.memref_slice %arg8[%dma_start3A_646] : memref<2048xf32, #tpu.memory_space<vmem>> -> memref<128xf32, #tpu.memory_space<vmem>>
    %dma_start3A_648 = arith.constant 768 : i32
    %dma_start3A_649 = tpu.memref_slice %arg5[%dma_start3A_648] : memref<2048xi32, #tpu.memory_space<vmem>> -> memref<128xi32, #tpu.memory_space<vmem>>
    %dma_start3A_650 = arith.constant 0 : i32
    %dma_start3A_651 = tpu.memref_slice %arg2[%dma_start3A_650] : memref<4000000xf32, #tpu.memory_space<hbm>> -> memref<4000000xf32, #tpu.memory_space<hbm>>
    tpu.enqueue_indirect_dma source(%dma_start3A_651 : memref<4000000xf32, #tpu.memory_space<hbm>>) target(%dma_start3A_647 : memref<128xf32, #tpu.memory_space<vmem>>) offsets(%dma_start3A_649 : memref<128xi32, #tpu.memory_space<vmem>>) semaphore(%arg14 : memref<!tpu.dma_semaphore, #tpu.memory_space<semaphore_mem>>)
    %dma_start3A_652 = arith.constant 896 : i32
    %dma_start3A_653 = tpu.memref_slice %arg8[%dma_start3A_652] : memref<2048xf32, #tpu.memory_space<vmem>> -> memref<128xf32, #tpu.memory_space<vmem>>
    %dma_start3A_654 = arith.constant 896 : i32
    %dma_start3A_655 = tpu.memref_slice %arg5[%dma_start3A_654] : memref<2048xi32, #tpu.memory_space<vmem>> -> memref<128xi32, #tpu.memory_space<vmem>>
    %dma_start3A_656 = arith.constant 0 : i32
    %dma_start3A_657 = tpu.memref_slice %arg2[%dma_start3A_656] : memref<4000000xf32, #tpu.memory_space<hbm>> -> memref<4000000xf32, #tpu.memory_space<hbm>>
    tpu.enqueue_indirect_dma source(%dma_start3A_657 : memref<4000000xf32, #tpu.memory_space<hbm>>) target(%dma_start3A_653 : memref<128xf32, #tpu.memory_space<vmem>>) offsets(%dma_start3A_655 : memref<128xi32, #tpu.memory_space<vmem>>) semaphore(%arg14 : memref<!tpu.dma_semaphore, #tpu.memory_space<semaphore_mem>>)
    %dma_start3A_658 = arith.constant 1024 : i32
    %dma_start3A_659 = tpu.memref_slice %arg8[%dma_start3A_658] : memref<2048xf32, #tpu.memory_space<vmem>> -> memref<128xf32, #tpu.memory_space<vmem>>
    %dma_start3A_660 = arith.constant 1024 : i32
    %dma_start3A_661 = tpu.memref_slice %arg5[%dma_start3A_660] : memref<2048xi32, #tpu.memory_space<vmem>> -> memref<128xi32, #tpu.memory_space<vmem>>
    %dma_start3A_662 = arith.constant 0 : i32
    %dma_start3A_663 = tpu.memref_slice %arg2[%dma_start3A_662] : memref<4000000xf32, #tpu.memory_space<hbm>> -> memref<4000000xf32, #tpu.memory_space<hbm>>
    tpu.enqueue_indirect_dma source(%dma_start3A_663 : memref<4000000xf32, #tpu.memory_space<hbm>>) target(%dma_start3A_659 : memref<128xf32, #tpu.memory_space<vmem>>) offsets(%dma_start3A_661 : memref<128xi32, #tpu.memory_space<vmem>>) semaphore(%arg14 : memref<!tpu.dma_semaphore, #tpu.memory_space<semaphore_mem>>)
    %dma_start3A_664 = arith.constant 1152 : i32
    %dma_start3A_665 = tpu.memref_slice %arg8[%dma_start3A_664] : memref<2048xf32, #tpu.memory_space<vmem>> -> memref<128xf32, #tpu.memory_space<vmem>>
    %dma_start3A_666 = arith.constant 1152 : i32
    %dma_start3A_667 = tpu.memref_slice %arg5[%dma_start3A_666] : memref<2048xi32, #tpu.memory_space<vmem>> -> memref<128xi32, #tpu.memory_space<vmem>>
    %dma_start3A_668 = arith.constant 0 : i32
    %dma_start3A_669 = tpu.memref_slice %arg2[%dma_start3A_668] : memref<4000000xf32, #tpu.memory_space<hbm>> -> memref<4000000xf32, #tpu.memory_space<hbm>>
    tpu.enqueue_indirect_dma source(%dma_start3A_669 : memref<4000000xf32, #tpu.memory_space<hbm>>) target(%dma_start3A_665 : memref<128xf32, #tpu.memory_space<vmem>>) offsets(%dma_start3A_667 : memref<128xi32, #tpu.memory_space<vmem>>) semaphore(%arg14 : memref<!tpu.dma_semaphore, #tpu.memory_space<semaphore_mem>>)
    %dma_start3A_670 = arith.constant 1280 : i32
    %dma_start3A_671 = tpu.memref_slice %arg8[%dma_start3A_670] : memref<2048xf32, #tpu.memory_space<vmem>> -> memref<128xf32, #tpu.memory_space<vmem>>
    %dma_start3A_672 = arith.constant 1280 : i32
    %dma_start3A_673 = tpu.memref_slice %arg5[%dma_start3A_672] : memref<2048xi32, #tpu.memory_space<vmem>> -> memref<128xi32, #tpu.memory_space<vmem>>
    %dma_start3A_674 = arith.constant 0 : i32
    %dma_start3A_675 = tpu.memref_slice %arg2[%dma_start3A_674] : memref<4000000xf32, #tpu.memory_space<hbm>> -> memref<4000000xf32, #tpu.memory_space<hbm>>
    tpu.enqueue_indirect_dma source(%dma_start3A_675 : memref<4000000xf32, #tpu.memory_space<hbm>>) target(%dma_start3A_671 : memref<128xf32, #tpu.memory_space<vmem>>) offsets(%dma_start3A_673 : memref<128xi32, #tpu.memory_space<vmem>>) semaphore(%arg14 : memref<!tpu.dma_semaphore, #tpu.memory_space<semaphore_mem>>)
    %dma_start3A_676 = arith.constant 1408 : i32
    %dma_start3A_677 = tpu.memref_slice %arg8[%dma_start3A_676] : memref<2048xf32, #tpu.memory_space<vmem>> -> memref<128xf32, #tpu.memory_space<vmem>>
    %dma_start3A_678 = arith.constant 1408 : i32
    %dma_start3A_679 = tpu.memref_slice %arg5[%dma_start3A_678] : memref<2048xi32, #tpu.memory_space<vmem>> -> memref<128xi32, #tpu.memory_space<vmem>>
    %dma_start3A_680 = arith.constant 0 : i32
    %dma_start3A_681 = tpu.memref_slice %arg2[%dma_start3A_680] : memref<4000000xf32, #tpu.memory_space<hbm>> -> memref<4000000xf32, #tpu.memory_space<hbm>>
    tpu.enqueue_indirect_dma source(%dma_start3A_681 : memref<4000000xf32, #tpu.memory_space<hbm>>) target(%dma_start3A_677 : memref<128xf32, #tpu.memory_space<vmem>>) offsets(%dma_start3A_679 : memref<128xi32, #tpu.memory_space<vmem>>) semaphore(%arg14 : memref<!tpu.dma_semaphore, #tpu.memory_space<semaphore_mem>>)
    %dma_start3A_682 = arith.constant 1536 : i32
    %dma_start3A_683 = tpu.memref_slice %arg8[%dma_start3A_682] : memref<2048xf32, #tpu.memory_space<vmem>> -> memref<128xf32, #tpu.memory_space<vmem>>
    %dma_start3A_684 = arith.constant 1536 : i32
    %dma_start3A_685 = tpu.memref_slice %arg5[%dma_start3A_684] : memref<2048xi32, #tpu.memory_space<vmem>> -> memref<128xi32, #tpu.memory_space<vmem>>
    %dma_start3A_686 = arith.constant 0 : i32
    %dma_start3A_687 = tpu.memref_slice %arg2[%dma_start3A_686] : memref<4000000xf32, #tpu.memory_space<hbm>> -> memref<4000000xf32, #tpu.memory_space<hbm>>
    tpu.enqueue_indirect_dma source(%dma_start3A_687 : memref<4000000xf32, #tpu.memory_space<hbm>>) target(%dma_start3A_683 : memref<128xf32, #tpu.memory_space<vmem>>) offsets(%dma_start3A_685 : memref<128xi32, #tpu.memory_space<vmem>>) semaphore(%arg14 : memref<!tpu.dma_semaphore, #tpu.memory_space<semaphore_mem>>)
    %dma_start3A_688 = arith.constant 1664 : i32
    %dma_start3A_689 = tpu.memref_slice %arg8[%dma_start3A_688] : memref<2048xf32, #tpu.memory_space<vmem>> -> memref<128xf32, #tpu.memory_space<vmem>>
    %dma_start3A_690 = arith.constant 1664 : i32
    %dma_start3A_691 = tpu.memref_slice %arg5[%dma_start3A_690] : memref<2048xi32, #tpu.memory_space<vmem>> -> memref<128xi32, #tpu.memory_space<vmem>>
    %dma_start3A_692 = arith.constant 0 : i32
    %dma_start3A_693 = tpu.memref_slice %arg2[%dma_start3A_692] : memref<4000000xf32, #tpu.memory_space<hbm>> -> memref<4000000xf32, #tpu.memory_space<hbm>>
    tpu.enqueue_indirect_dma source(%dma_start3A_693 : memref<4000000xf32, #tpu.memory_space<hbm>>) target(%dma_start3A_689 : memref<128xf32, #tpu.memory_space<vmem>>) offsets(%dma_start3A_691 : memref<128xi32, #tpu.memory_space<vmem>>) semaphore(%arg14 : memref<!tpu.dma_semaphore, #tpu.memory_space<semaphore_mem>>)
    %dma_start3A_694 = arith.constant 1792 : i32
    %dma_start3A_695 = tpu.memref_slice %arg8[%dma_start3A_694] : memref<2048xf32, #tpu.memory_space<vmem>> -> memref<128xf32, #tpu.memory_space<vmem>>
    %dma_start3A_696 = arith.constant 1792 : i32
    %dma_start3A_697 = tpu.memref_slice %arg5[%dma_start3A_696] : memref<2048xi32, #tpu.memory_space<vmem>> -> memref<128xi32, #tpu.memory_space<vmem>>
    %dma_start3A_698 = arith.constant 0 : i32
    %dma_start3A_699 = tpu.memref_slice %arg2[%dma_start3A_698] : memref<4000000xf32, #tpu.memory_space<hbm>> -> memref<4000000xf32, #tpu.memory_space<hbm>>
    tpu.enqueue_indirect_dma source(%dma_start3A_699 : memref<4000000xf32, #tpu.memory_space<hbm>>) target(%dma_start3A_695 : memref<128xf32, #tpu.memory_space<vmem>>) offsets(%dma_start3A_697 : memref<128xi32, #tpu.memory_space<vmem>>) semaphore(%arg14 : memref<!tpu.dma_semaphore, #tpu.memory_space<semaphore_mem>>)
    %dma_start3A_700 = arith.constant 1920 : i32
    %dma_start3A_701 = tpu.memref_slice %arg8[%dma_start3A_700] : memref<2048xf32, #tpu.memory_space<vmem>> -> memref<128xf32, #tpu.memory_space<vmem>>
    %dma_start3A_702 = arith.constant 1920 : i32
    %dma_start3A_703 = tpu.memref_slice %arg5[%dma_start3A_702] : memref<2048xi32, #tpu.memory_space<vmem>> -> memref<128xi32, #tpu.memory_space<vmem>>
    %dma_start3A_704 = arith.constant 0 : i32
    %dma_start3A_705 = tpu.memref_slice %arg2[%dma_start3A_704] : memref<4000000xf32, #tpu.memory_space<hbm>> -> memref<4000000xf32, #tpu.memory_space<hbm>>
    tpu.enqueue_indirect_dma source(%dma_start3A_705 : memref<4000000xf32, #tpu.memory_space<hbm>>) target(%dma_start3A_701 : memref<128xf32, #tpu.memory_space<vmem>>) offsets(%dma_start3A_703 : memref<128xi32, #tpu.memory_space<vmem>>) semaphore(%arg14 : memref<!tpu.dma_semaphore, #tpu.memory_space<semaphore_mem>>)
    %dma_wait3A_706 = arith.constant 0 : i32
    %dma_wait3A_707 = arith.constant 0 : i32
    %dma_wait3A_708 = tpu.memref_slice %arg4[%dma_wait3A_706, %dma_wait3A_707] : memref<200x16384xf32, #tpu.memory_space<hbm>> -> memref<1x16384xf32, #tpu.memory_space<hbm>>
    %dma_wait3A_709 = tpu.memref_squeeze %dma_wait3A_708 : memref<1x16384xf32, #tpu.memory_space<hbm>> -> memref<16384xf32, #tpu.memory_space<hbm>>
    %dma_wait3A_710 = arith.constant 0 : i32
    %dma_wait3A_711 = tpu.memref_slice %dma_wait3A_709[%dma_wait3A_710] : memref<16384xf32, #tpu.memory_space<hbm>> -> memref<2048xf32, #tpu.memory_space<hbm>>
    %dma_wait3A_712 = arith.constant 0 : i32
    %dma_wait3A_713 = tpu.memref_slice %arg4[%dma_wait3A_706, %dma_wait3A_712] : memref<200x16384xf32, #tpu.memory_space<hbm>> -> memref<1x16384xf32, #tpu.memory_space<hbm>>
    %dma_wait3A_714 = tpu.memref_squeeze %dma_wait3A_713 : memref<1x16384xf32, #tpu.memory_space<hbm>> -> memref<16384xf32, #tpu.memory_space<hbm>>
    %dma_wait3A_715 = arith.constant 0 : i32
    %dma_wait3A_716 = tpu.memref_slice %dma_wait3A_714[%dma_wait3A_715] : memref<16384xf32, #tpu.memory_space<hbm>> -> memref<2048xf32, #tpu.memory_space<hbm>>
    tpu.wait_dma2 semaphore(%arg15 : memref<!tpu.dma_semaphore, #tpu.memory_space<semaphore_mem>>) src(%dma_wait3A_716 : memref<2048xf32, #tpu.memory_space<hbm>>) dst(%arg9 : memref<2048xf32, #tpu.memory_space<vmem>>)
    %add3A_717 = arith.constant 46 : i32
    %add3A_718 = arith.addi %mul3A_2, %add3A_717 : i32
    %jit3A_719 = arith.constant 8 : i32
    %div3A_720 = arith.divsi %add3A_718, %jit3A_719 : i32
    %sign3A_721 = arith.constant 0 : i32
    %sign3A_722 = arith.cmpi sgt, %add3A_718, %sign3A_721 : i32
    %sign3A_723 = arith.extui %sign3A_722 : i1 to i32
    %sign3A_724 = arith.constant 0 : i32
    %sign3A_725 = arith.cmpi slt, %add3A_718, %sign3A_724 : i32
    %sign3A_726 = arith.extui %sign3A_725 : i1 to i32
    %sign3A_727 = arith.subi %sign3A_723, %sign3A_726 : i32
    %sign3A_728 = arith.constant 0 : i32
    %sign3A_729 = arith.cmpi sgt, %jit3A_719, %sign3A_728 : i32
    %sign3A_730 = arith.extui %sign3A_729 : i1 to i32
    %sign3A_731 = arith.constant 0 : i32
    %sign3A_732 = arith.cmpi slt, %jit3A_719, %sign3A_731 : i32
    %sign3A_733 = arith.extui %sign3A_732 : i1 to i32
    %sign3A_734 = arith.subi %sign3A_730, %sign3A_733 : i32
    %ne3A_735 = arith.cmpi ne, %sign3A_727, %sign3A_734 : i32
    %rem3A_736 = arith.remsi %add3A_718, %jit3A_719 : i32
    %ne3A_737 = arith.constant 0 : i32
    %ne3A_738 = arith.cmpi ne, %rem3A_736, %ne3A_737 : i32
    %and3A_739 = arith.andi %ne3A_735, %ne3A_738 : i1
    %sub3A_740 = arith.constant 1 : i32
    %sub3A_741 = arith.subi %div3A_720, %sub3A_740 : i32
    %select_n3A_742 = arith.select %and3A_739, %sub3A_741, %div3A_720 : i32
    %jit3A_743 = arith.constant 8 : i32
    %eq3A_744 = arith.constant 0 : i32
    %eq3A_745 = arith.cmpi eq, %jit3A_743, %eq3A_744 : i32
    %jit3A_746 = arith.constant 1 : i32
    %select_n3A_747 = arith.select %eq3A_745, %jit3A_746, %jit3A_743 : i32
    %rem3A_748 = arith.remsi %add3A_718, %select_n3A_747 : i32
    %ne3A_749 = arith.constant 0 : i32
    %ne3A_750 = arith.cmpi ne, %rem3A_748, %ne3A_749 : i32
    %lt3A_751 = arith.constant 0 : i32
    %lt3A_752 = arith.cmpi slt, %rem3A_748, %lt3A_751 : i32
    %lt3A_753 = arith.constant 0 : i32
    %lt3A_754 = arith.cmpi slt, %select_n3A_747, %lt3A_753 : i32
    %ne3A_755 = arith.xori %lt3A_752, %lt3A_754 : i1
    %and3A_756 = arith.andi %ne3A_755, %ne3A_750 : i1
    %add3A_757 = arith.addi %rem3A_748, %select_n3A_747 : i32
    %select_n3A_758 = arith.select %and3A_756, %add3A_757, %rem3A_748 : i32
    %mul3A_759 = arith.constant 2048 : i32
    %mul3A_760 = arith.muli %select_n3A_758, %mul3A_759 : i32
    %dma_start3A_761 = arith.constant 0 : i32
    %dma_start3A_762 = tpu.memref_slice %arg4[%select_n3A_742, %dma_start3A_761] : memref<200x16384xf32, #tpu.memory_space<hbm>> -> memref<1x16384xf32, #tpu.memory_space<hbm>>
    %dma_start3A_763 = tpu.memref_squeeze %dma_start3A_762 : memref<1x16384xf32, #tpu.memory_space<hbm>> -> memref<16384xf32, #tpu.memory_space<hbm>>
    %dma_start3A_764 = tpu.memref_slice %dma_start3A_763[%mul3A_760] : memref<16384xf32, #tpu.memory_space<hbm>> -> memref<2048xf32, #tpu.memory_space<hbm>>
    %dma_start3A_765 = arith.constant 0 : i32
    %dma_start3A_766 = tpu.memref_slice %arg4[%select_n3A_742, %dma_start3A_765] : memref<200x16384xf32, #tpu.memory_space<hbm>> -> memref<1x16384xf32, #tpu.memory_space<hbm>>
    %dma_start3A_767 = tpu.memref_squeeze %dma_start3A_766 : memref<1x16384xf32, #tpu.memory_space<hbm>> -> memref<16384xf32, #tpu.memory_space<hbm>>
    %dma_start3A_768 = tpu.memref_slice %dma_start3A_767[%mul3A_760] : memref<16384xf32, #tpu.memory_space<hbm>> -> memref<2048xf32, #tpu.memory_space<hbm>>
    tpu.enqueue_dma source(%arg9 : memref<2048xf32, #tpu.memory_space<vmem>>) target(%dma_start3A_768 : memref<2048xf32, #tpu.memory_space<hbm>>) target_semaphore(%arg18 : memref<!tpu.dma_semaphore, #tpu.memory_space<semaphore_mem>>)
    %add3A_769 = arith.constant 49 : i32
    %add3A_770 = arith.addi %mul3A_2, %add3A_769 : i32
    %jit3A_771 = arith.constant 8 : i32
    %div3A_772 = arith.divsi %add3A_770, %jit3A_771 : i32
    %sign3A_773 = arith.constant 0 : i32
    %sign3A_774 = arith.cmpi sgt, %add3A_770, %sign3A_773 : i32
    %sign3A_775 = arith.extui %sign3A_774 : i1 to i32
    %sign3A_776 = arith.constant 0 : i32
    %sign3A_777 = arith.cmpi slt, %add3A_770, %sign3A_776 : i32
    %sign3A_778 = arith.extui %sign3A_777 : i1 to i32
    %sign3A_779 = arith.subi %sign3A_775, %sign3A_778 : i32
    %sign3A_780 = arith.constant 0 : i32
    %sign3A_781 = arith.cmpi sgt, %jit3A_771, %sign3A_780 : i32
    %sign3A_782 = arith.extui %sign3A_781 : i1 to i32
    %sign3A_783 = arith.constant 0 : i32
    %sign3A_784 = arith.cmpi slt, %jit3A_771, %sign3A_783 : i32
    %sign3A_785 = arith.extui %sign3A_784 : i1 to i32
    %sign3A_786 = arith.subi %sign3A_782, %sign3A_785 : i32
    %ne3A_787 = arith.cmpi ne, %sign3A_779, %sign3A_786 : i32
    %rem3A_788 = arith.remsi %add3A_770, %jit3A_771 : i32
    %ne3A_789 = arith.constant 0 : i32
    %ne3A_790 = arith.cmpi ne, %rem3A_788, %ne3A_789 : i32
    %and3A_791 = arith.andi %ne3A_787, %ne3A_790 : i1
    %sub3A_792 = arith.constant 1 : i32
    %sub3A_793 = arith.subi %div3A_772, %sub3A_792 : i32
    %select_n3A_794 = arith.select %and3A_791, %sub3A_793, %div3A_772 : i32
    %jit3A_795 = arith.constant 8 : i32
    %eq3A_796 = arith.constant 0 : i32
    %eq3A_797 = arith.cmpi eq, %jit3A_795, %eq3A_796 : i32
    %jit3A_798 = arith.constant 1 : i32
    %select_n3A_799 = arith.select %eq3A_797, %jit3A_798, %jit3A_795 : i32
    %rem3A_800 = arith.remsi %add3A_770, %select_n3A_799 : i32
    %ne3A_801 = arith.constant 0 : i32
    %ne3A_802 = arith.cmpi ne, %rem3A_800, %ne3A_801 : i32
    %lt3A_803 = arith.constant 0 : i32
    %lt3A_804 = arith.cmpi slt, %rem3A_800, %lt3A_803 : i32
    %lt3A_805 = arith.constant 0 : i32
    %lt3A_806 = arith.cmpi slt, %select_n3A_799, %lt3A_805 : i32
    %ne3A_807 = arith.xori %lt3A_804, %lt3A_806 : i1
    %and3A_808 = arith.andi %ne3A_807, %ne3A_802 : i1
    %add3A_809 = arith.addi %rem3A_800, %select_n3A_799 : i32
    %select_n3A_810 = arith.select %and3A_808, %add3A_809, %rem3A_800 : i32
    %mul3A_811 = arith.constant 2048 : i32
    %mul3A_812 = arith.muli %select_n3A_810, %mul3A_811 : i32
    %dma_start3A_813 = arith.constant 0 : i32
    %dma_start3A_814 = tpu.memref_slice %arg3[%select_n3A_794, %dma_start3A_813] : memref<200x16384xi32, #tpu.memory_space<hbm>> -> memref<1x16384xi32, #tpu.memory_space<hbm>>
    %dma_start3A_815 = tpu.memref_squeeze %dma_start3A_814 : memref<1x16384xi32, #tpu.memory_space<hbm>> -> memref<16384xi32, #tpu.memory_space<hbm>>
    %dma_start3A_816 = tpu.memref_slice %dma_start3A_815[%mul3A_812] : memref<16384xi32, #tpu.memory_space<hbm>> -> memref<2048xi32, #tpu.memory_space<hbm>>
    %dma_start3A_817 = arith.constant 0 : i32
    %dma_start3A_818 = tpu.memref_slice %arg3[%select_n3A_794, %dma_start3A_817] : memref<200x16384xi32, #tpu.memory_space<hbm>> -> memref<1x16384xi32, #tpu.memory_space<hbm>>
    %dma_start3A_819 = tpu.memref_squeeze %dma_start3A_818 : memref<1x16384xi32, #tpu.memory_space<hbm>> -> memref<16384xi32, #tpu.memory_space<hbm>>
    %dma_start3A_820 = tpu.memref_slice %dma_start3A_819[%mul3A_812] : memref<16384xi32, #tpu.memory_space<hbm>> -> memref<2048xi32, #tpu.memory_space<hbm>>
    tpu.enqueue_dma source(%dma_start3A_820 : memref<2048xi32, #tpu.memory_space<hbm>>) target(%arg6 : memref<2048xi32, #tpu.memory_space<vmem>>) target_semaphore(%arg12 : memref<!tpu.dma_semaphore, #tpu.memory_space<semaphore_mem>>)
    %dma_wait3A_821 = arith.constant 0 : i32
    %dma_wait3A_822 = arith.constant 0 : i32
    %dma_wait3A_823 = tpu.memref_slice %arg4[%dma_wait3A_821, %dma_wait3A_822] : memref<200x16384xf32, #tpu.memory_space<hbm>> -> memref<1x16384xf32, #tpu.memory_space<hbm>>
    %dma_wait3A_824 = tpu.memref_squeeze %dma_wait3A_823 : memref<1x16384xf32, #tpu.memory_space<hbm>> -> memref<16384xf32, #tpu.memory_space<hbm>>
    %dma_wait3A_825 = arith.constant 0 : i32
    %dma_wait3A_826 = tpu.memref_slice %dma_wait3A_824[%dma_wait3A_825] : memref<16384xf32, #tpu.memory_space<hbm>> -> memref<2048xf32, #tpu.memory_space<hbm>>
    %dma_wait3A_827 = arith.constant 0 : i32
    %dma_wait3A_828 = tpu.memref_slice %arg4[%dma_wait3A_821, %dma_wait3A_827] : memref<200x16384xf32, #tpu.memory_space<hbm>> -> memref<1x16384xf32, #tpu.memory_space<hbm>>
    %dma_wait3A_829 = tpu.memref_squeeze %dma_wait3A_828 : memref<1x16384xf32, #tpu.memory_space<hbm>> -> memref<16384xf32, #tpu.memory_space<hbm>>
    %dma_wait3A_830 = arith.constant 0 : i32
    %dma_wait3A_831 = tpu.memref_slice %dma_wait3A_829[%dma_wait3A_830] : memref<16384xf32, #tpu.memory_space<hbm>> -> memref<2048xf32, #tpu.memory_space<hbm>>
    tpu.wait_dma2 semaphore(%arg18 : memref<!tpu.dma_semaphore, #tpu.memory_space<semaphore_mem>>) src(%arg9 : memref<2048xf32, #tpu.memory_space<vmem>>) dst(%dma_wait3A_831 : memref<2048xf32, #tpu.memory_space<hbm>>)
    %dma_wait3A_832 = arith.constant 0 : i32
    %dma_wait3A_833 = arith.constant 0 : i32
    %dma_wait3A_834 = tpu.memref_slice %arg3[%dma_wait3A_832, %dma_wait3A_833] : memref<200x16384xi32, #tpu.memory_space<hbm>> -> memref<1x16384xi32, #tpu.memory_space<hbm>>
    %dma_wait3A_835 = tpu.memref_squeeze %dma_wait3A_834 : memref<1x16384xi32, #tpu.memory_space<hbm>> -> memref<16384xi32, #tpu.memory_space<hbm>>
    %dma_wait3A_836 = arith.constant 0 : i32
    %dma_wait3A_837 = tpu.memref_slice %dma_wait3A_835[%dma_wait3A_836] : memref<16384xi32, #tpu.memory_space<hbm>> -> memref<2048xi32, #tpu.memory_space<hbm>>
    %dma_wait3A_838 = arith.constant 0 : i32
    %dma_wait3A_839 = tpu.memref_slice %arg3[%dma_wait3A_832, %dma_wait3A_838] : memref<200x16384xi32, #tpu.memory_space<hbm>> -> memref<1x16384xi32, #tpu.memory_space<hbm>>
    %dma_wait3A_840 = tpu.memref_squeeze %dma_wait3A_839 : memref<1x16384xi32, #tpu.memory_space<hbm>> -> memref<16384xi32, #tpu.memory_space<hbm>>
    %dma_wait3A_841 = arith.constant 0 : i32
    %dma_wait3A_842 = tpu.memref_slice %dma_wait3A_840[%dma_wait3A_841] : memref<16384xi32, #tpu.memory_space<hbm>> -> memref<2048xi32, #tpu.memory_space<hbm>>
    tpu.wait_dma2 semaphore(%arg12 : memref<!tpu.dma_semaphore, #tpu.memory_space<semaphore_mem>>) src(%dma_wait3A_842 : memref<2048xi32, #tpu.memory_space<hbm>>) dst(%arg6 : memref<2048xi32, #tpu.memory_space<vmem>>)
    %dma_start3A_843 = arith.constant 0 : i32
    %dma_start3A_844 = tpu.memref_slice %arg9[%dma_start3A_843] : memref<2048xf32, #tpu.memory_space<vmem>> -> memref<128xf32, #tpu.memory_space<vmem>>
    %dma_start3A_845 = arith.constant 0 : i32
    %dma_start3A_846 = tpu.memref_slice %arg6[%dma_start3A_845] : memref<2048xi32, #tpu.memory_space<vmem>> -> memref<128xi32, #tpu.memory_space<vmem>>
    %dma_start3A_847 = arith.constant 0 : i32
    %dma_start3A_848 = tpu.memref_slice %arg2[%dma_start3A_847] : memref<4000000xf32, #tpu.memory_space<hbm>> -> memref<4000000xf32, #tpu.memory_space<hbm>>
    tpu.enqueue_indirect_dma source(%dma_start3A_848 : memref<4000000xf32, #tpu.memory_space<hbm>>) target(%dma_start3A_844 : memref<128xf32, #tpu.memory_space<vmem>>) offsets(%dma_start3A_846 : memref<128xi32, #tpu.memory_space<vmem>>) semaphore(%arg15 : memref<!tpu.dma_semaphore, #tpu.memory_space<semaphore_mem>>)
    %dma_start3A_849 = arith.constant 128 : i32
    %dma_start3A_850 = tpu.memref_slice %arg9[%dma_start3A_849] : memref<2048xf32, #tpu.memory_space<vmem>> -> memref<128xf32, #tpu.memory_space<vmem>>
    %dma_start3A_851 = arith.constant 128 : i32
    %dma_start3A_852 = tpu.memref_slice %arg6[%dma_start3A_851] : memref<2048xi32, #tpu.memory_space<vmem>> -> memref<128xi32, #tpu.memory_space<vmem>>
    %dma_start3A_853 = arith.constant 0 : i32
    %dma_start3A_854 = tpu.memref_slice %arg2[%dma_start3A_853] : memref<4000000xf32, #tpu.memory_space<hbm>> -> memref<4000000xf32, #tpu.memory_space<hbm>>
    tpu.enqueue_indirect_dma source(%dma_start3A_854 : memref<4000000xf32, #tpu.memory_space<hbm>>) target(%dma_start3A_850 : memref<128xf32, #tpu.memory_space<vmem>>) offsets(%dma_start3A_852 : memref<128xi32, #tpu.memory_space<vmem>>) semaphore(%arg15 : memref<!tpu.dma_semaphore, #tpu.memory_space<semaphore_mem>>)
    %dma_start3A_855 = arith.constant 256 : i32
    %dma_start3A_856 = tpu.memref_slice %arg9[%dma_start3A_855] : memref<2048xf32, #tpu.memory_space<vmem>> -> memref<128xf32, #tpu.memory_space<vmem>>
    %dma_start3A_857 = arith.constant 256 : i32
    %dma_start3A_858 = tpu.memref_slice %arg6[%dma_start3A_857] : memref<2048xi32, #tpu.memory_space<vmem>> -> memref<128xi32, #tpu.memory_space<vmem>>
    %dma_start3A_859 = arith.constant 0 : i32
    %dma_start3A_860 = tpu.memref_slice %arg2[%dma_start3A_859] : memref<4000000xf32, #tpu.memory_space<hbm>> -> memref<4000000xf32, #tpu.memory_space<hbm>>
    tpu.enqueue_indirect_dma source(%dma_start3A_860 : memref<4000000xf32, #tpu.memory_space<hbm>>) target(%dma_start3A_856 : memref<128xf32, #tpu.memory_space<vmem>>) offsets(%dma_start3A_858 : memref<128xi32, #tpu.memory_space<vmem>>) semaphore(%arg15 : memref<!tpu.dma_semaphore, #tpu.memory_space<semaphore_mem>>)
    %dma_start3A_861 = arith.constant 384 : i32
    %dma_start3A_862 = tpu.memref_slice %arg9[%dma_start3A_861] : memref<2048xf32, #tpu.memory_space<vmem>> -> memref<128xf32, #tpu.memory_space<vmem>>
    %dma_start3A_863 = arith.constant 384 : i32
    %dma_start3A_864 = tpu.memref_slice %arg6[%dma_start3A_863] : memref<2048xi32, #tpu.memory_space<vmem>> -> memref<128xi32, #tpu.memory_space<vmem>>
    %dma_start3A_865 = arith.constant 0 : i32
    %dma_start3A_866 = tpu.memref_slice %arg2[%dma_start3A_865] : memref<4000000xf32, #tpu.memory_space<hbm>> -> memref<4000000xf32, #tpu.memory_space<hbm>>
    tpu.enqueue_indirect_dma source(%dma_start3A_866 : memref<4000000xf32, #tpu.memory_space<hbm>>) target(%dma_start3A_862 : memref<128xf32, #tpu.memory_space<vmem>>) offsets(%dma_start3A_864 : memref<128xi32, #tpu.memory_space<vmem>>) semaphore(%arg15 : memref<!tpu.dma_semaphore, #tpu.memory_space<semaphore_mem>>)
    %dma_start3A_867 = arith.constant 512 : i32
    %dma_start3A_868 = tpu.memref_slice %arg9[%dma_start3A_867] : memref<2048xf32, #tpu.memory_space<vmem>> -> memref<128xf32, #tpu.memory_space<vmem>>
    %dma_start3A_869 = arith.constant 512 : i32
    %dma_start3A_870 = tpu.memref_slice %arg6[%dma_start3A_869] : memref<2048xi32, #tpu.memory_space<vmem>> -> memref<128xi32, #tpu.memory_space<vmem>>
    %dma_start3A_871 = arith.constant 0 : i32
    %dma_start3A_872 = tpu.memref_slice %arg2[%dma_start3A_871] : memref<4000000xf32, #tpu.memory_space<hbm>> -> memref<4000000xf32, #tpu.memory_space<hbm>>
    tpu.enqueue_indirect_dma source(%dma_start3A_872 : memref<4000000xf32, #tpu.memory_space<hbm>>) target(%dma_start3A_868 : memref<128xf32, #tpu.memory_space<vmem>>) offsets(%dma_start3A_870 : memref<128xi32, #tpu.memory_space<vmem>>) semaphore(%arg15 : memref<!tpu.dma_semaphore, #tpu.memory_space<semaphore_mem>>)
    %dma_start3A_873 = arith.constant 640 : i32
    %dma_start3A_874 = tpu.memref_slice %arg9[%dma_start3A_873] : memref<2048xf32, #tpu.memory_space<vmem>> -> memref<128xf32, #tpu.memory_space<vmem>>
    %dma_start3A_875 = arith.constant 640 : i32
    %dma_start3A_876 = tpu.memref_slice %arg6[%dma_start3A_875] : memref<2048xi32, #tpu.memory_space<vmem>> -> memref<128xi32, #tpu.memory_space<vmem>>
    %dma_start3A_877 = arith.constant 0 : i32
    %dma_start3A_878 = tpu.memref_slice %arg2[%dma_start3A_877] : memref<4000000xf32, #tpu.memory_space<hbm>> -> memref<4000000xf32, #tpu.memory_space<hbm>>
    tpu.enqueue_indirect_dma source(%dma_start3A_878 : memref<4000000xf32, #tpu.memory_space<hbm>>) target(%dma_start3A_874 : memref<128xf32, #tpu.memory_space<vmem>>) offsets(%dma_start3A_876 : memref<128xi32, #tpu.memory_space<vmem>>) semaphore(%arg15 : memref<!tpu.dma_semaphore, #tpu.memory_space<semaphore_mem>>)
    %dma_start3A_879 = arith.constant 768 : i32
    %dma_start3A_880 = tpu.memref_slice %arg9[%dma_start3A_879] : memref<2048xf32, #tpu.memory_space<vmem>> -> memref<128xf32, #tpu.memory_space<vmem>>
    %dma_start3A_881 = arith.constant 768 : i32
    %dma_start3A_882 = tpu.memref_slice %arg6[%dma_start3A_881] : memref<2048xi32, #tpu.memory_space<vmem>> -> memref<128xi32, #tpu.memory_space<vmem>>
    %dma_start3A_883 = arith.constant 0 : i32
    %dma_start3A_884 = tpu.memref_slice %arg2[%dma_start3A_883] : memref<4000000xf32, #tpu.memory_space<hbm>> -> memref<4000000xf32, #tpu.memory_space<hbm>>
    tpu.enqueue_indirect_dma source(%dma_start3A_884 : memref<4000000xf32, #tpu.memory_space<hbm>>) target(%dma_start3A_880 : memref<128xf32, #tpu.memory_space<vmem>>) offsets(%dma_start3A_882 : memref<128xi32, #tpu.memory_space<vmem>>) semaphore(%arg15 : memref<!tpu.dma_semaphore, #tpu.memory_space<semaphore_mem>>)
    %dma_start3A_885 = arith.constant 896 : i32
    %dma_start3A_886 = tpu.memref_slice %arg9[%dma_start3A_885] : memref<2048xf32, #tpu.memory_space<vmem>> -> memref<128xf32, #tpu.memory_space<vmem>>
    %dma_start3A_887 = arith.constant 896 : i32
    %dma_start3A_888 = tpu.memref_slice %arg6[%dma_start3A_887] : memref<2048xi32, #tpu.memory_space<vmem>> -> memref<128xi32, #tpu.memory_space<vmem>>
    %dma_start3A_889 = arith.constant 0 : i32
    %dma_start3A_890 = tpu.memref_slice %arg2[%dma_start3A_889] : memref<4000000xf32, #tpu.memory_space<hbm>> -> memref<4000000xf32, #tpu.memory_space<hbm>>
    tpu.enqueue_indirect_dma source(%dma_start3A_890 : memref<4000000xf32, #tpu.memory_space<hbm>>) target(%dma_start3A_886 : memref<128xf32, #tpu.memory_space<vmem>>) offsets(%dma_start3A_888 : memref<128xi32, #tpu.memory_space<vmem>>) semaphore(%arg15 : memref<!tpu.dma_semaphore, #tpu.memory_space<semaphore_mem>>)
    %dma_start3A_891 = arith.constant 1024 : i32
    %dma_start3A_892 = tpu.memref_slice %arg9[%dma_start3A_891] : memref<2048xf32, #tpu.memory_space<vmem>> -> memref<128xf32, #tpu.memory_space<vmem>>
    %dma_start3A_893 = arith.constant 1024 : i32
    %dma_start3A_894 = tpu.memref_slice %arg6[%dma_start3A_893] : memref<2048xi32, #tpu.memory_space<vmem>> -> memref<128xi32, #tpu.memory_space<vmem>>
    %dma_start3A_895 = arith.constant 0 : i32
    %dma_start3A_896 = tpu.memref_slice %arg2[%dma_start3A_895] : memref<4000000xf32, #tpu.memory_space<hbm>> -> memref<4000000xf32, #tpu.memory_space<hbm>>
    tpu.enqueue_indirect_dma source(%dma_start3A_896 : memref<4000000xf32, #tpu.memory_space<hbm>>) target(%dma_start3A_892 : memref<128xf32, #tpu.memory_space<vmem>>) offsets(%dma_start3A_894 : memref<128xi32, #tpu.memory_space<vmem>>) semaphore(%arg15 : memref<!tpu.dma_semaphore, #tpu.memory_space<semaphore_mem>>)
    %dma_start3A_897 = arith.constant 1152 : i32
    %dma_start3A_898 = tpu.memref_slice %arg9[%dma_start3A_897] : memref<2048xf32, #tpu.memory_space<vmem>> -> memref<128xf32, #tpu.memory_space<vmem>>
    %dma_start3A_899 = arith.constant 1152 : i32
    %dma_start3A_900 = tpu.memref_slice %arg6[%dma_start3A_899] : memref<2048xi32, #tpu.memory_space<vmem>> -> memref<128xi32, #tpu.memory_space<vmem>>
    %dma_start3A_901 = arith.constant 0 : i32
    %dma_start3A_902 = tpu.memref_slice %arg2[%dma_start3A_901] : memref<4000000xf32, #tpu.memory_space<hbm>> -> memref<4000000xf32, #tpu.memory_space<hbm>>
    tpu.enqueue_indirect_dma source(%dma_start3A_902 : memref<4000000xf32, #tpu.memory_space<hbm>>) target(%dma_start3A_898 : memref<128xf32, #tpu.memory_space<vmem>>) offsets(%dma_start3A_900 : memref<128xi32, #tpu.memory_space<vmem>>) semaphore(%arg15 : memref<!tpu.dma_semaphore, #tpu.memory_space<semaphore_mem>>)
    %dma_start3A_903 = arith.constant 1280 : i32
    %dma_start3A_904 = tpu.memref_slice %arg9[%dma_start3A_903] : memref<2048xf32, #tpu.memory_space<vmem>> -> memref<128xf32, #tpu.memory_space<vmem>>
    %dma_start3A_905 = arith.constant 1280 : i32
    %dma_start3A_906 = tpu.memref_slice %arg6[%dma_start3A_905] : memref<2048xi32, #tpu.memory_space<vmem>> -> memref<128xi32, #tpu.memory_space<vmem>>
    %dma_start3A_907 = arith.constant 0 : i32
    %dma_start3A_908 = tpu.memref_slice %arg2[%dma_start3A_907] : memref<4000000xf32, #tpu.memory_space<hbm>> -> memref<4000000xf32, #tpu.memory_space<hbm>>
    tpu.enqueue_indirect_dma source(%dma_start3A_908 : memref<4000000xf32, #tpu.memory_space<hbm>>) target(%dma_start3A_904 : memref<128xf32, #tpu.memory_space<vmem>>) offsets(%dma_start3A_906 : memref<128xi32, #tpu.memory_space<vmem>>) semaphore(%arg15 : memref<!tpu.dma_semaphore, #tpu.memory_space<semaphore_mem>>)
    %dma_start3A_909 = arith.constant 1408 : i32
    %dma_start3A_910 = tpu.memref_slice %arg9[%dma_start3A_909] : memref<2048xf32, #tpu.memory_space<vmem>> -> memref<128xf32, #tpu.memory_space<vmem>>
    %dma_start3A_911 = arith.constant 1408 : i32
    %dma_start3A_912 = tpu.memref_slice %arg6[%dma_start3A_911] : memref<2048xi32, #tpu.memory_space<vmem>> -> memref<128xi32, #tpu.memory_space<vmem>>
    %dma_start3A_913 = arith.constant 0 : i32
    %dma_start3A_914 = tpu.memref_slice %arg2[%dma_start3A_913] : memref<4000000xf32, #tpu.memory_space<hbm>> -> memref<4000000xf32, #tpu.memory_space<hbm>>
    tpu.enqueue_indirect_dma source(%dma_start3A_914 : memref<4000000xf32, #tpu.memory_space<hbm>>) target(%dma_start3A_910 : memref<128xf32, #tpu.memory_space<vmem>>) offsets(%dma_start3A_912 : memref<128xi32, #tpu.memory_space<vmem>>) semaphore(%arg15 : memref<!tpu.dma_semaphore, #tpu.memory_space<semaphore_mem>>)
    %dma_start3A_915 = arith.constant 1536 : i32
    %dma_start3A_916 = tpu.memref_slice %arg9[%dma_start3A_915] : memref<2048xf32, #tpu.memory_space<vmem>> -> memref<128xf32, #tpu.memory_space<vmem>>
    %dma_start3A_917 = arith.constant 1536 : i32
    %dma_start3A_918 = tpu.memref_slice %arg6[%dma_start3A_917] : memref<2048xi32, #tpu.memory_space<vmem>> -> memref<128xi32, #tpu.memory_space<vmem>>
    %dma_start3A_919 = arith.constant 0 : i32
    %dma_start3A_920 = tpu.memref_slice %arg2[%dma_start3A_919] : memref<4000000xf32, #tpu.memory_space<hbm>> -> memref<4000000xf32, #tpu.memory_space<hbm>>
    tpu.enqueue_indirect_dma source(%dma_start3A_920 : memref<4000000xf32, #tpu.memory_space<hbm>>) target(%dma_start3A_916 : memref<128xf32, #tpu.memory_space<vmem>>) offsets(%dma_start3A_918 : memref<128xi32, #tpu.memory_space<vmem>>) semaphore(%arg15 : memref<!tpu.dma_semaphore, #tpu.memory_space<semaphore_mem>>)
    %dma_start3A_921 = arith.constant 1664 : i32
    %dma_start3A_922 = tpu.memref_slice %arg9[%dma_start3A_921] : memref<2048xf32, #tpu.memory_space<vmem>> -> memref<128xf32, #tpu.memory_space<vmem>>
    %dma_start3A_923 = arith.constant 1664 : i32
    %dma_start3A_924 = tpu.memref_slice %arg6[%dma_start3A_923] : memref<2048xi32, #tpu.memory_space<vmem>> -> memref<128xi32, #tpu.memory_space<vmem>>
    %dma_start3A_925 = arith.constant 0 : i32
    %dma_start3A_926 = tpu.memref_slice %arg2[%dma_start3A_925] : memref<4000000xf32, #tpu.memory_space<hbm>> -> memref<4000000xf32, #tpu.memory_space<hbm>>
    tpu.enqueue_indirect_dma source(%dma_start3A_926 : memref<4000000xf32, #tpu.memory_space<hbm>>) target(%dma_start3A_922 : memref<128xf32, #tpu.memory_space<vmem>>) offsets(%dma_start3A_924 : memref<128xi32, #tpu.memory_space<vmem>>) semaphore(%arg15 : memref<!tpu.dma_semaphore, #tpu.memory_space<semaphore_mem>>)
    %dma_start3A_927 = arith.constant 1792 : i32
    %dma_start3A_928 = tpu.memref_slice %arg9[%dma_start3A_927] : memref<2048xf32, #tpu.memory_space<vmem>> -> memref<128xf32, #tpu.memory_space<vmem>>
    %dma_start3A_929 = arith.constant 1792 : i32
    %dma_start3A_930 = tpu.memref_slice %arg6[%dma_start3A_929] : memref<2048xi32, #tpu.memory_space<vmem>> -> memref<128xi32, #tpu.memory_space<vmem>>
    %dma_start3A_931 = arith.constant 0 : i32
    %dma_start3A_932 = tpu.memref_slice %arg2[%dma_start3A_931] : memref<4000000xf32, #tpu.memory_space<hbm>> -> memref<4000000xf32, #tpu.memory_space<hbm>>
    tpu.enqueue_indirect_dma source(%dma_start3A_932 : memref<4000000xf32, #tpu.memory_space<hbm>>) target(%dma_start3A_928 : memref<128xf32, #tpu.memory_space<vmem>>) offsets(%dma_start3A_930 : memref<128xi32, #tpu.memory_space<vmem>>) semaphore(%arg15 : memref<!tpu.dma_semaphore, #tpu.memory_space<semaphore_mem>>)
    %dma_start3A_933 = arith.constant 1920 : i32
    %dma_start3A_934 = tpu.memref_slice %arg9[%dma_start3A_933] : memref<2048xf32, #tpu.memory_space<vmem>> -> memref<128xf32, #tpu.memory_space<vmem>>
    %dma_start3A_935 = arith.constant 1920 : i32
    %dma_start3A_936 = tpu.memref_slice %arg6[%dma_start3A_935] : memref<2048xi32, #tpu.memory_space<vmem>> -> memref<128xi32, #tpu.memory_space<vmem>>
    %dma_start3A_937 = arith.constant 0 : i32
    %dma_start3A_938 = tpu.memref_slice %arg2[%dma_start3A_937] : memref<4000000xf32, #tpu.memory_space<hbm>> -> memref<4000000xf32, #tpu.memory_space<hbm>>
    tpu.enqueue_indirect_dma source(%dma_start3A_938 : memref<4000000xf32, #tpu.memory_space<hbm>>) target(%dma_start3A_934 : memref<128xf32, #tpu.memory_space<vmem>>) offsets(%dma_start3A_936 : memref<128xi32, #tpu.memory_space<vmem>>) semaphore(%arg15 : memref<!tpu.dma_semaphore, #tpu.memory_space<semaphore_mem>>)
    %dma_wait3A_939 = arith.constant 0 : i32
    %dma_wait3A_940 = arith.constant 0 : i32
    %dma_wait3A_941 = tpu.memref_slice %arg4[%dma_wait3A_939, %dma_wait3A_940] : memref<200x16384xf32, #tpu.memory_space<hbm>> -> memref<1x16384xf32, #tpu.memory_space<hbm>>
    %dma_wait3A_942 = tpu.memref_squeeze %dma_wait3A_941 : memref<1x16384xf32, #tpu.memory_space<hbm>> -> memref<16384xf32, #tpu.memory_space<hbm>>
    %dma_wait3A_943 = arith.constant 0 : i32
    %dma_wait3A_944 = tpu.memref_slice %dma_wait3A_942[%dma_wait3A_943] : memref<16384xf32, #tpu.memory_space<hbm>> -> memref<2048xf32, #tpu.memory_space<hbm>>
    %dma_wait3A_945 = arith.constant 0 : i32
    %dma_wait3A_946 = tpu.memref_slice %arg4[%dma_wait3A_939, %dma_wait3A_945] : memref<200x16384xf32, #tpu.memory_space<hbm>> -> memref<1x16384xf32, #tpu.memory_space<hbm>>
    %dma_wait3A_947 = tpu.memref_squeeze %dma_wait3A_946 : memref<1x16384xf32, #tpu.memory_space<hbm>> -> memref<16384xf32, #tpu.memory_space<hbm>>
    %dma_wait3A_948 = arith.constant 0 : i32
    %dma_wait3A_949 = tpu.memref_slice %dma_wait3A_947[%dma_wait3A_948] : memref<16384xf32, #tpu.memory_space<hbm>> -> memref<2048xf32, #tpu.memory_space<hbm>>
    tpu.wait_dma2 semaphore(%arg16 : memref<!tpu.dma_semaphore, #tpu.memory_space<semaphore_mem>>) src(%dma_wait3A_949 : memref<2048xf32, #tpu.memory_space<hbm>>) dst(%arg10 : memref<2048xf32, #tpu.memory_space<vmem>>)
    %add3A_950 = arith.constant 47 : i32
    %add3A_951 = arith.addi %mul3A_2, %add3A_950 : i32
    %jit3A_952 = arith.constant 8 : i32
    %div3A_953 = arith.divsi %add3A_951, %jit3A_952 : i32
    %sign3A_954 = arith.constant 0 : i32
    %sign3A_955 = arith.cmpi sgt, %add3A_951, %sign3A_954 : i32
    %sign3A_956 = arith.extui %sign3A_955 : i1 to i32
    %sign3A_957 = arith.constant 0 : i32
    %sign3A_958 = arith.cmpi slt, %add3A_951, %sign3A_957 : i32
    %sign3A_959 = arith.extui %sign3A_958 : i1 to i32
    %sign3A_960 = arith.subi %sign3A_956, %sign3A_959 : i32
    %sign3A_961 = arith.constant 0 : i32
    %sign3A_962 = arith.cmpi sgt, %jit3A_952, %sign3A_961 : i32
    %sign3A_963 = arith.extui %sign3A_962 : i1 to i32
    %sign3A_964 = arith.constant 0 : i32
    %sign3A_965 = arith.cmpi slt, %jit3A_952, %sign3A_964 : i32
    %sign3A_966 = arith.extui %sign3A_965 : i1 to i32
    %sign3A_967 = arith.subi %sign3A_963, %sign3A_966 : i32
    %ne3A_968 = arith.cmpi ne, %sign3A_960, %sign3A_967 : i32
    %rem3A_969 = arith.remsi %add3A_951, %jit3A_952 : i32
    %ne3A_970 = arith.constant 0 : i32
    %ne3A_971 = arith.cmpi ne, %rem3A_969, %ne3A_970 : i32
    %and3A_972 = arith.andi %ne3A_968, %ne3A_971 : i1
    %sub3A_973 = arith.constant 1 : i32
    %sub3A_974 = arith.subi %div3A_953, %sub3A_973 : i32
    %select_n3A_975 = arith.select %and3A_972, %sub3A_974, %div3A_953 : i32
    %jit3A_976 = arith.constant 8 : i32
    %eq3A_977 = arith.constant 0 : i32
    %eq3A_978 = arith.cmpi eq, %jit3A_976, %eq3A_977 : i32
    %jit3A_979 = arith.constant 1 : i32
    %select_n3A_980 = arith.select %eq3A_978, %jit3A_979, %jit3A_976 : i32
    %rem3A_981 = arith.remsi %add3A_951, %select_n3A_980 : i32
    %ne3A_982 = arith.constant 0 : i32
    %ne3A_983 = arith.cmpi ne, %rem3A_981, %ne3A_982 : i32
    %lt3A_984 = arith.constant 0 : i32
    %lt3A_985 = arith.cmpi slt, %rem3A_981, %lt3A_984 : i32
    %lt3A_986 = arith.constant 0 : i32
    %lt3A_987 = arith.cmpi slt, %select_n3A_980, %lt3A_986 : i32
    %ne3A_988 = arith.xori %lt3A_985, %lt3A_987 : i1
    %and3A_989 = arith.andi %ne3A_988, %ne3A_983 : i1
    %add3A_990 = arith.addi %rem3A_981, %select_n3A_980 : i32
    %select_n3A_991 = arith.select %and3A_989, %add3A_990, %rem3A_981 : i32
    %mul3A_992 = arith.constant 2048 : i32
    %mul3A_993 = arith.muli %select_n3A_991, %mul3A_992 : i32
    %dma_start3A_994 = arith.constant 0 : i32
    %dma_start3A_995 = tpu.memref_slice %arg4[%select_n3A_975, %dma_start3A_994] : memref<200x16384xf32, #tpu.memory_space<hbm>> -> memref<1x16384xf32, #tpu.memory_space<hbm>>
    %dma_start3A_996 = tpu.memref_squeeze %dma_start3A_995 : memref<1x16384xf32, #tpu.memory_space<hbm>> -> memref<16384xf32, #tpu.memory_space<hbm>>
    %dma_start3A_997 = tpu.memref_slice %dma_start3A_996[%mul3A_993] : memref<16384xf32, #tpu.memory_space<hbm>> -> memref<2048xf32, #tpu.memory_space<hbm>>
    %dma_start3A_998 = arith.constant 0 : i32
    %dma_start3A_999 = tpu.memref_slice %arg4[%select_n3A_975, %dma_start3A_998] : memref<200x16384xf32, #tpu.memory_space<hbm>> -> memref<1x16384xf32, #tpu.memory_space<hbm>>
    %dma_start3A_1000 = tpu.memref_squeeze %dma_start3A_999 : memref<1x16384xf32, #tpu.memory_space<hbm>> -> memref<16384xf32, #tpu.memory_space<hbm>>
    %dma_start3A_1001 = tpu.memref_slice %dma_start3A_1000[%mul3A_993] : memref<16384xf32, #tpu.memory_space<hbm>> -> memref<2048xf32, #tpu.memory_space<hbm>>
    tpu.enqueue_dma source(%arg10 : memref<2048xf32, #tpu.memory_space<vmem>>) target(%dma_start3A_1001 : memref<2048xf32, #tpu.memory_space<hbm>>) target_semaphore(%arg19 : memref<!tpu.dma_semaphore, #tpu.memory_space<semaphore_mem>>)
    %dma_wait3A_1002 = arith.constant 0 : i32
    %dma_wait3A_1003 = arith.constant 0 : i32
    %dma_wait3A_1004 = tpu.memref_slice %arg4[%dma_wait3A_1002, %dma_wait3A_1003] : memref<200x16384xf32, #tpu.memory_space<hbm>> -> memref<1x16384xf32, #tpu.memory_space<hbm>>
    %dma_wait3A_1005 = tpu.memref_squeeze %dma_wait3A_1004 : memref<1x16384xf32, #tpu.memory_space<hbm>> -> memref<16384xf32, #tpu.memory_space<hbm>>
    %dma_wait3A_1006 = arith.constant 0 : i32
    %dma_wait3A_1007 = tpu.memref_slice %dma_wait3A_1005[%dma_wait3A_1006] : memref<16384xf32, #tpu.memory_space<hbm>> -> memref<2048xf32, #tpu.memory_space<hbm>>
    %dma_wait3A_1008 = arith.constant 0 : i32
    %dma_wait3A_1009 = tpu.memref_slice %arg4[%dma_wait3A_1002, %dma_wait3A_1008] : memref<200x16384xf32, #tpu.memory_space<hbm>> -> memref<1x16384xf32, #tpu.memory_space<hbm>>
    %dma_wait3A_1010 = tpu.memref_squeeze %dma_wait3A_1009 : memref<1x16384xf32, #tpu.memory_space<hbm>> -> memref<16384xf32, #tpu.memory_space<hbm>>
    %dma_wait3A_1011 = arith.constant 0 : i32
    %dma_wait3A_1012 = tpu.memref_slice %dma_wait3A_1010[%dma_wait3A_1011] : memref<16384xf32, #tpu.memory_space<hbm>> -> memref<2048xf32, #tpu.memory_space<hbm>>
    tpu.wait_dma2 semaphore(%arg19 : memref<!tpu.dma_semaphore, #tpu.memory_space<semaphore_mem>>) src(%arg10 : memref<2048xf32, #tpu.memory_space<vmem>>) dst(%dma_wait3A_1012 : memref<2048xf32, #tpu.memory_space<hbm>>)
    %dma_wait3A_1013 = arith.constant 0 : i32
    %dma_wait3A_1014 = arith.constant 0 : i32
    %dma_wait3A_1015 = tpu.memref_slice %arg4[%dma_wait3A_1013, %dma_wait3A_1014] : memref<200x16384xf32, #tpu.memory_space<hbm>> -> memref<1x16384xf32, #tpu.memory_space<hbm>>
    %dma_wait3A_1016 = tpu.memref_squeeze %dma_wait3A_1015 : memref<1x16384xf32, #tpu.memory_space<hbm>> -> memref<16384xf32, #tpu.memory_space<hbm>>
    %dma_wait3A_1017 = arith.constant 0 : i32
    %dma_wait3A_1018 = tpu.memref_slice %dma_wait3A_1016[%dma_wait3A_1017] : memref<16384xf32, #tpu.memory_space<hbm>> -> memref<2048xf32, #tpu.memory_space<hbm>>
    %dma_wait3A_1019 = arith.constant 0 : i32
    %dma_wait3A_1020 = tpu.memref_slice %arg4[%dma_wait3A_1013, %dma_wait3A_1019] : memref<200x16384xf32, #tpu.memory_space<hbm>> -> memref<1x16384xf32, #tpu.memory_space<hbm>>
    %dma_wait3A_1021 = tpu.memref_squeeze %dma_wait3A_1020 : memref<1x16384xf32, #tpu.memory_space<hbm>> -> memref<16384xf32, #tpu.memory_space<hbm>>
    %dma_wait3A_1022 = arith.constant 0 : i32
    %dma_wait3A_1023 = tpu.memref_slice %dma_wait3A_1021[%dma_wait3A_1022] : memref<16384xf32, #tpu.memory_space<hbm>> -> memref<2048xf32, #tpu.memory_space<hbm>>
    tpu.wait_dma2 semaphore(%arg14 : memref<!tpu.dma_semaphore, #tpu.memory_space<semaphore_mem>>) src(%dma_wait3A_1023 : memref<2048xf32, #tpu.memory_space<hbm>>) dst(%arg8 : memref<2048xf32, #tpu.memory_space<vmem>>)
    %add3A_1024 = arith.constant 48 : i32
    %add3A_1025 = arith.addi %mul3A_2, %add3A_1024 : i32
    %jit3A_1026 = arith.constant 8 : i32
    %div3A_1027 = arith.divsi %add3A_1025, %jit3A_1026 : i32
    %sign3A_1028 = arith.constant 0 : i32
    %sign3A_1029 = arith.cmpi sgt, %add3A_1025, %sign3A_1028 : i32
    %sign3A_1030 = arith.extui %sign3A_1029 : i1 to i32
    %sign3A_1031 = arith.constant 0 : i32
    %sign3A_1032 = arith.cmpi slt, %add3A_1025, %sign3A_1031 : i32
    %sign3A_1033 = arith.extui %sign3A_1032 : i1 to i32
    %sign3A_1034 = arith.subi %sign3A_1030, %sign3A_1033 : i32
    %sign3A_1035 = arith.constant 0 : i32
    %sign3A_1036 = arith.cmpi sgt, %jit3A_1026, %sign3A_1035 : i32
    %sign3A_1037 = arith.extui %sign3A_1036 : i1 to i32
    %sign3A_1038 = arith.constant 0 : i32
    %sign3A_1039 = arith.cmpi slt, %jit3A_1026, %sign3A_1038 : i32
    %sign3A_1040 = arith.extui %sign3A_1039 : i1 to i32
    %sign3A_1041 = arith.subi %sign3A_1037, %sign3A_1040 : i32
    %ne3A_1042 = arith.cmpi ne, %sign3A_1034, %sign3A_1041 : i32
    %rem3A_1043 = arith.remsi %add3A_1025, %jit3A_1026 : i32
    %ne3A_1044 = arith.constant 0 : i32
    %ne3A_1045 = arith.cmpi ne, %rem3A_1043, %ne3A_1044 : i32
    %and3A_1046 = arith.andi %ne3A_1042, %ne3A_1045 : i1
    %sub3A_1047 = arith.constant 1 : i32
    %sub3A_1048 = arith.subi %div3A_1027, %sub3A_1047 : i32
    %select_n3A_1049 = arith.select %and3A_1046, %sub3A_1048, %div3A_1027 : i32
    %jit3A_1050 = arith.constant 8 : i32
    %eq3A_1051 = arith.constant 0 : i32
    %eq3A_1052 = arith.cmpi eq, %jit3A_1050, %eq3A_1051 : i32
    %jit3A_1053 = arith.constant 1 : i32
    %select_n3A_1054 = arith.select %eq3A_1052, %jit3A_1053, %jit3A_1050 : i32
    %rem3A_1055 = arith.remsi %add3A_1025, %select_n3A_1054 : i32
    %ne3A_1056 = arith.constant 0 : i32
    %ne3A_1057 = arith.cmpi ne, %rem3A_1055, %ne3A_1056 : i32
    %lt3A_1058 = arith.constant 0 : i32
    %lt3A_1059 = arith.cmpi slt, %rem3A_1055, %lt3A_1058 : i32
    %lt3A_1060 = arith.constant 0 : i32
    %lt3A_1061 = arith.cmpi slt, %select_n3A_1054, %lt3A_1060 : i32
    %ne3A_1062 = arith.xori %lt3A_1059, %lt3A_1061 : i1
    %and3A_1063 = arith.andi %ne3A_1062, %ne3A_1057 : i1
    %add3A_1064 = arith.addi %rem3A_1055, %select_n3A_1054 : i32
    %select_n3A_1065 = arith.select %and3A_1063, %add3A_1064, %rem3A_1055 : i32
    %mul3A_1066 = arith.constant 2048 : i32
    %mul3A_1067 = arith.muli %select_n3A_1065, %mul3A_1066 : i32
    %dma_start3A_1068 = arith.constant 0 : i32
    %dma_start3A_1069 = tpu.memref_slice %arg4[%select_n3A_1049, %dma_start3A_1068] : memref<200x16384xf32, #tpu.memory_space<hbm>> -> memref<1x16384xf32, #tpu.memory_space<hbm>>
    %dma_start3A_1070 = tpu.memref_squeeze %dma_start3A_1069 : memref<1x16384xf32, #tpu.memory_space<hbm>> -> memref<16384xf32, #tpu.memory_space<hbm>>
    %dma_start3A_1071 = tpu.memref_slice %dma_start3A_1070[%mul3A_1067] : memref<16384xf32, #tpu.memory_space<hbm>> -> memref<2048xf32, #tpu.memory_space<hbm>>
    %dma_start3A_1072 = arith.constant 0 : i32
    %dma_start3A_1073 = tpu.memref_slice %arg4[%select_n3A_1049, %dma_start3A_1072] : memref<200x16384xf32, #tpu.memory_space<hbm>> -> memref<1x16384xf32, #tpu.memory_space<hbm>>
    %dma_start3A_1074 = tpu.memref_squeeze %dma_start3A_1073 : memref<1x16384xf32, #tpu.memory_space<hbm>> -> memref<16384xf32, #tpu.memory_space<hbm>>
    %dma_start3A_1075 = tpu.memref_slice %dma_start3A_1074[%mul3A_1067] : memref<16384xf32, #tpu.memory_space<hbm>> -> memref<2048xf32, #tpu.memory_space<hbm>>
    tpu.enqueue_dma source(%arg8 : memref<2048xf32, #tpu.memory_space<vmem>>) target(%dma_start3A_1075 : memref<2048xf32, #tpu.memory_space<hbm>>) target_semaphore(%arg17 : memref<!tpu.dma_semaphore, #tpu.memory_space<semaphore_mem>>)
    %dma_wait3A_1076 = arith.constant 0 : i32
    %dma_wait3A_1077 = arith.constant 0 : i32
    %dma_wait3A_1078 = tpu.memref_slice %arg4[%dma_wait3A_1076, %dma_wait3A_1077] : memref<200x16384xf32, #tpu.memory_space<hbm>> -> memref<1x16384xf32, #tpu.memory_space<hbm>>
    %dma_wait3A_1079 = tpu.memref_squeeze %dma_wait3A_1078 : memref<1x16384xf32, #tpu.memory_space<hbm>> -> memref<16384xf32, #tpu.memory_space<hbm>>
    %dma_wait3A_1080 = arith.constant 0 : i32
    %dma_wait3A_1081 = tpu.memref_slice %dma_wait3A_1079[%dma_wait3A_1080] : memref<16384xf32, #tpu.memory_space<hbm>> -> memref<2048xf32, #tpu.memory_space<hbm>>
    %dma_wait3A_1082 = arith.constant 0 : i32
    %dma_wait3A_1083 = tpu.memref_slice %arg4[%dma_wait3A_1076, %dma_wait3A_1082] : memref<200x16384xf32, #tpu.memory_space<hbm>> -> memref<1x16384xf32, #tpu.memory_space<hbm>>
    %dma_wait3A_1084 = tpu.memref_squeeze %dma_wait3A_1083 : memref<1x16384xf32, #tpu.memory_space<hbm>> -> memref<16384xf32, #tpu.memory_space<hbm>>
    %dma_wait3A_1085 = arith.constant 0 : i32
    %dma_wait3A_1086 = tpu.memref_slice %dma_wait3A_1084[%dma_wait3A_1085] : memref<16384xf32, #tpu.memory_space<hbm>> -> memref<2048xf32, #tpu.memory_space<hbm>>
    tpu.wait_dma2 semaphore(%arg15 : memref<!tpu.dma_semaphore, #tpu.memory_space<semaphore_mem>>) src(%dma_wait3A_1086 : memref<2048xf32, #tpu.memory_space<hbm>>) dst(%arg9 : memref<2048xf32, #tpu.memory_space<vmem>>)
    %add3A_1087 = arith.constant 49 : i32
    %add3A_1088 = arith.addi %mul3A_2, %add3A_1087 : i32
    %jit3A_1089 = arith.constant 8 : i32
    %div3A_1090 = arith.divsi %add3A_1088, %jit3A_1089 : i32
    %sign3A_1091 = arith.constant 0 : i32
    %sign3A_1092 = arith.cmpi sgt, %add3A_1088, %sign3A_1091 : i32
    %sign3A_1093 = arith.extui %sign3A_1092 : i1 to i32
    %sign3A_1094 = arith.constant 0 : i32
    %sign3A_1095 = arith.cmpi slt, %add3A_1088, %sign3A_1094 : i32
    %sign3A_1096 = arith.extui %sign3A_1095 : i1 to i32
    %sign3A_1097 = arith.subi %sign3A_1093, %sign3A_1096 : i32
    %sign3A_1098 = arith.constant 0 : i32
    %sign3A_1099 = arith.cmpi sgt, %jit3A_1089, %sign3A_1098 : i32
    %sign3A_1100 = arith.extui %sign3A_1099 : i1 to i32
    %sign3A_1101 = arith.constant 0 : i32
    %sign3A_1102 = arith.cmpi slt, %jit3A_1089, %sign3A_1101 : i32
    %sign3A_1103 = arith.extui %sign3A_1102 : i1 to i32
    %sign3A_1104 = arith.subi %sign3A_1100, %sign3A_1103 : i32
    %ne3A_1105 = arith.cmpi ne, %sign3A_1097, %sign3A_1104 : i32
    %rem3A_1106 = arith.remsi %add3A_1088, %jit3A_1089 : i32
    %ne3A_1107 = arith.constant 0 : i32
    %ne3A_1108 = arith.cmpi ne, %rem3A_1106, %ne3A_1107 : i32
    %and3A_1109 = arith.andi %ne3A_1105, %ne3A_1108 : i1
    %sub3A_1110 = arith.constant 1 : i32
    %sub3A_1111 = arith.subi %div3A_1090, %sub3A_1110 : i32
    %select_n3A_1112 = arith.select %and3A_1109, %sub3A_1111, %div3A_1090 : i32
    %jit3A_1113 = arith.constant 8 : i32
    %eq3A_1114 = arith.constant 0 : i32
    %eq3A_1115 = arith.cmpi eq, %jit3A_1113, %eq3A_1114 : i32
    %jit3A_1116 = arith.constant 1 : i32
    %select_n3A_1117 = arith.select %eq3A_1115, %jit3A_1116, %jit3A_1113 : i32
    %rem3A_1118 = arith.remsi %add3A_1088, %select_n3A_1117 : i32
    %ne3A_1119 = arith.constant 0 : i32
    %ne3A_1120 = arith.cmpi ne, %rem3A_1118, %ne3A_1119 : i32
    %lt3A_1121 = arith.constant 0 : i32
    %lt3A_1122 = arith.cmpi slt, %rem3A_1118, %lt3A_1121 : i32
    %lt3A_1123 = arith.constant 0 : i32
    %lt3A_1124 = arith.cmpi slt, %select_n3A_1117, %lt3A_1123 : i32
    %ne3A_1125 = arith.xori %lt3A_1122, %lt3A_1124 : i1
    %and3A_1126 = arith.andi %ne3A_1125, %ne3A_1120 : i1
    %add3A_1127 = arith.addi %rem3A_1118, %select_n3A_1117 : i32
    %select_n3A_1128 = arith.select %and3A_1126, %add3A_1127, %rem3A_1118 : i32
    %mul3A_1129 = arith.constant 2048 : i32
    %mul3A_1130 = arith.muli %select_n3A_1128, %mul3A_1129 : i32
    %dma_start3A_1131 = arith.constant 0 : i32
    %dma_start3A_1132 = tpu.memref_slice %arg4[%select_n3A_1112, %dma_start3A_1131] : memref<200x16384xf32, #tpu.memory_space<hbm>> -> memref<1x16384xf32, #tpu.memory_space<hbm>>
    %dma_start3A_1133 = tpu.memref_squeeze %dma_start3A_1132 : memref<1x16384xf32, #tpu.memory_space<hbm>> -> memref<16384xf32, #tpu.memory_space<hbm>>
    %dma_start3A_1134 = tpu.memref_slice %dma_start3A_1133[%mul3A_1130] : memref<16384xf32, #tpu.memory_space<hbm>> -> memref<2048xf32, #tpu.memory_space<hbm>>
    %dma_start3A_1135 = arith.constant 0 : i32
    %dma_start3A_1136 = tpu.memref_slice %arg4[%select_n3A_1112, %dma_start3A_1135] : memref<200x16384xf32, #tpu.memory_space<hbm>> -> memref<1x16384xf32, #tpu.memory_space<hbm>>
    %dma_start3A_1137 = tpu.memref_squeeze %dma_start3A_1136 : memref<1x16384xf32, #tpu.memory_space<hbm>> -> memref<16384xf32, #tpu.memory_space<hbm>>
    %dma_start3A_1138 = tpu.memref_slice %dma_start3A_1137[%mul3A_1130] : memref<16384xf32, #tpu.memory_space<hbm>> -> memref<2048xf32, #tpu.memory_space<hbm>>
    tpu.enqueue_dma source(%arg9 : memref<2048xf32, #tpu.memory_space<vmem>>) target(%dma_start3A_1138 : memref<2048xf32, #tpu.memory_space<hbm>>) target_semaphore(%arg18 : memref<!tpu.dma_semaphore, #tpu.memory_space<semaphore_mem>>)
    %dma_wait3A_1139 = arith.constant 0 : i32
    %dma_wait3A_1140 = arith.constant 0 : i32
    %dma_wait3A_1141 = tpu.memref_slice %arg4[%dma_wait3A_1139, %dma_wait3A_1140] : memref<200x16384xf32, #tpu.memory_space<hbm>> -> memref<1x16384xf32, #tpu.memory_space<hbm>>
    %dma_wait3A_1142 = tpu.memref_squeeze %dma_wait3A_1141 : memref<1x16384xf32, #tpu.memory_space<hbm>> -> memref<16384xf32, #tpu.memory_space<hbm>>
    %dma_wait3A_1143 = arith.constant 0 : i32
    %dma_wait3A_1144 = tpu.memref_slice %dma_wait3A_1142[%dma_wait3A_1143] : memref<16384xf32, #tpu.memory_space<hbm>> -> memref<2048xf32, #tpu.memory_space<hbm>>
    %dma_wait3A_1145 = arith.constant 0 : i32
    %dma_wait3A_1146 = tpu.memref_slice %arg4[%dma_wait3A_1139, %dma_wait3A_1145] : memref<200x16384xf32, #tpu.memory_space<hbm>> -> memref<1x16384xf32, #tpu.memory_space<hbm>>
    %dma_wait3A_1147 = tpu.memref_squeeze %dma_wait3A_1146 : memref<1x16384xf32, #tpu.memory_space<hbm>> -> memref<16384xf32, #tpu.memory_space<hbm>>
    %dma_wait3A_1148 = arith.constant 0 : i32
    %dma_wait3A_1149 = tpu.memref_slice %dma_wait3A_1147[%dma_wait3A_1148] : memref<16384xf32, #tpu.memory_space<hbm>> -> memref<2048xf32, #tpu.memory_space<hbm>>
    tpu.wait_dma2 semaphore(%arg17 : memref<!tpu.dma_semaphore, #tpu.memory_space<semaphore_mem>>) src(%arg8 : memref<2048xf32, #tpu.memory_space<vmem>>) dst(%dma_wait3A_1149 : memref<2048xf32, #tpu.memory_space<hbm>>)
    %dma_wait3A_1150 = arith.constant 0 : i32
    %dma_wait3A_1151 = arith.constant 0 : i32
    %dma_wait3A_1152 = tpu.memref_slice %arg4[%dma_wait3A_1150, %dma_wait3A_1151] : memref<200x16384xf32, #tpu.memory_space<hbm>> -> memref<1x16384xf32, #tpu.memory_space<hbm>>
    %dma_wait3A_1153 = tpu.memref_squeeze %dma_wait3A_1152 : memref<1x16384xf32, #tpu.memory_space<hbm>> -> memref<16384xf32, #tpu.memory_space<hbm>>
    %dma_wait3A_1154 = arith.constant 0 : i32
    %dma_wait3A_1155 = tpu.memref_slice %dma_wait3A_1153[%dma_wait3A_1154] : memref<16384xf32, #tpu.memory_space<hbm>> -> memref<2048xf32, #tpu.memory_space<hbm>>
    %dma_wait3A_1156 = arith.constant 0 : i32
    %dma_wait3A_1157 = tpu.memref_slice %arg4[%dma_wait3A_1150, %dma_wait3A_1156] : memref<200x16384xf32, #tpu.memory_space<hbm>> -> memref<1x16384xf32, #tpu.memory_space<hbm>>
    %dma_wait3A_1158 = tpu.memref_squeeze %dma_wait3A_1157 : memref<1x16384xf32, #tpu.memory_space<hbm>> -> memref<16384xf32, #tpu.memory_space<hbm>>
    %dma_wait3A_1159 = arith.constant 0 : i32
    %dma_wait3A_1160 = tpu.memref_slice %dma_wait3A_1158[%dma_wait3A_1159] : memref<16384xf32, #tpu.memory_space<hbm>> -> memref<2048xf32, #tpu.memory_space<hbm>>
    tpu.wait_dma2 semaphore(%arg18 : memref<!tpu.dma_semaphore, #tpu.memory_space<semaphore_mem>>) src(%arg9 : memref<2048xf32, #tpu.memory_space<vmem>>) dst(%dma_wait3A_1160 : memref<2048xf32, #tpu.memory_space<hbm>>)
    return
  }
}

module attributes {stable_mosaic.version = 14 : i64} {
  func.func @_fuse_body(%arg0: i32, %arg1: memref<5x262144xf32, #tpu.memory_space<vmem>>, %arg2: memref<5x1xf32, #tpu.memory_space<smem>>, %arg3: memref<1xf32, #tpu.memory_space<smem>>, %arg4: memref<2048x128xf32, #tpu.memory_space<vmem>>) attributes {dimension_semantics = [#tpu.dimension_semantics<arbitrary>], iteration_bounds = array<i64: 16>, scalar_prefetch = 0 : i64, scratch_operands = 0 : i64, tpu.core_type = #tpu.core_type<tc>, window_params = [{transform_indices = @transform_0, window_bounds = array<i64: 5, 262144>}, {transform_indices = @transform_1, window_bounds = array<i64: 5, 1>}, {transform_indices = @transform_2, window_bounds = array<i64: 1>}, {transform_indices = @transform_3, window_bounds = array<i64: 2048, 128>}]} {
    %get3A = arith.constant 0 : index
    %get3A_0 = arith.constant 0 : index
    %get3A_1 = vector.load %arg1[%get3A, %get3A_0] : memref<5x262144xf32, #tpu.memory_space<vmem>>, vector<5x262144xf32>
    %reshape3A = vector.shape_cast %get3A_1 : vector<5x262144xf32> to vector<10240x128xf32>
    %slice3A = vector.extract_strided_slice %reshape3A {offsets = [0, 0], sizes = [2048, 128], strides = [1, 1]} : vector<10240x128xf32> to vector<2048x128xf32>
    %get3A_2 = arith.constant 0 : index
    %get3A_3 = arith.constant 0 : index
    %get3A_4 = memref.load %arg2[%get3A_2, %get3A_3] : memref<5x1xf32, #tpu.memory_space<smem>>
    %mul3A = vector.broadcast %get3A_4 : f32 to vector<2048x128xf32>
    %mul3A_5 = arith.mulf %slice3A, %mul3A : vector<2048x128xf32>
    %slice3A_6 = vector.extract_strided_slice %reshape3A {offsets = [2048, 0], sizes = [2048, 128], strides = [1, 1]} : vector<10240x128xf32> to vector<2048x128xf32>
    %get3A_7 = arith.constant 1 : index
    %get3A_8 = arith.constant 0 : index
    %get3A_9 = memref.load %arg2[%get3A_7, %get3A_8] : memref<5x1xf32, #tpu.memory_space<smem>>
    %mul3A_10 = vector.broadcast %get3A_9 : f32 to vector<2048x128xf32>
    %mul3A_11 = arith.mulf %slice3A_6, %mul3A_10 : vector<2048x128xf32>
    %add3A = arith.addf %mul3A_5, %mul3A_11 : vector<2048x128xf32>
    %slice3A_12 = vector.extract_strided_slice %reshape3A {offsets = [4096, 0], sizes = [2048, 128], strides = [1, 1]} : vector<10240x128xf32> to vector<2048x128xf32>
    %get3A_13 = arith.constant 2 : index
    %get3A_14 = arith.constant 0 : index
    %get3A_15 = memref.load %arg2[%get3A_13, %get3A_14] : memref<5x1xf32, #tpu.memory_space<smem>>
    %mul3A_16 = vector.broadcast %get3A_15 : f32 to vector<2048x128xf32>
    %mul3A_17 = arith.mulf %slice3A_12, %mul3A_16 : vector<2048x128xf32>
    %add3A_18 = arith.addf %add3A, %mul3A_17 : vector<2048x128xf32>
    %slice3A_19 = vector.extract_strided_slice %reshape3A {offsets = [6144, 0], sizes = [2048, 128], strides = [1, 1]} : vector<10240x128xf32> to vector<2048x128xf32>
    %get3A_20 = arith.constant 3 : index
    %get3A_21 = arith.constant 0 : index
    %get3A_22 = memref.load %arg2[%get3A_20, %get3A_21] : memref<5x1xf32, #tpu.memory_space<smem>>
    %mul3A_23 = vector.broadcast %get3A_22 : f32 to vector<2048x128xf32>
    %mul3A_24 = arith.mulf %slice3A_19, %mul3A_23 : vector<2048x128xf32>
    %add3A_25 = arith.addf %add3A_18, %mul3A_24 : vector<2048x128xf32>
    %slice3A_26 = vector.extract_strided_slice %reshape3A {offsets = [8192, 0], sizes = [2048, 128], strides = [1, 1]} : vector<10240x128xf32> to vector<2048x128xf32>
    %get3A_27 = arith.constant 4 : index
    %get3A_28 = arith.constant 0 : index
    %get3A_29 = memref.load %arg2[%get3A_27, %get3A_28] : memref<5x1xf32, #tpu.memory_space<smem>>
    %mul3A_30 = vector.broadcast %get3A_29 : f32 to vector<2048x128xf32>
    %mul3A_31 = arith.mulf %slice3A_26, %mul3A_30 : vector<2048x128xf32>
    %add3A_32 = arith.addf %add3A_25, %mul3A_31 : vector<2048x128xf32>
    %get3A_33 = arith.constant 0 : index
    %get3A_34 = memref.load %arg3[%get3A_33] : memref<1xf32, #tpu.memory_space<smem>>
    %add3A_35 = vector.broadcast %get3A_34 : f32 to vector<2048x128xf32>
    %add3A_36 = arith.addf %add3A_32, %add3A_35 : vector<2048x128xf32>
    %swap3A = arith.constant 0 : index
    %swap3A_37 = arith.constant 0 : index
    %swap3A_38 = vector.load %arg4[%swap3A, %swap3A_37] : memref<2048x128xf32, #tpu.memory_space<vmem>>, vector<2048x128xf32>
    tpu.vector_store %arg4[%swap3A, %swap3A_37], %add3A_36 {strides = array<i32>} : memref<2048x128xf32, #tpu.memory_space<vmem>>, vector<2048x128xf32>,
    return
  }
  func.func @transform_0(%arg0: i32) -> (i32, i32) {
    %c0_i32 = arith.constant 0 : i32
    %c0_i32_0 = arith.constant 0 : i32
    return %c0_i32, %arg0 : i32, i32
  }
  func.func @transform_1(%arg0: i32) -> (i32, i32) {
    %c0_i32 = arith.constant 0 : i32
    %c0_i32_0 = arith.constant 0 : i32
    %c0_i32_1 = arith.constant 0 : i32
    return %c0_i32, %c0_i32_0 : i32, i32
  }
  func.func @transform_2(%arg0: i32) -> i32 {
    %c0_i32 = arith.constant 0 : i32
    %c0_i32_0 = arith.constant 0 : i32
    return %c0_i32 : i32
  }
  func.func @transform_3(%arg0: i32) -> (i32, i32) {
    %c0_i32 = arith.constant 0 : i32
    %c0_i32_0 = arith.constant 0 : i32
    return %arg0, %c0_i32 : i32, i32
  }
}

</mosaic_0001>

<sc_bundles>
// kernel: kernel.4.cloned.1.call-start
scs
__scs_entry_jumppad:
0x0: {  	(pc) =	sbr.rel $0x88, $3  }
0x1: {  	(tag) =	ssettag $0x0;
	lr =	simm.s32 $0x1  }
0x2: {  	[smem:$0x3F9D] =	sst lr;
	_ =	strace $0xD0000000  }
0x3: {  	_ = 	snop  }
0x4: {  	_ = 	snop  }
0x5: {  	_ = 	snop  }
0x6: {  	_ = 	snop  }
0x7: {  	_ = 	snop  }
__scs_overlays_trampoline_lowered:
0x8: {  	[smem:$0x3FAC] =	sst s0  }
0x9: {  	[smem:$0x3FAD] =	sst s1  }
0xa: {  	[smem:$0x3FAE] =	sst s2  }
0xb: {  	[smem:$0x3FAF] =	sst s3  }
0xc: {  	[smem:$0x3FB0] =	sst s4  }
0xd: {  	[smem:$0x3FB1] =	sst s5  }
0xe: {  	[smem:$0x3FB2] =	sst s6  }
0xf: {  	[smem:$0x3FB3] =	sst s7  }
0x10: {  	[smem:$0x3FB4] =	sst s8  }
0x11: {  	[smem:$0x3FB5] =	sst s9;
	s0 =	simm.s32 @!p0 $0x0  }
0x12: {  	s1 =	sld [smem:$0x3F9B];
	s0 =	simm.s32 @p0 $0x1  }
0x13: {  	[smem:$0x3FB6] =	sst s0;
	s0 =	simm.s32 @!p1 $0x0  }
0x14: {  	s2 =	sld [smem:$0x3F9A];
	s0 =	simm.s32 @p1 $0x1  }
0x15: {  	[smem:$0x3FB7] =	sst s0;
	s0 =	simm.s32 @!p2 $0x0  }
0x16: {  	s3 =	sld [smem:$0x3FDB];
	s0 =	simm.s32 @p2 $0x1  }
0x17: {  	s4 =	simm.s32 $0x1BF5;
	[smem:$0x3FB9] =	sst s0  }
0x18: {  	s0 =	sld [smem:$0x3F9C];
	_ =	swait.ge [sflag:s4], $0x0  }
0x19: {  	s7 =	sld [smem:$0x3F9D]  }
0x1a: {  	s8 =	sadd.s32 $0xFFFFE003, lr  }
0x1b: {  	s9 =	sadd.s32 $0xFFFFFEF7, lr;
	s5 =	simm.s32 $0xFFFFFFFF;
	p2 =	slt.u32 s8, $0xFFFFF086  }
0x1c: {  	p1 =	slt.u32 s9, $0xF7A;
	s5 =	simm.s32 @!p2 $0x0  }
0x1d: {  	s5 =	simm.s32 @p1 $0x1;
	p0 =	seq.s32 s7, s2  }
0x1e: {  	s7 =	smul.u32 @!p0 $0xF7A, s2;
	p2 =	seq.s32 @!p0 s5, $0x0  }
0x1f: {  	s9 =	smul.u32 $0xF7A, s1;
	s8 =	simm.s32 @!p0 $0x1BF5;
	p2 =	por !p2, p0  }
0x20: {  	[sflag:s8] =	ssyncset.s32 @!p0 $0xFFFFF086;
	s6 =	sadd.s32 @!p0 s3, s7;
	s7 =	simm.s32 @!p0 $0x108  }
0x21: {  	s3 =	sadd.s32 s3, s9;
	s6 =	sadd.s32 @!p0 $0x88, s6;
	s7 =	simm.s32 @p2 $0x1082  }
0x22: {  	[simem:s7], [sflag:s8] =	dma.local @!p0 [hbm:s6], $0xF7A  }
0x23: {  	s9 =	sor.u32 $0xD0000000, s2;
	s6 =	simm.s32 $0x108;
	_ =	swait.ge @!p0 [sflag:s8], $0x0  }
0x24: {  	s3 =	sadd.s32 $0x88, s3;
	s6 =	simm.s32 @!p1 $0x1082;
	[sflag:s4] =	ssyncset.s32 $0xFFFFF086  }
0x25: {  	[simem:s6], [sflag:s4] =	dma.local [hbm:s3], $0xF7A  }
0x26: {  	[smem:$0x3F9D] =	sst s1;
	(tag) =	ssettag s2;
	_ =	strace s9  }
0x27: {  	s1 =	sld [smem:$0x3FAD]  }
0x28: {  	s2 =	sld [smem:$0x3FAE]  }
0x29: {  	s4 =	sld [smem:$0x3FB0]  }
0x2a: {  	p0 =	seq.s32 s5, $0x0;
	s5 =	sld [smem:$0x3FB1]  }
0x2b: {  	s6 =	sld [smem:$0x3FB2]  }
0x2c: {  	s7 =	sld [smem:$0x3FB3]  }
0x2d: {  	s3 =	simm.s32 $0x108;
	s8 =	sld [smem:$0x3FB4]  }
0x2e: {  	s3 =	simm.s32 @!p0 $0x1082;
	s9 =	sld [smem:$0x3FB5]  }
0x2f: {  	lr =	sadd.s32 s0, s3;
	s0 =	sld [smem:$0x3FAC]  }
0x30: {  	s3 =	sld [smem:$0x3FAF]  }
0x31: {  	[smem:$0x3FB8] =	sst s10  }
0x32: {  	s10 =	sld [smem:$0x3FB6];
	_ =	sdelay $0x3  }
0x33: {  	p0 =	seq.s32 s10, $0x1;
	s10 =	sld [smem:$0x3FB8];
	_ =	sdelay $0x3  }
0x34: {  	[smem:$0x3FB8] =	sst s10  }
0x35: {  	s10 =	sld [smem:$0x3FB7];
	_ =	sdelay $0x3  }
0x36: {  	p1 =	seq.s32 s10, $0x1;
	s10 =	sld [smem:$0x3FB8];
	_ =	sdelay $0x3  }
0x37: {  	[smem:$0x3FB8] =	sst s10  }
0x38: {  	s10 =	sld [smem:$0x3FB9]  }
0x39: {  	_ = 	snop;
	(pc) =	sbr.ind lr, $3  }
0x3a: {  	_ = 	snop  }
0x3b: {  	_ = 	snop  }
0x3c: {  	p2 =	seq.s32 s10, $0x1;
	s10 =	sld [smem:$0x3FB8]  }
0x3d: {  	_ =	shalt  }
0x3e: {  	_ =	shalt  }
0x3f: {  	_ =	shalt  }
0x40: {  	_ =	shalt  }
0x41: {  	_ =	shalt  }
0x42: {  	_ =	shalt  }
0x43: {  	_ =	shalt  }
0x44: {  	_ =	shalt  }
0x45: {  	_ =	shalt  }
0x46: {  	_ =	shalt  }
0x47: {  	_ =	shalt  }
0x48: {  	_ =	shalt  }
0x49: {  	_ =	shalt  }
0x4a: {  	_ =	shalt  }
0x4b: {  	_ =	shalt  }
0x4c: {  	_ =	shalt  }
0x4d: {  	_ =	shalt  }
0x4e: {  	_ =	shalt  }
0x4f: {  	_ =	shalt  }
0x50: {  	_ =	shalt  }
0x51: {  	_ =	shalt  }
0x52: {  	_ =	shalt  }
0x53: {  	_ =	shalt  }
0x54: {  	_ =	shalt  }
0x55: {  	_ =	shalt  }
0x56: {  	_ =	shalt  }
0x57: {  	_ =	shalt  }
0x58: {  	_ =	shalt  }
0x59: {  	_ =	shalt  }
0x5a: {  	_ =	shalt  }
0x5b: {  	_ =	shalt  }
0x5c: {  	_ =	shalt  }
0x5d: {  	_ =	shalt  }
0x5e: {  	_ =	shalt  }
0x5f: {  	_ =	shalt  }
0x60: {  	_ =	shalt  }
0x61: {  	_ =	shalt  }
0x62: {  	_ =	shalt  }
0x63: {  	_ =	shalt  }
0x64: {  	_ =	shalt  }
0x65: {  	_ =	shalt  }
0x66: {  	_ =	shalt  }
0x67: {  	_ =	shalt  }
0x68: {  	_ =	shalt  }
0x69: {  	_ =	shalt  }
0x6a: {  	_ =	shalt  }
0x6b: {  	_ =	shalt  }
0x6c: {  	_ =	shalt  }
0x6d: {  	_ =	shalt  }
0x6e: {  	_ =	shalt  }
0x6f: {  	_ =	shalt  }
0x70: {  	_ =	shalt  }
0x71: {  	_ =	shalt  }
0x72: {  	_ =	shalt  }
0x73: {  	_ =	shalt  }
0x74: {  	_ =	shalt  }
0x75: {  	_ =	shalt  }
0x76: {  	_ =	shalt  }
0x77: {  	_ =	shalt  }
0x78: {  	_ =	shalt  }
0x79: {  	_ =	shalt  }
0x7a: {  	_ =	shalt  }
0x7b: {  	_ =	shalt  }
0x7c: {  	_ =	shalt  }
0x7d: {  	_ =	shalt  }
0x7e: {  	_ =	shalt  }
0x7f: {  	_ =	shalt  }
0x80: {  	_ =	shalt  }
0x81: {  	_ =	shalt  }
0x82: {  	_ =	shalt  }
0x83: {  	_ =	shalt  }
0x84: {  	_ =	shalt  }
0x85: {  	_ =	shalt  }
0x86: {  	_ =	shalt  }
0x87: {  	_ =	shalt  }
.Lfunc_end0:
.L_simem_size_0:
called_computation_lowered:
.L_overlay_start_0:
0x88: {  	s2 =	sld [smem:$0x3FD9]  }
0x89: {  	s3 =	sld [smem:$0x3FFE];
	_ =	sdelay $0x1  }
0x8a: {  	s1 =	srdreg.scid  }
0x8b: {  	s0 =	sand.u32 $0x1, s1  }
0x8c: {  	s17 =	sshll.u32 s0, $0xA;
	s2 =	sadd.s32 s3, s2  }
0x8d: {  	s2 =	sadd.s32 s2, s17  }
0x8e: {  	[smem:$0x3FC4] =	sst s2  }
0x8f: {  	_ = 	snop  }
0x90: {  	s2 =	sld [smem:$0x3FC9];
	(tm) =	ssettm $0x1  }
0x91: {  	s18 =	sld [smem:$0x3FFB];
	_ =	sdelay $0x3  }
0x92: {  	_ =	strace s18  }
0x93: {  	s3 =	sld [smem:$0x3FFC];
	_ =	sdelay $0x3  }
0x94: {  	_ =	strace s3  }
0x95: {  	s3 =	sld [smem:$0x3FFD];
	_ =	sdelay $0x3  }
0x96: {  	_ =	strace s3  }
0x97: {  	_ =	strace $0x8FFFFFFF  }
0x98: {  	s19 =	sld [smem:$0x3FDB];
	_ =	sdelay $0x1  }
0x99: {  	s4 =	simm.s32 $_scs_section_size  }
0x9a: {  	s5 =	simm.s32 $_size__tile_overlayer_lowered;
	s6 =	simm.s32 $_tile_overlayer_lowered  }
0x9b: {  	s22 =	simm.s32 $0x1BFF;
	s21 =	sshll.u32 s6, $0x1;
	s3 =	sadd.s32 s4, s19  }
0x9c: {  	s7 =	simm.s32 $0x0;
	s20 =	sshll.u32 s5, $0x1;
	s5 =	sadd.s32 s21, s3  }
0x9d: {  	[timem:s7], [sflag:s22] =	dma.local [hbm:s5], s20  }
0x9e: {  	_ =	swait.ge [sflag:s22], s20  }
0x9f: {  	s4 =	ssub.s32 $0x0, s20;
	[sflag:s22] =	ssyncset.done $0x0  }
0xa0: {  	[sflag:s22] =	ssyncadd.s32 s4;
	_ =	sdelay $0x1  }
0xa1: {  	s23 =	simm.s32 $0x1B8B  }
0xa2: {  	_ =	swait.ge [sflag:s23], $0x1  }
0xa3: {  	[sflag:s23] =	ssyncset.done $0x0  }
0xa4: {  	s25 =	simm.s32 $0x1B8E;
	s24 =	sld [smem:$0x3FFE];
	[sflag:s23] =	ssyncadd.s32 $0xFFFFFFFF  }
0xa5: {  	s26 =	simm.s32 $execute0_lowered;
	[smem:$0x3FD2] =	sst s25  }
0xa6: {  	s5 =	sshll.u32 s26, $0x1;
	_ =	strace $0x80000046;
	[dreg:$0x1] =	wrdreg $0xFFFFFFFF  }
0xa7: {  	s28 =	simm.s32 $_size_execute0_lowered;
	s3 =	sadd.s32 s3, s5;
	[dreg:$0x0] =	wrdreg $0x0  }
0xa8: {  	s5 =	sshll.u32 s28, $0x1;
	[dreg:$0x2] =	wrdreg s3  }
0xa9: {  	[dreg:$0x3] =	wrdreg s5  }
0xaa: {  	[dreg:$0x4] =	wrdreg $0xC0  }
0xab: {  	_ =	task [dreg:s7], $0x5FFFF  }
0xac: {  	[dreg:$0x1] =	wrdreg $0xFFFFFFFF  }
0xad: {  	[dreg:$0x0] =	wrdreg $0x60  }
0xae: {  	[dreg:$0x2] =	wrdreg s24  }
0xaf: {  	[dreg:$0x3] =	wrdreg s2  }
0xb0: {  	[dreg:$0x4] =	wrdreg $0x9  }
0xb1: {  	_ =	task.clear_ibuf [dreg:s7], $0x5FFFF;
	_ =	strace $0x90000046  }
0xb2: {  	s29 =	simm.s32 $0x9;
	_ =	strace $0x80000048  }
0xb3: {  	_ =	swait.ge [sflag:s29], $0x1  }
0xb4: {  	[sflag:s29] =	ssyncadd.s32 $0xFFFFFFFF  }
0xb5: {  	_ =	strace $0x90000048  }
0xb6: {  	_ =	sfence  }
0xb7: {  	s30 =	sld [smem:$0x0];
	_ =	sdelay $0x2  }
0xb8: {  	s31 =	sshll.u32 s1, $0xD;
	s1 =	sshrl.u32 s1, $0x2  }
0xb9: {  	s3 =	sand.u32 $0x4000, s31;
	s1 =	sadd.s32 s1, s30  }
0xba: {  	s0 =	sor.u32 s3, s0;
	s1 =	sshll.u32 s1, $0x11  }
0xbb: {  	s0 =	sor.u32 s1, s0  }
0xbc: {  	s0 =	sadd.s32 $0x8F2B, s0  }
0xbd: {  	[sflag:s0] =	ssyncadd.remote.s32 $0x1  }
0xbe: {  	_ =	sfence.sel $0xFFFF  }
0xbf: {  	[dreg:$0x0] =	wrdreg $0xFFFFFFFF;
	(pc) =	sbr.abs _section_cstart, $3  }
0xc0: {  	[dreg:$0x1] =	wrdreg $0xFFFFFFFF  }
0xc1: {  	_ =	task.clear_ibuf [dreg:s7], $0x2FFFF;
	_ =	strace $0x9FFFFFFF  }
0xc2: {  	(tm) =	ssettm $0x7FFFFFFF  }
0xc3: {  	_ =	shalt  }
tec
execute0_lowered:
.L_overlay_start_1:
0x0: {  	(tag) =	ssettag $0x1  }
0x1: {  	s0 =	rddreg [dreg:$0x0];
	s1 =	srdreg.scid  }
0x2: {  	s3 =	stileid.u32;
	s2 =	rddreg [dreg:$0x1]  }
0x3: {  	s5 =	simm.s32 $0x0;
	s1 =	sand.u32 $0x1, s1;
	s4 =	sshll.u32 s3, $0x1  }
0x4: {  	[smem:$0x7FF] =	sst s5;
	s31 =	smul.u32 $0x32000, s3;
	s6 =	sor.u32 s1, s4  }
0x5: {  	s5 =	sadd.s32 $0x7A800, s0;
	_ =	strace $0x80000047;
	s7 =	smul.u32 $0x32, s6  }
0x6: {  	s4 =	sadd.s32 $0x600, s0;
	s10 =	ssub.s32 $0x2, s1;
	s14 =	sshll.u32 s6, $0xC  }
0x7: {  	s13 =	sshrl.u32 s10, $0x1;
	s0 =	sand.u32 $0x3000, s14;
	s8 =	sshll.u32 s7, $0x8  }
0x8: {  	s9 =	sshll.u32 s7, $0x1;
	s11 =	sadd.s32 $0x2, s7;
	s20 =	sadd.s32 $0x3, s7  }
0x9: {  	s25 =	sadd.s32 $0x31, s7;
	s26 =	sadd.s32 $0x2F, s7;
	s12 =	sor.u32 s9, s8  }
0xa: {  	s8 =	ssub.s32 s10, s13;
	s17 =	sshll.u32 s11, $0x1;
	s18 =	sshll.u32 s11, $0x8  }
0xb: {  	s11 =	sshll.u32 s11, $0xB;
	s21 =	sshll.u32 s20, $0x1;
	s22 =	sshll.u32 s20, $0x8  }
0xc: {  	s28 =	sshll.u32 s25, $0x8;
	s29 =	sshll.u32 s26, $0x8;
	s9 =	sand.u32 $0x7C070, s12  }
0xd: {  	s6 =	sand.u32 $0x70, s17;
	s19 =	sand.u32 $0x3000, s11;
	s12 =	sadd.s32 $0x2E, s7  }
0xe: {  	s11 =	sshll.u32 s20, $0xB;
	s17 =	sshll.u32 s26, $0x1;
	s7 =	sadd.s32 $0x30, s7  }
0xf: {  	s15 =	sadd.s32 s2, s9;
	s6 =	sadd.s32 s2, s6;
	s13 =	sshll.u32 s12, $0x1  }
0x10: {  	s23 =	sshll.u32 s12, $0x8;
	s14 =	sand.u32 $0x3800, s11;
	s24 =	sshll.u32 s12, $0xB  }
0x11: {  	s17 =	sand.u32 $0x70, s17;
	s30 =	sshll.u32 s7, $0x1;
	s7 =	sshll.u32 s7, $0x8  }
0x12: {  	s11 =	sshll.u32 s25, $0xB;
	s12 =	sshll.u32 s26, $0xB;
	s16 =	sadd.s32 s0, s15  }
0x13: {  	s13 =	sand.u32 $0x70, s13;
	s15 =	sshll.u32 s25, $0x1;
	s17 =	sadd.s32 s5, s17  }
0x14: {  	s7 =	sand.u32 $0xFC000, s7;
	[dreg:$0x4] =	wrdreg s16;
	s10 =	sadd.s32 $0x800, s16  }
0x15: {  	s13 =	sadd.s32 s5, s13;
	[dreg:$0x5] =	wrdreg s10;
	s10 =	sand.u32 $0xFC000, s18  }
0x16: {  	s16 =	sand.u32 $0x3000, s24;
	s6 =	sadd.s32 s10, s6;
	s10 =	sand.u32 $0xFC000, s22  }
0x17: {  	s22 =	sand.u32 $0x3800, s12;
	s6 =	sadd.s32 s19, s6;
	s19 =	smul.u32 $0x19000, s1  }
0x18: {  	s12 =	simm.s32 $0x400;
	s1 =	smul.u32 $0x32, s1;
	[dreg:$0x6] =	wrdreg s6  }
0x19: {  	s6 =	sadd.s32 s5, s9;
	s9 =	sand.u32 $0x70, s21;
	s21 =	sand.u32 $0x3800, s11  }
0x1a: {  	s11 =	simm.s32 $0x80;
	s9 =	sadd.s32 s2, s9;
	s24 =	sadd.s32 s19, s31  }
0x1b: {  	s9 =	sadd.s32 s10, s9;
	s10 =	sand.u32 $0xFC000, s23;
	[dreg:$0x3] =	wrdreg s24  }
0x1c: {  	s24 =	simm.s32 $0x8;
	s10 =	sadd.s32 s10, s13;
	s13 =	sor.u32 s15, s28  }
0x1d: {  	s15 =	sand.u32 $0xFC000, s29;
	s25 =	sadd.s32 s14, s9;
	s29 =	sadd.s32 s0, s6  }
0x1e: {  	s14 =	simm.s32 $0x2800;
	s13 =	sand.u32 $0xFFFC070, s13;
	s18 =	sadd.s32 s15, s17  }
0x1f: {  	s15 =	sand.u32 $0x70, s30;
	[dreg:$0x9] =	wrdreg s25;
	s26 =	sadd.s32 s16, s10  }
0x20: {  	s17 =	simm.s32 $0x1;
	[dreg:$0xc] =	wrdreg s29;
	s10 =	simm.s32 $0x3  }
0x21: {  	s25 =	simm.s32 $0x6;
	s15 =	sadd.s32 s5, s15;
	s20 =	sadd.s32 s2, s13  }
0x22: {  	s2 =	smul.u32 $0x64, s3;
	s23 =	sadd.s32 s5, s13;
	s13 =	smax.u32 s8, $0x1  }
0x23: {  	[dreg:$0xa] =	wrdreg s26;
	s28 =	sadd.s32 s22, s18;
	s22 =	simm.s32 $0x2780  }
0x24: {  	s26 =	simm.s32 $0x9;
	s7 =	sadd.s32 s7, s15;
	[dreg:$0x7] =	wrdreg s13  }
0x25: {  	[dreg:$0xb] =	wrdreg s28;
	s30 =	sadd.s32 s21, s20;
	s31 =	sadd.s32 s21, s23  }
0x26: {  	s20 =	simm.s32 $0x4;
	s21 =	simm.s32 $0x7;
	[dreg:$0xe] =	wrdreg s30  }
0x27: {  	s1 =	sadd.s32 s1, s2;
	s0 =	sadd.s32 s0, s7;
	[dreg:$0xf] =	wrdreg s31  }
0x28: {  	s23 =	simm.s32 $0x5;
	s1 =	sadd.s32 $0x6, s1;
	[dreg:$0xd] =	wrdreg s0  }
0x29: {  	s0 =	simm.s32 $0x0;
	[dreg:$0x8] =	wrdreg s1;
	s1 =	simm.s32 $0x2  }
.LBB2_1:
0x2a: {  	[dreg:$0x10] =	wrdreg s0  }
0x2b: {  	s3 =	simm.s32 $0x0;
	s6 =	rddreg [dreg:$0x4]  }
0x2c: {  	[tilespmem:s3], [sflag:$0x1] =	stream.strided.gather [hbm4b:s6+s11], $0x800, s12, s11, $0x38;
	[tilespmem:$0x3000] =	vst v63  }
0x2d: {  	s0 =	rddreg [dreg:$0x5];
	s13 =	simm.s32 $0x800  }
0x2e: {  	[tilespmem:s13], [sflag:$0x2] =	stream.strided.gather [hbm4b:s0+s11], $0x800, s12, s11, $0x38;
	[tilespmem:$0x3000] =	vst v63  }
0x2f: {  	s2 =	rddreg [dreg:$0x6];
	s7 =	simm.s32 $0x1000  }
0x30: {  	[tilespmem:s7], [sflag:$0x3] =	stream.strided.gather [hbm4b:s2+s11], $0x800, s12, s11, $0x38;
	[tilespmem:$0x3000] =	vst v63  }
0x31: {  	_ =	swait.ge [sflag:s17], $0x800  }
0x32: {  	[sflag:s17] =	ssyncset.done $0x0  }
0x33: {  	s8 =	simm.s32 $0x1800;
	[sflag:s17] =	ssyncadd.s32 $0xFFFFF800  }
0x34: {  	[tilespmem:s8], [sflag:$0x4] =	stream.indirect.gather [hbm4b:s4+s11], $0x1, s3, s11, $0xb8;
	[tilespmem:$0x3000] =	vst v63  }
0x35: {  	s6 =	simm.s32 $0x1880  }
0x36: {  	[tilespmem:s6], [sflag:$0x4] =	stream.indirect.gather [hbm4b:s4+s11], $0x1, s11, s11, $0xb8;
	[tilespmem:$0x3000] =	vst v63  }
0x37: {  	s9 =	simm.s32 $0x100;
	s15 =	simm.s32 $0x1900  }
0x38: {  	[tilespmem:s15], [sflag:$0x4] =	stream.indirect.gather [hbm4b:s4+s11], $0x1, s9, s11, $0xb8;
	[tilespmem:$0x3000] =	vst v63  }
0x39: {  	s16 =	simm.s32 $0x180;
	s18 =	simm.s32 $0x1980  }
0x3a: {  	[tilespmem:s18], [sflag:$0x4] =	stream.indirect.gather [hbm4b:s4+s11], $0x1, s16, s11, $0xb8;
	[tilespmem:$0x3000] =	vst v63  }
0x3b: {  	s19 =	simm.s32 $0x200;
	s28 =	simm.s32 $0x1A00  }
0x3c: {  	[tilespmem:s28], [sflag:$0x4] =	stream.indirect.gather [hbm4b:s4+s11], $0x1, s19, s11, $0xb8;
	[tilespmem:$0x3000] =	vst v63  }
0x3d: {  	s30 =	simm.s32 $0x1A80;
	s2 =	simm.s32 $0x280  }
0x3e: {  	[tilespmem:s30], [sflag:$0x4] =	stream.indirect.gather [hbm4b:s4+s11], $0x1, s2, s11, $0xb8;
	[tilespmem:$0x3000] =	vst v63  }
0x3f: {  	s6 =	simm.s32 $0x300;
	s2 =	simm.s32 $0x1B00  }
0x40: {  	[tilespmem:s2], [sflag:$0x4] =	stream.indirect.gather [hbm4b:s4+s11], $0x1, s6, s11, $0xb8;
	[tilespmem:$0x3000] =	vst v63  }
0x41: {  	s9 =	simm.s32 $0x380;
	s16 =	simm.s32 $0x1B80  }
0x42: {  	[tilespmem:s16], [sflag:$0x4] =	stream.indirect.gather [hbm4b:s4+s11], $0x1, s9, s11, $0xb8;
	[tilespmem:$0x3000] =	vst v63  }
0x43: {  	s19 =	simm.s32 $0x1C00  }
0x44: {  	[tilespmem:s19], [sflag:$0x4] =	stream.indirect.gather [hbm4b:s4+s11], $0x1, s12, s11, $0xb8;
	[tilespmem:$0x3000] =	vst v63  }
0x45: {  	s2 =	simm.s32 $0x480;
	s16 =	simm.s32 $0x1C80  }
0x46: {  	[tilespmem:s16], [sflag:$0x4] =	stream.indirect.gather [hbm4b:s4+s11], $0x1, s2, s11, $0xb8;
	[tilespmem:$0x3000] =	vst v63  }
0x47: {  	s6 =	simm.s32 $0x500;
	s19 =	simm.s32 $0x1D00  }
0x48: {  	[tilespmem:s19], [sflag:$0x4] =	stream.indirect.gather [hbm4b:s4+s11], $0x1, s6, s11, $0xb8;
	[tilespmem:$0x3000] =	vst v63  }
0x49: {  	s29 =	simm.s32 $0x1D80;
	s9 =	simm.s32 $0x580  }
0x4a: {  	[tilespmem:s29], [sflag:$0x4] =	stream.indirect.gather [hbm4b:s4+s11], $0x1, s9, s11, $0xb8;
	[tilespmem:$0x3000] =	vst v63  }
0x4b: {  	s31 =	simm.s32 $0x1E00;
	s2 =	simm.s32 $0x600  }
0x4c: {  	[tilespmem:s31], [sflag:$0x4] =	stream.indirect.gather [hbm4b:s4+s11], $0x1, s2, s11, $0xb8;
	[tilespmem:$0x3000] =	vst v63  }
0x4d: {  	s6 =	simm.s32 $0x680;
	s9 =	simm.s32 $0x1E80  }
0x4e: {  	[tilespmem:s9], [sflag:$0x4] =	stream.indirect.gather [hbm4b:s4+s11], $0x1, s6, s11, $0xb8;
	[tilespmem:$0x3000] =	vst v63  }
0x4f: {  	s6 =	simm.s32 $0x700;
	s9 =	simm.s32 $0x1F00  }
0x50: {  	[tilespmem:s9], [sflag:$0x4] =	stream.indirect.gather [hbm4b:s4+s11], $0x1, s6, s11, $0xb8;
	[tilespmem:$0x3000] =	vst v63  }
0x51: {  	s6 =	simm.s32 $0x780;
	s9 =	simm.s32 $0x1F80  }
0x52: {  	[tilespmem:s9], [sflag:$0x4] =	stream.indirect.gather [hbm4b:s4+s11], $0x1, s6, s11, $0xb8;
	[tilespmem:$0x3000] =	vst v63  }
0x53: {  	_ =	swait.ge [sflag:s1], $0x800  }
0x54: {  	[sflag:s1] =	ssyncset.done $0x0  }
0x55: {  	s2 =	simm.s32 $0x2000;
	[sflag:s1] =	ssyncadd.s32 $0xFFFFF800  }
0x56: {  	[tilespmem:s2], [sflag:$0x5] =	stream.indirect.gather [hbm4b:s4+s11], $0x1, s13, s11, $0xb8;
	[tilespmem:$0x3000] =	vst v63  }
0x57: {  	s6 =	simm.s32 $0x880;
	s9 =	simm.s32 $0x2080  }
0x58: {  	[tilespmem:s9], [sflag:$0x5] =	stream.indirect.gather [hbm4b:s4+s11], $0x1, s6, s11, $0xb8;
	[tilespmem:$0x3000] =	vst v63  }
0x59: {  	s6 =	simm.s32 $0x900;
	s9 =	simm.s32 $0x2100  }
0x5a: {  	[tilespmem:s9], [sflag:$0x5] =	stream.indirect.gather [hbm4b:s4+s11], $0x1, s6, s11, $0xb8;
	[tilespmem:$0x3000] =	vst v63  }
0x5b: {  	s6 =	simm.s32 $0x980;
	s9 =	simm.s32 $0x2180  }
0x5c: {  	[tilespmem:s9], [sflag:$0x5] =	stream.indirect.gather [hbm4b:s4+s11], $0x1, s6, s11, $0xb8;
	[tilespmem:$0x3000] =	vst v63  }
0x5d: {  	s6 =	simm.s32 $0xA00;
	s9 =	simm.s32 $0x2200  }
0x5e: {  	[tilespmem:s9], [sflag:$0x5] =	stream.indirect.gather [hbm4b:s4+s11], $0x1, s6, s11, $0xb8;
	[tilespmem:$0x3000] =	vst v63  }
0x5f: {  	s6 =	simm.s32 $0xA80;
	s9 =	simm.s32 $0x2280  }
0x60: {  	[tilespmem:s9], [sflag:$0x5] =	stream.indirect.gather [hbm4b:s4+s11], $0x1, s6, s11, $0xb8;
	[tilespmem:$0x3000] =	vst v63  }
0x61: {  	s6 =	simm.s32 $0xB00;
	s9 =	simm.s32 $0x2300  }
0x62: {  	[tilespmem:s9], [sflag:$0x5] =	stream.indirect.gather [hbm4b:s4+s11], $0x1, s6, s11, $0xb8;
	[tilespmem:$0x3000] =	vst v63  }
0x63: {  	s6 =	simm.s32 $0xB80;
	s9 =	simm.s32 $0x2380  }
0x64: {  	[tilespmem:s9], [sflag:$0x5] =	stream.indirect.gather [hbm4b:s4+s11], $0x1, s6, s11, $0xb8;
	[tilespmem:$0x3000] =	vst v63  }
0x65: {  	s6 =	simm.s32 $0xC00;
	s9 =	simm.s32 $0x2400  }
0x66: {  	[tilespmem:s9], [sflag:$0x5] =	stream.indirect.gather [hbm4b:s4+s11], $0x1, s6, s11, $0xb8;
	[tilespmem:$0x3000] =	vst v63  }
0x67: {  	s2 =	simm.s32 $0xC80;
	s9 =	simm.s32 $0x2480  }
0x68: {  	[tilespmem:s9], [sflag:$0x5] =	stream.indirect.gather [hbm4b:s4+s11], $0x1, s2, s11, $0xb8;
	[tilespmem:$0x3000] =	vst v63  }
0x69: {  	s0 =	simm.s32 $0xD00;
	s2 =	simm.s32 $0x2500  }
0x6a: {  	[tilespmem:s2], [sflag:$0x5] =	stream.indirect.gather [hbm4b:s4+s11], $0x1, s0, s11, $0xb8;
	[tilespmem:$0x3000] =	vst v63  }
0x6b: {  	s0 =	simm.s32 $0xD80;
	s2 =	simm.s32 $0x2580  }
0x6c: {  	[tilespmem:s2], [sflag:$0x5] =	stream.indirect.gather [hbm4b:s4+s11], $0x1, s0, s11, $0xb8;
	[tilespmem:$0x3000] =	vst v63  }
0x6d: {  	s0 =	simm.s32 $0xE00;
	s2 =	simm.s32 $0x2600  }
0x6e: {  	[tilespmem:s2], [sflag:$0x5] =	stream.indirect.gather [hbm4b:s4+s11], $0x1, s0, s11, $0xb8;
	[tilespmem:$0x3000] =	vst v63  }
0x6f: {  	s9 =	simm.s32 $0xE80;
	s0 =	simm.s32 $0x2680  }
0x70: {  	[tilespmem:s0], [sflag:$0x5] =	stream.indirect.gather [hbm4b:s4+s11], $0x1, s9, s11, $0xb8;
	[tilespmem:$0x3000] =	vst v63  }
0x71: {  	s6 =	simm.s32 $0xF00;
	s9 =	simm.s32 $0x2700  }
0x72: {  	[tilespmem:s9], [sflag:$0x5] =	stream.indirect.gather [hbm4b:s4+s11], $0x1, s6, s11, $0xb8;
	[tilespmem:$0x3000] =	vst v63  }
0x73: {  	s6 =	simm.s32 $0xF80  }
0x74: {  	[tilespmem:s22], [sflag:$0x5] =	stream.indirect.gather [hbm4b:s4+s11], $0x1, s6, s11, $0xb8;
	[tilespmem:$0x3000] =	vst v63  }
0x75: {  	_ =	swait.ge [sflag:s10], $0x800  }
0x76: {  	[sflag:s10] =	ssyncset.done $0x0  }
0x77: {  	[sflag:s10] =	ssyncadd.s32 $0xFFFFF800  }
0x78: {  	[tilespmem:s14], [sflag:$0x6] =	stream.indirect.gather [hbm4b:s4+s11], $0x1, s7, s11, $0xb8;
	[tilespmem:$0x3000] =	vst v63  }
0x79: {  	s9 =	simm.s32 $0x1080;
	s14 =	simm.s32 $0x2880  }
0x7a: {  	[tilespmem:s14], [sflag:$0x6] =	stream.indirect.gather [hbm4b:s4+s11], $0x1, s9, s11, $0xb8;
	[tilespmem:$0x3000] =	vst v63  }
0x7b: {  	s6 =	simm.s32 $0x1100;
	s7 =	simm.s32 $0x2900  }
0x7c: {  	[tilespmem:s7], [sflag:$0x6] =	stream.indirect.gather [hbm4b:s4+s11], $0x1, s6, s11, $0xb8;
	[tilespmem:$0x3000] =	vst v63  }
0x7d: {  	s9 =	simm.s32 $0x1180;
	s14 =	simm.s32 $0x2980  }
0x7e: {  	[tilespmem:s14], [sflag:$0x6] =	stream.indirect.gather [hbm4b:s4+s11], $0x1, s9, s11, $0xb8;
	[tilespmem:$0x3000] =	vst v63  }
0x7f: {  	s6 =	simm.s32 $0x1200;
	s7 =	simm.s32 $0x2A00  }
0x80: {  	[tilespmem:s7], [sflag:$0x6] =	stream.indirect.gather [hbm4b:s4+s11], $0x1, s6, s11, $0xb8;
	[tilespmem:$0x3000] =	vst v63  }
0x81: {  	s9 =	simm.s32 $0x1280;
	s14 =	simm.s32 $0x2A80  }
0x82: {  	[tilespmem:s14], [sflag:$0x6] =	stream.indirect.gather [hbm4b:s4+s11], $0x1, s9, s11, $0xb8;
	[tilespmem:$0x3000] =	vst v63  }
0x83: {  	s6 =	simm.s32 $0x1300;
	s7 =	simm.s32 $0x2B00  }
0x84: {  	[tilespmem:s7], [sflag:$0x6] =	stream.indirect.gather [hbm4b:s4+s11], $0x1, s6, s11, $0xb8;
	[tilespmem:$0x3000] =	vst v63  }
0x85: {  	s9 =	simm.s32 $0x1380;
	s14 =	simm.s32 $0x2B80  }
0x86: {  	[tilespmem:s14], [sflag:$0x6] =	stream.indirect.gather [hbm4b:s4+s11], $0x1, s9, s11, $0xb8;
	[tilespmem:$0x3000] =	vst v63  }
0x87: {  	s6 =	simm.s32 $0x1400;
	s7 =	simm.s32 $0x2C00  }
0x88: {  	[tilespmem:s7], [sflag:$0x6] =	stream.indirect.gather [hbm4b:s4+s11], $0x1, s6, s11, $0xb8;
	[tilespmem:$0x3000] =	vst v63  }
0x89: {  	s9 =	simm.s32 $0x1480;
	s14 =	simm.s32 $0x2C80  }
0x8a: {  	[tilespmem:s14], [sflag:$0x6] =	stream.indirect.gather [hbm4b:s4+s11], $0x1, s9, s11, $0xb8;
	[tilespmem:$0x3000] =	vst v63  }
0x8b: {  	s6 =	simm.s32 $0x1500;
	s7 =	simm.s32 $0x2D00  }
0x8c: {  	[tilespmem:s7], [sflag:$0x6] =	stream.indirect.gather [hbm4b:s4+s11], $0x1, s6, s11, $0xb8;
	[tilespmem:$0x3000] =	vst v63  }
0x8d: {  	s9 =	simm.s32 $0x1580;
	s14 =	simm.s32 $0x2D80  }
0x8e: {  	[tilespmem:s14], [sflag:$0x6] =	stream.indirect.gather [hbm4b:s4+s11], $0x1, s9, s11, $0xb8;
	[tilespmem:$0x3000] =	vst v63  }
0x8f: {  	s6 =	simm.s32 $0x1600;
	s7 =	simm.s32 $0x2E00  }
0x90: {  	[tilespmem:s7], [sflag:$0x6] =	stream.indirect.gather [hbm4b:s4+s11], $0x1, s6, s11, $0xb8;
	[tilespmem:$0x3000] =	vst v63  }
0x91: {  	s9 =	simm.s32 $0x1680;
	s14 =	simm.s32 $0x2E80  }
0x92: {  	[tilespmem:s14], [sflag:$0x6] =	stream.indirect.gather [hbm4b:s4+s11], $0x1, s9, s11, $0xb8;
	[tilespmem:$0x3000] =	vst v63  }
0x93: {  	s2 =	simm.s32 $0x1700;
	s6 =	simm.s32 $0x2F00  }
0x94: {  	[tilespmem:s6], [sflag:$0x6] =	stream.indirect.gather [hbm4b:s4+s11], $0x1, s2, s11, $0xb8;
	[tilespmem:$0x3000] =	vst v63  }
0x95: {  	s7 =	simm.s32 $0x1780;
	s9 =	simm.s32 $0x2F80  }
0x96: {  	[tilespmem:s9], [sflag:$0x6] =	stream.indirect.gather [hbm4b:s4+s11], $0x1, s7, s11, $0xb8;
	[tilespmem:$0x3000] =	vst v63  }
0x97: {  	_ =	swait.ge [sflag:s20], $0x800  }
0x98: {  	[sflag:s20] =	ssyncset.done $0x0  }
0x99: {  	s14 =	rddreg [dreg:$0xc];
	[sflag:s20] =	ssyncadd.s32 $0xFFFFF800  }
0x9a: {  	[hbm4b:s14+s11] =	stream.strided.scatter [tilespmem:s8], [sflag:$0x7], $0x800, s12, s11, $0x38;
	[tilespmem:$0x3000] =	vst v63  }
0x9b: {  	s0 =	rddreg [dreg:$0x9]  }
0x9c: {  	[tilespmem:s3], [sflag:$0x1] =	stream.strided.gather [hbm4b:s0+s11], $0x800, s12, s11, $0x38;
	[tilespmem:$0x3000] =	vst v63  }
0x9d: {  	_ =	swait.ge [sflag:s21], $0x800  }
0x9e: {  	[sflag:s21] =	ssyncset.done $0x0  }
0x9f: {  	[sflag:s21] =	ssyncadd.s32 $0xFFFFF800  }
0xa0: {  	_ =	swait.ge [sflag:s17], $0x800  }
0xa1: {  	[sflag:s17] =	ssyncset.done $0x0  }
0xa2: {  	[sflag:s17] =	ssyncadd.s32 $0xFFFFF800  }
0xa3: {  	[tilespmem:s8], [sflag:$0x4] =	stream.indirect.gather [hbm4b:s4+s11], $0x1, s3, s11, $0xb8;
	[tilespmem:$0x3000] =	vst v63  }
0xa4: {  	s2 =	simm.s32 $0x1880  }
0xa5: {  	[tilespmem:s2], [sflag:$0x4] =	stream.indirect.gather [hbm4b:s4+s11], $0x1, s11, s11, $0xb8;
	[tilespmem:$0x3000] =	vst v63  }
0xa6: {  	s3 =	simm.s32 $0x100  }
0xa7: {  	[tilespmem:s15], [sflag:$0x4] =	stream.indirect.gather [hbm4b:s4+s11], $0x1, s3, s11, $0xb8;
	[tilespmem:$0x3000] =	vst v63  }
0xa8: {  	s6 =	simm.s32 $0x180  }
0xa9: {  	[tilespmem:s18], [sflag:$0x4] =	stream.indirect.gather [hbm4b:s4+s11], $0x1, s6, s11, $0xb8;
	[tilespmem:$0x3000] =	vst v63  }
0xaa: {  	s7 =	simm.s32 $0x200  }
0xab: {  	[tilespmem:s28], [sflag:$0x4] =	stream.indirect.gather [hbm4b:s4+s11], $0x1, s7, s11, $0xb8;
	[tilespmem:$0x3000] =	vst v63  }
0xac: {  	s8 =	simm.s32 $0x280  }
0xad: {  	[tilespmem:s30], [sflag:$0x4] =	stream.indirect.gather [hbm4b:s4+s11], $0x1, s8, s11, $0xb8;
	[tilespmem:$0x3000] =	vst v63  }
0xae: {  	s9 =	simm.s32 $0x300;
	s14 =	simm.s32 $0x1B00  }
0xaf: {  	[tilespmem:s14], [sflag:$0x4] =	stream.indirect.gather [hbm4b:s4+s11], $0x1, s9, s11, $0xb8;
	[tilespmem:$0x3000] =	vst v63  }
0xb0: {  	s15 =	simm.s32 $0x380;
	s18 =	simm.s32 $0x1B80  }
0xb1: {  	[tilespmem:s18], [sflag:$0x4] =	stream.indirect.gather [hbm4b:s4+s11], $0x1, s15, s11, $0xb8;
	[tilespmem:$0x3000] =	vst v63  }
0xb2: {  	s3 =	simm.s32 $0x1C00  }
0xb3: {  	[tilespmem:s3], [sflag:$0x4] =	stream.indirect.gather [hbm4b:s4+s11], $0x1, s12, s11, $0xb8;
	[tilespmem:$0x3000] =	vst v63  }
0xb4: {  	s6 =	simm.s32 $0x480  }
0xb5: {  	[tilespmem:s16], [sflag:$0x4] =	stream.indirect.gather [hbm4b:s4+s11], $0x1, s6, s11, $0xb8;
	[tilespmem:$0x3000] =	vst v63  }
0xb6: {  	s7 =	simm.s32 $0x500  }
0xb7: {  	[tilespmem:s19], [sflag:$0x4] =	stream.indirect.gather [hbm4b:s4+s11], $0x1, s7, s11, $0xb8;
	[tilespmem:$0x3000] =	vst v63  }
0xb8: {  	s8 =	simm.s32 $0x580;
	s9 =	simm.s32 $0x600  }
0xb9: {  	[tilespmem:s29], [sflag:$0x4] =	stream.indirect.gather [hbm4b:s4+s11], $0x1, s8, s11, $0xb8;
	[tilespmem:$0x3000] =	vst v63  }
0xba: {  	s14 =	simm.s32 $0x680;
	s15 =	simm.s32 $0x1E80;
	s3 =	rddreg [dreg:$0x8]  }
0xbb: {  	[tilespmem:s31], [sflag:$0x4] =	stream.indirect.gather [hbm4b:s4+s11], $0x1, s9, s11, $0xb8;
	[tilespmem:$0x3000] =	vst v63  }
0xbc: {  	s18 =	simm.s32 $0x1F00;
	s16 =	simm.s32 $0x700;
	s19 =	sadd.s32 $0xFFFFFFFB, s3  }
0xbd: {  	[tilespmem:s15], [sflag:$0x4] =	stream.indirect.gather [hbm4b:s4+s11], $0x1, s14, s11, $0xb8;
	[tilespmem:$0x3000] =	vst v63  }
0xbe: {  	s6 =	sshll.u32 s19, $0x8;
	s8 =	simm.s32 $0x780;
	s14 =	sshll.u32 s19, $0x1  }
0xbf: {  	s6 =	sand.u32 $0xFFFC000, s6;
	s15 =	sadd.s32 $0xFFFFFFFE, s3;
	s7 =	sand.u32 $0x70, s14  }
0xc0: {  	[tilespmem:s18], [sflag:$0x4] =	stream.indirect.gather [hbm4b:s4+s11], $0x1, s16, s11, $0xb8;
	[tilespmem:$0x3000] =	vst v63  }
0xc1: {  	s9 =	simm.s32 $0x1F80;
	s7 =	sadd.s32 s5, s7;
	s18 =	sshll.u32 s15, $0x1  }
0xc2: {  	[tilespmem:s9], [sflag:$0x4] =	stream.indirect.gather [hbm4b:s4+s11], $0x1, s8, s11, $0xb8;
	[tilespmem:$0x3000] =	vst v63  }
0xc3: {  	s14 =	sand.u32 $0x70, s18;
	s6 =	sadd.s32 s6, s7;
	_ =	swait.ge [sflag:s23], $0x800  }
0xc4: {  	s8 =	sshll.u32 s15, $0x8;
	s16 =	rddreg [dreg:$0x3];
	[sflag:s23] =	ssyncset.done $0x0  }
0xc5: {  	s8 =	sand.u32 $0xFFFC000, s8;
	s7 =	sadd.s32 $0x0, s16;
	s2 =	rddreg [dreg:$0x1]  }
0xc6: {  	[sflag:s23] =	ssyncadd.s32 $0xFFFFF800;
	s19 =	sadd.s32 s2, s14;
	s0 =	sadd.s32 $0x800, s7  }
0xc7: {  	s15 =	sadd.s32 $0x2000, s7;
	s14 =	sand.u32 $0x3800, s0;
	s8 =	sadd.s32 s8, s19  }
0xc8: {  	s18 =	sand.u32 $0x3800, s15;
	s19 =	simm.s32 $0x2000;
	s6 =	sadd.s32 s14, s6  }
0xc9: {  	[hbm4b:s6+s11] =	stream.strided.scatter [tilespmem:s19], [sflag:$0x8], $0x800, s12, s11, $0x38;
	[tilespmem:$0x3000] =	vst v63  }
0xca: {  	s14 =	sadd.s32 s18, s8  }
0xcb: {  	[tilespmem:s13], [sflag:$0x2] =	stream.strided.gather [hbm4b:s14+s11], $0x800, s12, s11, $0x38;
	[tilespmem:$0x3000] =	vst v63  }
0xcc: {  	_ =	swait.ge [sflag:s24], $0x800  }
0xcd: {  	[sflag:s24] =	ssyncset.done $0x0  }
0xce: {  	[sflag:s24] =	ssyncadd.s32 $0xFFFFF800  }
0xcf: {  	s29 =	sshll.u32 s3, $0x8;
	s9 =	simm.s32 $0x2180;
	_ =	swait.ge [sflag:s1], $0x800  }
0xd0: {  	s16 =	simm.s32 $0x2080;
	s15 =	simm.s32 $0x880;
	[sflag:s1] =	ssyncset.done $0x0  }
0xd1: {  	s18 =	simm.s32 $0x900;
	s6 =	sadd.s32 $0xFFFFFFFD, s3;
	[sflag:s1] =	ssyncadd.s32 $0xFFFFF800  }
0xd2: {  	[tilespmem:s19], [sflag:$0x5] =	stream.indirect.gather [hbm4b:s4+s11], $0x1, s13, s11, $0xb8;
	[tilespmem:$0x3000] =	vst v63  }
0xd3: {  	s8 =	simm.s32 $0x980;
	s28 =	sshll.u32 s6, $0x8;
	s14 =	simm.s32 $0x2200  }
0xd4: {  	[tilespmem:s16], [sflag:$0x5] =	stream.indirect.gather [hbm4b:s4+s11], $0x1, s15, s11, $0xb8;
	[tilespmem:$0x3000] =	vst v63  }
0xd5: {  	s19 =	simm.s32 $0x2100;
	s13 =	simm.s32 $0xA00;
	s15 =	simm.s32 $0xA80  }
0xd6: {  	[tilespmem:s19], [sflag:$0x5] =	stream.indirect.gather [hbm4b:s4+s11], $0x1, s18, s11, $0xb8;
	[tilespmem:$0x3000] =	vst v63  }
0xd7: {  	s16 =	simm.s32 $0x2280;
	s18 =	sshll.u32 s3, $0x1;
	s19 =	sshll.u32 s6, $0x1  }
0xd8: {  	[tilespmem:s9], [sflag:$0x5] =	stream.indirect.gather [hbm4b:s4+s11], $0x1, s8, s11, $0xb8;
	[tilespmem:$0x3000] =	vst v63  }
0xd9: {  	s8 =	simm.s32 $0x1800;
	s9 =	sand.u32 $0x70, s18;
	s18 =	simm.s32 $0x2380  }
0xda: {  	[tilespmem:s14], [sflag:$0x5] =	stream.indirect.gather [hbm4b:s4+s11], $0x1, s13, s11, $0xb8;
	[tilespmem:$0x3000] =	vst v63  }
0xdb: {  	s30 =	sadd.s32 s2, s9;
	s14 =	sand.u32 $0x70, s19;
	s19 =	simm.s32 $0xB80  }
0xdc: {  	[tilespmem:s16], [sflag:$0x5] =	stream.indirect.gather [hbm4b:s4+s11], $0x1, s15, s11, $0xb8;
	[tilespmem:$0x3000] =	vst v63  }
0xdd: {  	s13 =	simm.s32 $0x2400;
	s15 =	simm.s32 $0xB00;
	s16 =	simm.s32 $0x2300  }
0xde: {  	[tilespmem:s16], [sflag:$0x5] =	stream.indirect.gather [hbm4b:s4+s11], $0x1, s15, s11, $0xb8;
	[tilespmem:$0x3000] =	vst v63  }
0xdf: {  	s31 =	sadd.s32 s5, s14;
	s14 =	simm.s32 $0xC00;
	s15 =	sadd.s32 $0x1800, s7  }
0xe0: {  	[tilespmem:s18], [sflag:$0x5] =	stream.indirect.gather [hbm4b:s4+s11], $0x1, s19, s11, $0xb8;
	[tilespmem:$0x3000] =	vst v63  }
0xe1: {  	s16 =	sadd.s32 $0x2800, s7;
	s9 =	sand.u32 $0x3800, s15;
	s19 =	sadd.s32 $0x3000, s7  }
0xe2: {  	s18 =	sadd.s32 $0x1000, s7;
	s7 =	smov.u32 s3;
	s6 =	sand.u32 $0x3800, s19  }
0xe3: {  	[tilespmem:s13], [sflag:$0x5] =	stream.indirect.gather [hbm4b:s4+s11], $0x1, s14, s11, $0xb8;
	[tilespmem:$0x3000] =	vst v63  }
.LBB2_2:
0xe4: {  	s3 =	simm.s32 $0xC80;
	s13 =	simm.s32 $0x2480  }
0xe5: {  	s0 =	simm.s32 $0xD00;
	s2 =	simm.s32 $0x2500;
	s19 =	sadd.s32 $0xFFFFFFFC, s7  }
0xe6: {  	[tilespmem:s13], [sflag:$0x5] =	stream.indirect.gather [hbm4b:s4+s11], $0x1, s3, s11, $0xb8;
	[tilespmem:$0x3000] =	vst v63  }
0xe7: {  	s15 =	simm.s32 $0x2580;
	s13 =	simm.s32 $0xD80;
	s3 =	sshll.u32 s19, $0x1  }
0xe8: {  	[tilespmem:s2], [sflag:$0x5] =	stream.indirect.gather [hbm4b:s4+s11], $0x1, s0, s11, $0xb8;
	[tilespmem:$0x3000] =	vst v63  }
0xe9: {  	s3 =	sand.u32 $0x70, s3;
	s0 =	simm.s32 $0xE00;
	s2 =	sadd.s32 $0xFFFFFFFF, s7  }
0xea: {  	[tilespmem:s15], [sflag:$0x5] =	stream.indirect.gather [hbm4b:s4+s11], $0x1, s13, s11, $0xb8;
	[tilespmem:$0x3000] =	vst v63  }
0xeb: {  	s3 =	sadd.s32 s5, s3;
	s15 =	simm.s32 $0x2600;
	s13 =	sshll.u32 s19, $0x8  }
0xec: {  	[tilespmem:s15], [sflag:$0x5] =	stream.indirect.gather [hbm4b:s4+s11], $0x1, s0, s11, $0xb8;
	[tilespmem:$0x3000] =	vst v63  }
0xed: {  	s19 =	sshll.u32 s2, $0x8;
	s13 =	sand.u32 $0xFFFC000, s13;
	s15 =	sshll.u32 s2, $0x1  }
0xee: {  	s2 =	simm.s32 $0xE80;
	s0 =	simm.s32 $0x2680;
	s3 =	sadd.s32 s13, s3  }
0xef: {  	[tilespmem:s0], [sflag:$0x5] =	stream.indirect.gather [hbm4b:s4+s11], $0x1, s2, s11, $0xb8;
	[tilespmem:$0x3000] =	vst v63  }
0xf0: {  	s13 =	sand.u32 $0xFFFC000, s19;
	s0 =	simm.s32 $0xF00;
	s2 =	simm.s32 $0x2700  }
0xf1: {  	[tilespmem:s2], [sflag:$0x5] =	stream.indirect.gather [hbm4b:s4+s11], $0x1, s0, s11, $0xb8;
	[tilespmem:$0x3000] =	vst v63  }
0xf2: {  	s19 =	simm.s32 $0xF80;
	s15 =	sand.u32 $0x70, s15;
	s2 =	rddreg [dreg:$0x1]  }
0xf3: {  	[tilespmem:s22], [sflag:$0x5] =	stream.indirect.gather [hbm4b:s4+s11], $0x1, s19, s11, $0xb8;
	[tilespmem:$0x3000] =	vst v63  }
0xf4: {  	s0 =	sand.u32 $0x3800, s16;
	s16 =	simm.s32 $0x2800;
	_ =	swait.ge [sflag:s25], $0x800  }
0xf5: {  	s15 =	sadd.s32 s2, s15;
	s19 =	sand.u32 $0x3800, s18;
	[sflag:s25] =	ssyncset.done $0x0  }
0xf6: {  	s13 =	sadd.s32 s13, s15;
	s3 =	sadd.s32 s19, s3;
	[sflag:s25] =	ssyncadd.s32 $0xFFFFF800  }
0xf7: {  	[hbm4b:s3+s11] =	stream.strided.scatter [tilespmem:s16], [sflag:$0x9], $0x800, s12, s11, $0x38;
	[tilespmem:$0x3000] =	vst v63  }
0xf8: {  	s18 =	sadd.s32 s0, s13;
	s19 =	simm.s32 $0x1000  }
0xf9: {  	[tilespmem:s19], [sflag:$0x3] =	stream.strided.gather [hbm4b:s18+s11], $0x800, s12, s11, $0x38;
	[tilespmem:$0x3000] =	vst v63  }
0xfa: {  	_ =	swait.ge [sflag:s26], $0x800  }
0xfb: {  	[sflag:s26] =	ssyncset.done $0x0  }
0xfc: {  	[sflag:s26] =	ssyncadd.s32 $0xFFFFF800  }
0xfd: {  	_ =	swait.ge [sflag:s10], $0x800  }
0xfe: {  	[sflag:s10] =	ssyncset.done $0x0  }
0xff: {  	[sflag:s10] =	ssyncadd.s32 $0xFFFFF800  }
0x100: {  	[tilespmem:s16], [sflag:$0x6] =	stream.indirect.gather [hbm4b:s4+s11], $0x1, s19, s11, $0xb8;
	[tilespmem:$0x3000] =	vst v63  }
0x101: {  	s13 =	simm.s32 $0x2880;
	s3 =	simm.s32 $0x1080  }
0x102: {  	[tilespmem:s13], [sflag:$0x6] =	stream.indirect.gather [hbm4b:s4+s11], $0x1, s3, s11, $0xb8;
	[tilespmem:$0x3000] =	vst v63  }
0x103: {  	s15 =	simm.s32 $0x1100;
	s16 =	simm.s32 $0x2900  }
0x104: {  	[tilespmem:s16], [sflag:$0x6] =	stream.indirect.gather [hbm4b:s4+s11], $0x1, s15, s11, $0xb8;
	[tilespmem:$0x3000] =	vst v63  }
0x105: {  	s18 =	simm.s32 $0x1180;
	s19 =	simm.s32 $0x2980  }
0x106: {  	[tilespmem:s19], [sflag:$0x6] =	stream.indirect.gather [hbm4b:s4+s11], $0x1, s18, s11, $0xb8;
	[tilespmem:$0x3000] =	vst v63  }
0x107: {  	s3 =	simm.s32 $0x1200;
	s13 =	simm.s32 $0x2A00  }
0x108: {  	[tilespmem:s13], [sflag:$0x6] =	stream.indirect.gather [hbm4b:s4+s11], $0x1, s3, s11, $0xb8;
	[tilespmem:$0x3000] =	vst v63  }
0x109: {  	s15 =	simm.s32 $0x1280;
	s16 =	simm.s32 $0x2A80  }
0x10a: {  	[tilespmem:s16], [sflag:$0x6] =	stream.indirect.gather [hbm4b:s4+s11], $0x1, s15, s11, $0xb8;
	[tilespmem:$0x3000] =	vst v63  }
0x10b: {  	s18 =	simm.s32 $0x1300;
	s19 =	simm.s32 $0x2B00  }
0x10c: {  	[tilespmem:s19], [sflag:$0x6] =	stream.indirect.gather [hbm4b:s4+s11], $0x1, s18, s11, $0xb8;
	[tilespmem:$0x3000] =	vst v63  }
0x10d: {  	s3 =	simm.s32 $0x1380;
	s13 =	simm.s32 $0x2B80  }
0x10e: {  	[tilespmem:s13], [sflag:$0x6] =	stream.indirect.gather [hbm4b:s4+s11], $0x1, s3, s11, $0xb8;
	[tilespmem:$0x3000] =	vst v63  }
0x10f: {  	s15 =	simm.s32 $0x1400;
	s16 =	simm.s32 $0x2C00  }
0x110: {  	[tilespmem:s16], [sflag:$0x6] =	stream.indirect.gather [hbm4b:s4+s11], $0x1, s15, s11, $0xb8;
	[tilespmem:$0x3000] =	vst v63  }
0x111: {  	s18 =	simm.s32 $0x1480;
	s19 =	simm.s32 $0x2C80  }
0x112: {  	[tilespmem:s19], [sflag:$0x6] =	stream.indirect.gather [hbm4b:s4+s11], $0x1, s18, s11, $0xb8;
	[tilespmem:$0x3000] =	vst v63  }
0x113: {  	s3 =	simm.s32 $0x1500;
	s13 =	simm.s32 $0x2D00  }
0x114: {  	[tilespmem:s13], [sflag:$0x6] =	stream.indirect.gather [hbm4b:s4+s11], $0x1, s3, s11, $0xb8;
	[tilespmem:$0x3000] =	vst v63  }
0x115: {  	s15 =	simm.s32 $0x1580;
	s16 =	simm.s32 $0x2D80  }
0x116: {  	[tilespmem:s16], [sflag:$0x6] =	stream.indirect.gather [hbm4b:s4+s11], $0x1, s15, s11, $0xb8;
	[tilespmem:$0x3000] =	vst v63  }
0x117: {  	s18 =	simm.s32 $0x1600;
	s19 =	simm.s32 $0x2E00  }
0x118: {  	[tilespmem:s19], [sflag:$0x6] =	stream.indirect.gather [hbm4b:s4+s11], $0x1, s18, s11, $0xb8;
	[tilespmem:$0x3000] =	vst v63  }
0x119: {  	s7 =	sadd.s32 $0x3, s7;
	s18 =	simm.s32 $0x1680;
	s19 =	simm.s32 $0x2E80  }
0x11a: {  	[tilespmem:s19], [sflag:$0x6] =	stream.indirect.gather [hbm4b:s4+s11], $0x1, s18, s11, $0xb8;
	[tilespmem:$0x3000] =	vst v63  }
0x11b: {  	s0 =	sand.u32 $0xFFFC000, s28;
	s18 =	simm.s32 $0x1700;
	s19 =	simm.s32 $0x2F00  }
0x11c: {  	[tilespmem:s19], [sflag:$0x6] =	stream.indirect.gather [hbm4b:s4+s11], $0x1, s18, s11, $0xb8;
	[tilespmem:$0x3000] =	vst v63  }
0x11d: {  	s3 =	sadd.s32 $0xFFFFFFFD, s7;
	s18 =	simm.s32 $0x1780;
	s19 =	simm.s32 $0x2F80  }
0x11e: {  	[tilespmem:s19], [sflag:$0x6] =	stream.indirect.gather [hbm4b:s4+s11], $0x1, s18, s11, $0xb8;
	[tilespmem:$0x3000] =	vst v63  }
0x11f: {  	s16 =	sshll.u32 s3, $0x8;
	s19 =	sadd.s32 s0, s31;
	_ =	swait.ge [sflag:s20], $0x800  }
0x120: {  	s0 =	sand.u32 $0xFFFC000, s29;
	s9 =	sadd.s32 s9, s19;
	[sflag:s20] =	ssyncset.done $0x0  }
0x121: {  	s19 =	sadd.s32 s0, s30;
	s0 =	simm.s32 $0x1800;
	[sflag:s20] =	ssyncadd.s32 $0xFFFFF800  }
0x122: {  	[hbm4b:s9+s11] =	stream.strided.scatter [tilespmem:s0], [sflag:$0x7], $0x800, s12, s11, $0x38;
	[tilespmem:$0x3000] =	vst v63  }
0x123: {  	s28 =	smov.u32 s16;
	s16 =	simm.s32 $0x0;
	s6 =	sadd.s32 s6, s19  }
0x124: {  	[tilespmem:s16], [sflag:$0x1] =	stream.strided.gather [hbm4b:s6+s11], $0x800, s12, s11, $0x38;
	[tilespmem:$0x3000] =	vst v63  }
0x125: {  	_ =	swait.ge [sflag:s21], $0x800  }
0x126: {  	[sflag:s21] =	ssyncset.done $0x0  }
0x127: {  	[sflag:s21] =	ssyncadd.s32 $0xFFFFF800  }
0x128: {  	_ =	swait.ge [sflag:s17], $0x800  }
0x129: {  	[sflag:s17] =	ssyncset.done $0x0  }
0x12a: {  	s15 =	sshll.u32 s7, $0x1;
	[sflag:s17] =	ssyncadd.s32 $0xFFFFF800  }
0x12b: {  	[tilespmem:s0], [sflag:$0x4] =	stream.indirect.gather [hbm4b:s4+s11], $0x1, s16, s11, $0xb8;
	[tilespmem:$0x3000] =	vst v63  }
0x12c: {  	s13 =	sshll.u32 s7, $0x8;
	s15 =	sand.u32 $0x70, s15;
	s18 =	simm.s32 $0x1880  }
0x12d: {  	[tilespmem:s18], [sflag:$0x4] =	stream.indirect.gather [hbm4b:s4+s11], $0x1, s11, s11, $0xb8;
	[tilespmem:$0x3000] =	vst v63  }
0x12e: {  	s15 =	sadd.s32 s2, s15;
	s19 =	simm.s32 $0x100;
	s0 =	simm.s32 $0x1900  }
0x12f: {  	[tilespmem:s0], [sflag:$0x4] =	stream.indirect.gather [hbm4b:s4+s11], $0x1, s19, s11, $0xb8;
	[tilespmem:$0x3000] =	vst v63  }
0x130: {  	s29 =	smov.u32 s13;
	s9 =	simm.s32 $0x1980;
	s6 =	simm.s32 $0x180  }
0x131: {  	[tilespmem:s9], [sflag:$0x4] =	stream.indirect.gather [hbm4b:s4+s11], $0x1, s6, s11, $0xb8;
	[tilespmem:$0x3000] =	vst v63  }
0x132: {  	s13 =	simm.s32 $0x200;
	s30 =	smov.u32 s15;
	s15 =	simm.s32 $0x1A00  }
0x133: {  	[tilespmem:s15], [sflag:$0x4] =	stream.indirect.gather [hbm4b:s4+s11], $0x1, s13, s11, $0xb8;
	[tilespmem:$0x3000] =	vst v63  }
0x134: {  	s3 =	sshll.u32 s3, $0x1;
	s16 =	simm.s32 $0x280;
	s18 =	simm.s32 $0x1A80  }
0x135: {  	[tilespmem:s18], [sflag:$0x4] =	stream.indirect.gather [hbm4b:s4+s11], $0x1, s16, s11, $0xb8;
	[tilespmem:$0x3000] =	vst v63  }
0x136: {  	s3 =	sand.u32 $0x70, s3;
	s19 =	simm.s32 $0x300;
	s0 =	simm.s32 $0x1B00  }
0x137: {  	[tilespmem:s0], [sflag:$0x4] =	stream.indirect.gather [hbm4b:s4+s11], $0x1, s19, s11, $0xb8;
	[tilespmem:$0x3000] =	vst v63  }
0x138: {  	s3 =	sadd.s32 s5, s3;
	s6 =	simm.s32 $0x380;
	s9 =	simm.s32 $0x1B80  }
0x139: {  	[tilespmem:s9], [sflag:$0x4] =	stream.indirect.gather [hbm4b:s4+s11], $0x1, s6, s11, $0xb8;
	[tilespmem:$0x3000] =	vst v63  }
0x13a: {  	s14 =	smov.u32 s8;
	s31 =	smov.u32 s3;
	s13 =	simm.s32 $0x1C00  }
0x13b: {  	[tilespmem:s13], [sflag:$0x4] =	stream.indirect.gather [hbm4b:s4+s11], $0x1, s12, s11, $0xb8;
	[tilespmem:$0x3000] =	vst v63  }
0x13c: {  	s15 =	simm.s32 $0x480;
	s16 =	simm.s32 $0x1C80;
	s0 =	sadd.s32 $0xFFFFFFFB, s7  }
0x13d: {  	[tilespmem:s16], [sflag:$0x4] =	stream.indirect.gather [hbm4b:s4+s11], $0x1, s15, s11, $0xb8;
	[tilespmem:$0x3000] =	vst v63  }
0x13e: {  	s18 =	simm.s32 $0x500;
	s19 =	simm.s32 $0x1D00;
	s3 =	sshll.u32 s0, $0x1  }
0x13f: {  	[tilespmem:s19], [sflag:$0x4] =	stream.indirect.gather [hbm4b:s4+s11], $0x1, s18, s11, $0xb8;
	[tilespmem:$0x3000] =	vst v63  }
0x140: {  	s9 =	simm.s32 $0x580;
	s6 =	sshll.u32 s0, $0x8;
	s13 =	simm.s32 $0x1D80  }
0x141: {  	[tilespmem:s13], [sflag:$0x4] =	stream.indirect.gather [hbm4b:s4+s11], $0x1, s9, s11, $0xb8;
	[tilespmem:$0x3000] =	vst v63  }
0x142: {  	s3 =	sand.u32 $0x70, s3;
	s15 =	simm.s32 $0x600;
	s16 =	simm.s32 $0x1E00  }
0x143: {  	[tilespmem:s16], [sflag:$0x4] =	stream.indirect.gather [hbm4b:s4+s11], $0x1, s15, s11, $0xb8;
	[tilespmem:$0x3000] =	vst v63  }
0x144: {  	s0 =	sadd.s32 $0xFFFFFFFE, s7;
	s18 =	simm.s32 $0x680;
	s19 =	simm.s32 $0x1E80  }
0x145: {  	[tilespmem:s19], [sflag:$0x4] =	stream.indirect.gather [hbm4b:s4+s11], $0x1, s18, s11, $0xb8;
	[tilespmem:$0x3000] =	vst v63  }
0x146: {  	s3 =	sadd.s32 s5, s3;
	s15 =	simm.s32 $0x700;
	s16 =	simm.s32 $0x1F00  }
0x147: {  	[tilespmem:s16], [sflag:$0x4] =	stream.indirect.gather [hbm4b:s4+s11], $0x1, s15, s11, $0xb8;
	[tilespmem:$0x3000] =	vst v63  }
0x148: {  	s6 =	sand.u32 $0xFFFC000, s6;
	s18 =	simm.s32 $0x780;
	s19 =	simm.s32 $0x1F80  }
0x149: {  	[tilespmem:s19], [sflag:$0x4] =	stream.indirect.gather [hbm4b:s4+s11], $0x1, s18, s11, $0xb8;
	[tilespmem:$0x3000] =	vst v63  }
0x14a: {  	s3 =	sadd.s32 s6, s3;
	s9 =	sshll.u32 s0, $0x1;
	_ =	swait.ge [sflag:s23], $0x800  }
0x14b: {  	s13 =	sshll.u32 s0, $0x8;
	s9 =	sand.u32 $0x70, s9;
	s0 =	rddreg [dreg:$0x3]  }
0x14c: {  	s13 =	sand.u32 $0xFFFC000, s13;
	s9 =	sadd.s32 s2, s9;
	s6 =	sadd.s32 s14, s0  }
0x14d: {  	s9 =	sadd.s32 s13, s9;
	s15 =	simm.s32 $0x2000;
	s14 =	sadd.s32 $0x800, s6  }
0x14e: {  	[sflag:s23] =	ssyncset.done $0x0;
	s2 =	sadd.s32 $0x2000, s6;
	s14 =	sand.u32 $0x3800, s14  }
0x14f: {  	[sflag:s23] =	ssyncadd.s32 $0xFFFFF800;
	s3 =	sadd.s32 s14, s3;
	s14 =	sand.u32 $0x3800, s2  }
0x150: {  	[hbm4b:s3+s11] =	stream.strided.scatter [tilespmem:s15], [sflag:$0x8], $0x800, s12, s11, $0x38;
	[tilespmem:$0x3000] =	vst v63  }
0x151: {  	s2 =	simm.s32 $0x800;
	s19 =	sadd.s32 s14, s9  }
0x152: {  	[tilespmem:s2], [sflag:$0x2] =	stream.strided.gather [hbm4b:s19+s11], $0x800, s12, s11, $0x38;
	[tilespmem:$0x3000] =	vst v63  }
0x153: {  	_ =	swait.ge [sflag:s24], $0x800  }
0x154: {  	[sflag:s24] =	ssyncset.done $0x0  }
0x155: {  	[sflag:s24] =	ssyncadd.s32 $0xFFFFF800  }
0x156: {  	_ =	swait.ge [sflag:s1], $0x800  }
0x157: {  	[sflag:s1] =	ssyncset.done $0x0  }
0x158: {  	[sflag:s1] =	ssyncadd.s32 $0xFFFFF800  }
0x159: {  	[tilespmem:s15], [sflag:$0x5] =	stream.indirect.gather [hbm4b:s4+s11], $0x1, s2, s11, $0xb8;
	[tilespmem:$0x3000] =	vst v63  }
0x15a: {  	s13 =	simm.s32 $0x880;
	s14 =	simm.s32 $0x2080  }
0x15b: {  	[tilespmem:s14], [sflag:$0x5] =	stream.indirect.gather [hbm4b:s4+s11], $0x1, s13, s11, $0xb8;
	[tilespmem:$0x3000] =	vst v63  }
0x15c: {  	s0 =	sadd.s32 $0x1800, s6;
	s19 =	simm.s32 $0x2100;
	s15 =	simm.s32 $0x900  }
0x15d: {  	[tilespmem:s19], [sflag:$0x5] =	stream.indirect.gather [hbm4b:s4+s11], $0x1, s15, s11, $0xb8;
	[tilespmem:$0x3000] =	vst v63  }
0x15e: {  	s9 =	sand.u32 $0x3800, s0;
	s0 =	simm.s32 $0x980;
	s2 =	simm.s32 $0x2180  }
0x15f: {  	[tilespmem:s2], [sflag:$0x5] =	stream.indirect.gather [hbm4b:s4+s11], $0x1, s0, s11, $0xb8;
	[tilespmem:$0x3000] =	vst v63  }
0x160: {  	s13 =	simm.s32 $0xA00;
	s14 =	simm.s32 $0x2200  }
0x161: {  	[tilespmem:s14], [sflag:$0x5] =	stream.indirect.gather [hbm4b:s4+s11], $0x1, s13, s11, $0xb8;
	[tilespmem:$0x3000] =	vst v63  }
0x162: {  	p0 =	sne.s32 s8, $0x15000;
	s15 =	simm.s32 $0xA80;
	s19 =	simm.s32 $0x2280  }
0x163: {  	[tilespmem:s19], [sflag:$0x5] =	stream.indirect.gather [hbm4b:s4+s11], $0x1, s15, s11, $0xb8;
	[tilespmem:$0x3000] =	vst v63  }
0x164: {  	s8 =	sadd.s32 $0x1800, s8;
	s0 =	simm.s32 $0xB00;
	s2 =	simm.s32 $0x2300  }
0x165: {  	[tilespmem:s2], [sflag:$0x5] =	stream.indirect.gather [hbm4b:s4+s11], $0x1, s0, s11, $0xb8;
	[tilespmem:$0x3000] =	vst v63  }
.Ltmp0:
0x166: {  	s18 =	sadd.s32 $0x1000, s6;
	s16 =	sadd.s32 $0x2800, s6;
	(pc) =	sbr.rel @p0 .LBB2_2-.Ltmp0, $4  }
0x167: {  	s6 =	sadd.s32 $0x3000, s6;
	s13 =	simm.s32 $0xB80;
	s14 =	simm.s32 $0x2380  }
0x168: {  	[tilespmem:s14], [sflag:$0x5] =	stream.indirect.gather [hbm4b:s4+s11], $0x1, s13, s11, $0xb8;
	[tilespmem:$0x3000] =	vst v63  }
0x169: {  	s6 =	sand.u32 $0x3800, s6;
	s15 =	simm.s32 $0xC00;
	s19 =	simm.s32 $0x2400  }
0x16a: {  	[tilespmem:s19], [sflag:$0x5] =	stream.indirect.gather [hbm4b:s4+s11], $0x1, s15, s11, $0xb8;
	[tilespmem:$0x3000] =	vst v63  }
0x16b: {  	s0 =	simm.s32 $0xC80;
	s2 =	simm.s32 $0x2480  }
0x16c: {  	[tilespmem:s2], [sflag:$0x5] =	stream.indirect.gather [hbm4b:s4+s11], $0x1, s0, s11, $0xb8;
	[tilespmem:$0x3000] =	vst v63  }
0x16d: {  	s8 =	simm.s32 $0xD00;
	s13 =	simm.s32 $0x2500;
	s14 =	simm.s32 $0xD80  }
0x16e: {  	[tilespmem:s13], [sflag:$0x5] =	stream.indirect.gather [hbm4b:s4+s11], $0x1, s8, s11, $0xb8;
	[tilespmem:$0x3000] =	vst v63  }
0x16f: {  	s15 =	simm.s32 $0x2580;
	s19 =	simm.s32 $0xE00;
	s22 =	simm.s32 $0x2600  }
0x170: {  	[tilespmem:s15], [sflag:$0x5] =	stream.indirect.gather [hbm4b:s4+s11], $0x1, s14, s11, $0xb8;
	[tilespmem:$0x3000] =	vst v63  }
0x171: {  	s3 =	sadd.s32 $0xFFFFFFFC, s7;
	s0 =	simm.s32 $0x2780;
	s2 =	sand.u32 $0x3800, s18  }
0x172: {  	[tilespmem:s22], [sflag:$0x5] =	stream.indirect.gather [hbm4b:s4+s11], $0x1, s19, s11, $0xb8;
	[tilespmem:$0x3000] =	vst v63  }
0x173: {  	s18 =	simm.s32 $0x2800;
	s22 =	simm.s32 $0xE80;
	s19 =	simm.s32 $0x2680  }
0x174: {  	[tilespmem:s19], [sflag:$0x5] =	stream.indirect.gather [hbm4b:s4+s11], $0x1, s22, s11, $0xb8;
	[tilespmem:$0x3000] =	vst v63  }
0x175: {  	s8 =	sshll.u32 s3, $0x1;
	s15 =	simm.s32 $0xF00;
	s14 =	simm.s32 $0x2700  }
0x176: {  	[tilespmem:s14], [sflag:$0x5] =	stream.indirect.gather [hbm4b:s4+s11], $0x1, s15, s11, $0xb8;
	[tilespmem:$0x3000] =	vst v63  }
0x177: {  	s3 =	sshll.u32 s3, $0x8;
	s13 =	simm.s32 $0xF80;
	s8 =	sand.u32 $0x70, s8  }
0x178: {  	[tilespmem:s0], [sflag:$0x5] =	stream.indirect.gather [hbm4b:s4+s11], $0x1, s13, s11, $0xb8;
	[tilespmem:$0x3000] =	vst v63  }
0x179: {  	s3 =	sand.u32 $0xFFFC000, s3;
	s8 =	sadd.s32 s5, s8;
	_ =	swait.ge [sflag:s25], $0x800  }
0x17a: {  	s3 =	sadd.s32 s3, s8;
	s8 =	sadd.s32 $0xFFFFFFFF, s7;
	[sflag:s25] =	ssyncset.done $0x0  }
0x17b: {  	s3 =	sadd.s32 s2, s3;
	s2 =	sshll.u32 s8, $0x1;
	[sflag:s25] =	ssyncadd.s32 $0xFFFFF800  }
0x17c: {  	[hbm4b:s3+s11] =	stream.strided.scatter [tilespmem:s18], [sflag:$0x9], $0x800, s12, s11, $0x38;
	[tilespmem:$0x3000] =	vst v63  }
0x17d: {  	s7 =	sshll.u32 s8, $0x8;
	s3 =	sand.u32 $0x70, s2;
	s8 =	rddreg [dreg:$0x1]  }
0x17e: {  	s7 =	sand.u32 $0xFFFC000, s7;
	s3 =	sadd.s32 s8, s3  }
0x17f: {  	s16 =	sand.u32 $0x3800, s16;
	s3 =	sadd.s32 s7, s3  }
0x180: {  	s2 =	simm.s32 $0x1000;
	s3 =	sadd.s32 s16, s3  }
0x181: {  	[tilespmem:s2], [sflag:$0x3] =	stream.strided.gather [hbm4b:s3+s11], $0x800, s12, s11, $0x38;
	[tilespmem:$0x3000] =	vst v63  }
0x182: {  	_ =	swait.ge [sflag:s26], $0x800  }
0x183: {  	[sflag:s26] =	ssyncset.done $0x0  }
0x184: {  	[sflag:s26] =	ssyncadd.s32 $0xFFFFF800  }
0x185: {  	_ =	swait.ge [sflag:s10], $0x800  }
0x186: {  	[sflag:s10] =	ssyncset.done $0x0  }
0x187: {  	[sflag:s10] =	ssyncadd.s32 $0xFFFFF800  }
0x188: {  	[tilespmem:s18], [sflag:$0x6] =	stream.indirect.gather [hbm4b:s4+s11], $0x1, s2, s11, $0xb8;
	[tilespmem:$0x3000] =	vst v63  }
0x189: {  	s8 =	simm.s32 $0x1080;
	s16 =	simm.s32 $0x2880  }
0x18a: {  	[tilespmem:s16], [sflag:$0x6] =	stream.indirect.gather [hbm4b:s4+s11], $0x1, s8, s11, $0xb8;
	[tilespmem:$0x3000] =	vst v63  }
0x18b: {  	s7 =	simm.s32 $0x2900;
	s3 =	simm.s32 $0x1100  }
0x18c: {  	[tilespmem:s7], [sflag:$0x6] =	stream.indirect.gather [hbm4b:s4+s11], $0x1, s3, s11, $0xb8;
	[tilespmem:$0x3000] =	vst v63  }
0x18d: {  	s8 =	simm.s32 $0x1180;
	s16 =	simm.s32 $0x2980  }
0x18e: {  	[tilespmem:s16], [sflag:$0x6] =	stream.indirect.gather [hbm4b:s4+s11], $0x1, s8, s11, $0xb8;
	[tilespmem:$0x3000] =	vst v63  }
0x18f: {  	s3 =	simm.s32 $0x1200;
	s7 =	simm.s32 $0x2A00  }
0x190: {  	[tilespmem:s7], [sflag:$0x6] =	stream.indirect.gather [hbm4b:s4+s11], $0x1, s3, s11, $0xb8;
	[tilespmem:$0x3000] =	vst v63  }
0x191: {  	s8 =	simm.s32 $0x1280;
	s16 =	simm.s32 $0x2A80  }
0x192: {  	[tilespmem:s16], [sflag:$0x6] =	stream.indirect.gather [hbm4b:s4+s11], $0x1, s8, s11, $0xb8;
	[tilespmem:$0x3000] =	vst v63  }
0x193: {  	s3 =	simm.s32 $0x1300;
	s7 =	simm.s32 $0x2B00  }
0x194: {  	[tilespmem:s7], [sflag:$0x6] =	stream.indirect.gather [hbm4b:s4+s11], $0x1, s3, s11, $0xb8;
	[tilespmem:$0x3000] =	vst v63  }
0x195: {  	s8 =	simm.s32 $0x1380;
	s16 =	simm.s32 $0x2B80  }
0x196: {  	[tilespmem:s16], [sflag:$0x6] =	stream.indirect.gather [hbm4b:s4+s11], $0x1, s8, s11, $0xb8;
	[tilespmem:$0x3000] =	vst v63  }
0x197: {  	s3 =	simm.s32 $0x1400;
	s7 =	simm.s32 $0x2C00  }
0x198: {  	[tilespmem:s7], [sflag:$0x6] =	stream.indirect.gather [hbm4b:s4+s11], $0x1, s3, s11, $0xb8;
	[tilespmem:$0x3000] =	vst v63  }
0x199: {  	s8 =	simm.s32 $0x1480;
	s16 =	simm.s32 $0x2C80  }
0x19a: {  	[tilespmem:s16], [sflag:$0x6] =	stream.indirect.gather [hbm4b:s4+s11], $0x1, s8, s11, $0xb8;
	[tilespmem:$0x3000] =	vst v63  }
0x19b: {  	s3 =	simm.s32 $0x1500;
	s7 =	simm.s32 $0x2D00  }
0x19c: {  	[tilespmem:s7], [sflag:$0x6] =	stream.indirect.gather [hbm4b:s4+s11], $0x1, s3, s11, $0xb8;
	[tilespmem:$0x3000] =	vst v63  }
0x19d: {  	s8 =	simm.s32 $0x1580;
	s16 =	simm.s32 $0x2D80  }
0x19e: {  	[tilespmem:s16], [sflag:$0x6] =	stream.indirect.gather [hbm4b:s4+s11], $0x1, s8, s11, $0xb8;
	[tilespmem:$0x3000] =	vst v63  }
0x19f: {  	s3 =	simm.s32 $0x1600;
	s7 =	simm.s32 $0x2E00  }
0x1a0: {  	[tilespmem:s7], [sflag:$0x6] =	stream.indirect.gather [hbm4b:s4+s11], $0x1, s3, s11, $0xb8;
	[tilespmem:$0x3000] =	vst v63  }
0x1a1: {  	s8 =	simm.s32 $0x1680;
	s16 =	simm.s32 $0x2E80  }
0x1a2: {  	[tilespmem:s16], [sflag:$0x6] =	stream.indirect.gather [hbm4b:s4+s11], $0x1, s8, s11, $0xb8;
	[tilespmem:$0x3000] =	vst v63  }
0x1a3: {  	s3 =	simm.s32 $0x1700;
	s7 =	simm.s32 $0x2F00  }
0x1a4: {  	[tilespmem:s7], [sflag:$0x6] =	stream.indirect.gather [hbm4b:s4+s11], $0x1, s3, s11, $0xb8;
	[tilespmem:$0x3000] =	vst v63  }
0x1a5: {  	s8 =	simm.s32 $0x1780;
	s16 =	simm.s32 $0x2F80;
	s7 =	sand.u32 $0xFFFC000, s28  }
0x1a6: {  	[tilespmem:s16], [sflag:$0x6] =	stream.indirect.gather [hbm4b:s4+s11], $0x1, s8, s11, $0xb8;
	[tilespmem:$0x3000] =	vst v63  }
0x1a7: {  	s3 =	sadd.s32 s7, s31;
	_ =	swait.ge [sflag:s20], $0x800  }
0x1a8: {  	s8 =	sand.u32 $0xFFFC000, s29;
	s3 =	sadd.s32 s9, s3;
	[sflag:s20] =	ssyncset.done $0x0  }
0x1a9: {  	s7 =	sadd.s32 s8, s30;
	s8 =	simm.s32 $0x1800;
	[sflag:s20] =	ssyncadd.s32 $0xFFFFF800  }
0x1aa: {  	[hbm4b:s3+s11] =	stream.strided.scatter [tilespmem:s8], [sflag:$0x7], $0x800, s12, s11, $0x38;
	[tilespmem:$0x3000] =	vst v63  }
0x1ab: {  	s16 =	simm.s32 $0x0;
	s9 =	sadd.s32 s6, s7  }
0x1ac: {  	[tilespmem:s16], [sflag:$0x1] =	stream.strided.gather [hbm4b:s9+s11], $0x800, s12, s11, $0x38;
	[tilespmem:$0x3000] =	vst v63  }
0x1ad: {  	_ =	swait.ge [sflag:s21], $0x800  }
0x1ae: {  	[sflag:s21] =	ssyncset.done $0x0  }
0x1af: {  	[sflag:s21] =	ssyncadd.s32 $0xFFFFF800  }
0x1b0: {  	_ =	swait.ge [sflag:s17], $0x800  }
0x1b1: {  	[sflag:s17] =	ssyncset.done $0x0  }
0x1b2: {  	[sflag:s17] =	ssyncadd.s32 $0xFFFFF800  }
0x1b3: {  	[tilespmem:s8], [sflag:$0x4] =	stream.indirect.gather [hbm4b:s4+s11], $0x1, s16, s11, $0xb8;
	[tilespmem:$0x3000] =	vst v63  }
0x1b4: {  	s28 =	simm.s32 $0x1880  }
0x1b5: {  	[tilespmem:s28], [sflag:$0x4] =	stream.indirect.gather [hbm4b:s4+s11], $0x1, s11, s11, $0xb8;
	[tilespmem:$0x3000] =	vst v63  }
0x1b6: {  	s29 =	simm.s32 $0x100;
	s30 =	simm.s32 $0x1900  }
0x1b7: {  	[tilespmem:s30], [sflag:$0x4] =	stream.indirect.gather [hbm4b:s4+s11], $0x1, s29, s11, $0xb8;
	[tilespmem:$0x3000] =	vst v63  }
0x1b8: {  	s2 =	simm.s32 $0x1980;
	s31 =	simm.s32 $0x180  }
0x1b9: {  	[tilespmem:s2], [sflag:$0x4] =	stream.indirect.gather [hbm4b:s4+s11], $0x1, s31, s11, $0xb8;
	[tilespmem:$0x3000] =	vst v63  }
0x1ba: {  	s7 =	simm.s32 $0x200;
	s9 =	simm.s32 $0x1A00  }
0x1bb: {  	[tilespmem:s9], [sflag:$0x4] =	stream.indirect.gather [hbm4b:s4+s11], $0x1, s7, s11, $0xb8;
	[tilespmem:$0x3000] =	vst v63  }
0x1bc: {  	s16 =	simm.s32 $0x280;
	s28 =	simm.s32 $0x1A80  }
0x1bd: {  	[tilespmem:s28], [sflag:$0x4] =	stream.indirect.gather [hbm4b:s4+s11], $0x1, s16, s11, $0xb8;
	[tilespmem:$0x3000] =	vst v63  }
0x1be: {  	s29 =	simm.s32 $0x300;
	s30 =	simm.s32 $0x1B00  }
0x1bf: {  	[tilespmem:s30], [sflag:$0x4] =	stream.indirect.gather [hbm4b:s4+s11], $0x1, s29, s11, $0xb8;
	[tilespmem:$0x3000] =	vst v63  }
0x1c0: {  	s31 =	simm.s32 $0x380;
	s2 =	simm.s32 $0x1B80  }
0x1c1: {  	[tilespmem:s2], [sflag:$0x4] =	stream.indirect.gather [hbm4b:s4+s11], $0x1, s31, s11, $0xb8;
	[tilespmem:$0x3000] =	vst v63  }
0x1c2: {  	s6 =	simm.s32 $0x1C00  }
0x1c3: {  	[tilespmem:s6], [sflag:$0x4] =	stream.indirect.gather [hbm4b:s4+s11], $0x1, s12, s11, $0xb8;
	[tilespmem:$0x3000] =	vst v63  }
0x1c4: {  	s7 =	simm.s32 $0x480;
	s9 =	simm.s32 $0x1C80  }
0x1c5: {  	[tilespmem:s9], [sflag:$0x4] =	stream.indirect.gather [hbm4b:s4+s11], $0x1, s7, s11, $0xb8;
	[tilespmem:$0x3000] =	vst v63  }
0x1c6: {  	s16 =	simm.s32 $0x500;
	s28 =	simm.s32 $0x1D00  }
0x1c7: {  	[tilespmem:s28], [sflag:$0x4] =	stream.indirect.gather [hbm4b:s4+s11], $0x1, s16, s11, $0xb8;
	[tilespmem:$0x3000] =	vst v63  }
0x1c8: {  	s29 =	simm.s32 $0x580;
	s30 =	simm.s32 $0x1D80  }
0x1c9: {  	[tilespmem:s30], [sflag:$0x4] =	stream.indirect.gather [hbm4b:s4+s11], $0x1, s29, s11, $0xb8;
	[tilespmem:$0x3000] =	vst v63  }
0x1ca: {  	s31 =	simm.s32 $0x600;
	s2 =	simm.s32 $0x1E00  }
0x1cb: {  	[tilespmem:s2], [sflag:$0x4] =	stream.indirect.gather [hbm4b:s4+s11], $0x1, s31, s11, $0xb8;
	[tilespmem:$0x3000] =	vst v63  }
0x1cc: {  	s7 =	simm.s32 $0x680;
	s9 =	simm.s32 $0x1E80  }
0x1cd: {  	[tilespmem:s9], [sflag:$0x4] =	stream.indirect.gather [hbm4b:s4+s11], $0x1, s7, s11, $0xb8;
	[tilespmem:$0x3000] =	vst v63  }
0x1ce: {  	s16 =	simm.s32 $0x700;
	s28 =	simm.s32 $0x1F00  }
0x1cf: {  	[tilespmem:s28], [sflag:$0x4] =	stream.indirect.gather [hbm4b:s4+s11], $0x1, s16, s11, $0xb8;
	[tilespmem:$0x3000] =	vst v63  }
0x1d0: {  	s29 =	simm.s32 $0x780;
	s30 =	simm.s32 $0x1F80  }
0x1d1: {  	[tilespmem:s30], [sflag:$0x4] =	stream.indirect.gather [hbm4b:s4+s11], $0x1, s29, s11, $0xb8;
	[tilespmem:$0x3000] =	vst v63  }
0x1d2: {  	_ =	swait.ge [sflag:s23], $0x800  }
0x1d3: {  	[sflag:s23] =	ssyncset.done $0x0  }
0x1d4: {  	s7 =	simm.s32 $0x2000;
	s31 =	rddreg [dreg:$0xa];
	[sflag:s23] =	ssyncadd.s32 $0xFFFFF800  }
0x1d5: {  	[hbm4b:s31+s11] =	stream.strided.scatter [tilespmem:s7], [sflag:$0x8], $0x800, s12, s11, $0x38;
	[tilespmem:$0x3000] =	vst v63  }
0x1d6: {  	s2 =	simm.s32 $0x800;
	s9 =	rddreg [dreg:$0xe]  }
0x1d7: {  	[tilespmem:s2], [sflag:$0x2] =	stream.strided.gather [hbm4b:s9+s11], $0x800, s12, s11, $0x38;
	[tilespmem:$0x3000] =	vst v63  }
0x1d8: {  	_ =	swait.ge [sflag:s24], $0x800  }
0x1d9: {  	[sflag:s24] =	ssyncset.done $0x0  }
0x1da: {  	[sflag:s24] =	ssyncadd.s32 $0xFFFFF800  }
0x1db: {  	_ =	swait.ge [sflag:s1], $0x800  }
0x1dc: {  	[sflag:s1] =	ssyncset.done $0x0  }
0x1dd: {  	[sflag:s1] =	ssyncadd.s32 $0xFFFFF800  }
0x1de: {  	[tilespmem:s7], [sflag:$0x5] =	stream.indirect.gather [hbm4b:s4+s11], $0x1, s2, s11, $0xb8;
	[tilespmem:$0x3000] =	vst v63  }
0x1df: {  	s16 =	simm.s32 $0x880;
	s28 =	simm.s32 $0x2080  }
0x1e0: {  	[tilespmem:s28], [sflag:$0x5] =	stream.indirect.gather [hbm4b:s4+s11], $0x1, s16, s11, $0xb8;
	[tilespmem:$0x3000] =	vst v63  }
0x1e1: {  	s29 =	simm.s32 $0x900;
	s30 =	simm.s32 $0x2100  }
0x1e2: {  	[tilespmem:s30], [sflag:$0x5] =	stream.indirect.gather [hbm4b:s4+s11], $0x1, s29, s11, $0xb8;
	[tilespmem:$0x3000] =	vst v63  }
0x1e3: {  	s31 =	simm.s32 $0x980;
	s2 =	simm.s32 $0x2180  }
0x1e4: {  	[tilespmem:s2], [sflag:$0x5] =	stream.indirect.gather [hbm4b:s4+s11], $0x1, s31, s11, $0xb8;
	[tilespmem:$0x3000] =	vst v63  }
0x1e5: {  	s6 =	simm.s32 $0xA00;
	s9 =	simm.s32 $0x2200  }
0x1e6: {  	[tilespmem:s9], [sflag:$0x5] =	stream.indirect.gather [hbm4b:s4+s11], $0x1, s6, s11, $0xb8;
	[tilespmem:$0x3000] =	vst v63  }
0x1e7: {  	s16 =	simm.s32 $0xA80;
	s28 =	simm.s32 $0x2280  }
0x1e8: {  	[tilespmem:s28], [sflag:$0x5] =	stream.indirect.gather [hbm4b:s4+s11], $0x1, s16, s11, $0xb8;
	[tilespmem:$0x3000] =	vst v63  }
0x1e9: {  	s29 =	simm.s32 $0xB00;
	s30 =	simm.s32 $0x2300  }
0x1ea: {  	[tilespmem:s30], [sflag:$0x5] =	stream.indirect.gather [hbm4b:s4+s11], $0x1, s29, s11, $0xb8;
	[tilespmem:$0x3000] =	vst v63  }
0x1eb: {  	s31 =	simm.s32 $0xB80;
	s2 =	simm.s32 $0x2380  }
0x1ec: {  	[tilespmem:s2], [sflag:$0x5] =	stream.indirect.gather [hbm4b:s4+s11], $0x1, s31, s11, $0xb8;
	[tilespmem:$0x3000] =	vst v63  }
0x1ed: {  	s9 =	simm.s32 $0xC00;
	s16 =	simm.s32 $0x2400  }
0x1ee: {  	[tilespmem:s16], [sflag:$0x5] =	stream.indirect.gather [hbm4b:s4+s11], $0x1, s9, s11, $0xb8;
	[tilespmem:$0x3000] =	vst v63  }
0x1ef: {  	s28 =	simm.s32 $0xC80;
	s29 =	simm.s32 $0x2480  }
0x1f0: {  	[tilespmem:s29], [sflag:$0x5] =	stream.indirect.gather [hbm4b:s4+s11], $0x1, s28, s11, $0xb8;
	[tilespmem:$0x3000] =	vst v63  }
0x1f1: {  	s30 =	simm.s32 $0xD00;
	s31 =	simm.s32 $0x2500  }
0x1f2: {  	[tilespmem:s31], [sflag:$0x5] =	stream.indirect.gather [hbm4b:s4+s11], $0x1, s30, s11, $0xb8;
	[tilespmem:$0x3000] =	vst v63  }
0x1f3: {  	s3 =	simm.s32 $0xD80;
	s6 =	simm.s32 $0x2580  }
0x1f4: {  	[tilespmem:s6], [sflag:$0x5] =	stream.indirect.gather [hbm4b:s4+s11], $0x1, s3, s11, $0xb8;
	[tilespmem:$0x3000] =	vst v63  }
0x1f5: {  	s9 =	simm.s32 $0xE00;
	s16 =	simm.s32 $0x2600  }
0x1f6: {  	[tilespmem:s16], [sflag:$0x5] =	stream.indirect.gather [hbm4b:s4+s11], $0x1, s9, s11, $0xb8;
	[tilespmem:$0x3000] =	vst v63  }
0x1f7: {  	_ = 	snop  }
0x1f8: {  	[tilespmem:s19], [sflag:$0x5] =	stream.indirect.gather [hbm4b:s4+s11], $0x1, s22, s11, $0xb8;
	[tilespmem:$0x3000] =	vst v63  }
0x1f9: {  	_ = 	snop  }
0x1fa: {  	[tilespmem:s14], [sflag:$0x5] =	stream.indirect.gather [hbm4b:s4+s11], $0x1, s15, s11, $0xb8;
	[tilespmem:$0x3000] =	vst v63  }
0x1fb: {  	_ = 	snop  }
0x1fc: {  	[tilespmem:s0], [sflag:$0x5] =	stream.indirect.gather [hbm4b:s4+s11], $0x1, s13, s11, $0xb8;
	[tilespmem:$0x3000] =	vst v63  }
0x1fd: {  	_ =	swait.ge [sflag:s25], $0x800  }
0x1fe: {  	[sflag:s25] =	ssyncset.done $0x0  }
0x1ff: {  	s19 =	rddreg [dreg:$0xb];
	[sflag:s25] =	ssyncadd.s32 $0xFFFFF800  }
0x200: {  	[hbm4b:s19+s11] =	stream.strided.scatter [tilespmem:s18], [sflag:$0x9], $0x800, s12, s11, $0x38;
	[tilespmem:$0x3000] =	vst v63  }
0x201: {  	_ =	swait.ge [sflag:s26], $0x800  }
0x202: {  	[sflag:s26] =	ssyncset.done $0x0  }
0x203: {  	[sflag:s26] =	ssyncadd.s32 $0xFFFFF800  }
0x204: {  	_ =	swait.ge [sflag:s20], $0x800  }
0x205: {  	[sflag:s20] =	ssyncset.done $0x0  }
0x206: {  	s28 =	rddreg [dreg:$0xd];
	[sflag:s20] =	ssyncadd.s32 $0xFFFFF800  }
0x207: {  	[hbm4b:s28+s11] =	stream.strided.scatter [tilespmem:s8], [sflag:$0x7], $0x800, s12, s11, $0x38;
	[tilespmem:$0x3000] =	vst v63  }
0x208: {  	_ =	swait.ge [sflag:s23], $0x800  }
0x209: {  	[sflag:s23] =	ssyncset.done $0x0  }
0x20a: {  	s29 =	rddreg [dreg:$0xf];
	[sflag:s23] =	ssyncadd.s32 $0xFFFFF800  }
0x20b: {  	[hbm4b:s29+s11] =	stream.strided.scatter [tilespmem:s7], [sflag:$0x8], $0x800, s12, s11, $0x38;
	[tilespmem:$0x3000] =	vst v63  }
0x20c: {  	_ =	swait.ge [sflag:s21], $0x800  }
0x20d: {  	[sflag:s21] =	ssyncset.done $0x0  }
0x20e: {  	[sflag:s21] =	ssyncadd.s32 $0xFFFFF800  }
0x20f: {  	_ =	swait.ge [sflag:s24], $0x800  }
0x210: {  	s30 =	rddreg [dreg:$0x10]  }
0x211: {  	s31 =	rddreg [dreg:$0x7];
	s0 =	sadd.s32 $0x1, s30  }
0x212: {  	p0 =	sne.s32 s0, s31  }
.Ltmp1:
0x213: {  	_ = 	snop;
	(pc) =	sbr.rel @p0 .LBB2_1-.Ltmp1, $3  }
0x214: {  	_ =	sdelay $0x1  }
0x215: {  	[sflag:s24] =	ssyncset.done $0x0  }
0x216: {  	s22 =	simm.s32 $0x2780;
	s14 =	simm.s32 $0x2800;
	[sflag:s24] =	ssyncadd.s32 $0xFFFFF800  }
0x217: {  	_ =	sfence.sel $0x180000  }
0x218: {  	[bflag:$0x0] =	sbarrier.arrive $0xFFFF  }
0x219: {  	_ =	strace $0x90000047  }
0x21a: {  	s0 =	stileid.u32;
	[bflag:$0x2] =	sbarrier.arrive $0xFFFF  }
0x21b: {  	p0 =	sne.s32 s0, $0x0;
	s0 =	rddreg [dreg:$0x2]  }
0x21c: {  	s0 =	sadd.s32 @!p0 $0x100000, s0  }
0x21d: {  	[sflag:s0] =	ssyncadd.tile.s32 @!p0 $0x1;
	_ =	shalt  }
.Lfunc_end2:
_tile_overlayer_lowered:
.L_overlay_start_2:
0x21e: {  	(tag) =	ssettag $0x2  }
0x21f: {  	s0 =	rddreg [dreg:$0x0];
	s2 =	stileid.u32  }
0x220: {  	s1 =	rddreg [dreg:$0x1];
	p0 =	sne.s32 s2, $0x0  }
0x221: {  	s3 =	rddreg [dreg:$0x2];
	[bflag:$0x3] =	sbarrier.arrive $0xFFFF;
	s2 =	simm.s32 @!p0 $0x1C0A  }
0x222: {  	[timem:s3], [sflag:s2] =	dma.local @!p0 [hbm:s0], s1  }
0x223: {  	s0 =	simm.s32 @!p0 $0xA  }
0x224: {  	_ =	swait.ge @!p0 [sflag:s0], s1  }
0x225: {  	s1 =	ssub.s32 @!p0 $0x0, s1;
	[sflag:s0] =	ssyncset.done @!p0 $0x0  }
0x226: {  	[sflag:s0] =	ssyncadd.s32 @!p0 s1  }
0x227: {  	[bflag:$0x3] =	sbarrier.arrive $0xFFFF  }
0x228: {  	_ =	shalt  }

</sc_bundles>
